<compile_context>
chip_gen: v7x
topology: tpu7x:2x2x1
jax: 0.10.2.dev20260603
libtpu: 0.0.44.dev20260713+nightly
codegen_flags: <defaults>
</compile_context>

<pallas_src>
import jax
import jax.numpy as jnp
from jax import lax
from jax.experimental import pallas as pl
from jax.experimental.pallas import tpu as pltpu
from jax.experimental.pallas import tpu_sc as plsc

N = 10000
E = 160000
D = 256
Q = 64
NS = 16
EPT = E // NS
K = 40
NCH = EPT // K
NPAD = 10240
RPT = NPAD // NS
BM = 1000

_f32 = jnp.float32
_row2 = lambda i: (i, 0)
_fix2 = lambda i: (0, 0)



def _dotT(a, w):
    return lax.dot_general(a, w, (((1,), (1,)), ((), ())),
                           preferred_element_type=jnp.float32)


def _split_q(y, refs):
    for q, ref in enumerate(refs):
        ref[...] = y[:, q * Q:(q + 1) * Q]


def _mm_first_body(x_ref, wl_ref, wr_ref, bl_ref,
                   y0_ref, y1_ref, y2_ref, y3_ref, z_ref):
    xb = x_ref[...]
    _split_q(_dotT(xb, wl_ref[...]), (y0_ref, y1_ref, y2_ref, y3_ref))
    z_ref[...] = _dotT(xb, wr_ref[...]) + bl_ref[...]


def _agg_h(a_refs, cnt_ref, z_ref):
    inv = 1.0 / jnp.maximum(cnt_ref[...], 1.0)
    agg = jnp.concatenate([a[...] for a in a_refs], axis=1) * inv
    return jnp.maximum(agg + z_ref[...], 0.0)


def _mm_mid_body(a0, a1, a2, a3, cnt_ref, z_ref, wl_ref, wr_ref, bl_ref,
                 y0_ref, y1_ref, y2_ref, y3_ref, z2_ref):
    h = _agg_h((a0, a1, a2, a3), cnt_ref, z_ref)
    _split_q(_dotT(h, wl_ref[...]), (y0_ref, y1_ref, y2_ref, y3_ref))
    z2_ref[...] = _dotT(h, wr_ref[...]) + bl_ref[...]


def _mm_out_body(a0, a1, a2, a3, cnt_ref, z_ref, wo_ref, bo_ref, out_ref):
    h = _agg_h((a0, a1, a2, a3), cnt_ref, z_ref)
    out_ref[...] = jnp.sum(h * wo_ref[...], axis=1, keepdims=True) + bo_ref[0, 0]


def _mm_first(x, wl, wr, bl):
    return pl.pallas_call(
        _mm_first_body,
        grid=(N // BM,),
        in_specs=[
            pl.BlockSpec((BM, D), _row2),
            pl.BlockSpec((D, D), _fix2),
            pl.BlockSpec((D, D), _fix2),
            pl.BlockSpec((1, D), _fix2),
        ],
        out_specs=[pl.BlockSpec((BM, Q), _row2)] * 4
        + [pl.BlockSpec((BM, D), _row2)],
        out_shape=[jax.ShapeDtypeStruct((N, Q), _f32)] * 4
        + [jax.ShapeDtypeStruct((N, D), _f32)],
    )(x, wl, wr, bl)


def _mm_mid(aggs, cnt2d, z, wl, wr, bl):
    return pl.pallas_call(
        _mm_mid_body,
        grid=(N // BM,),
        in_specs=[pl.BlockSpec((BM, Q), _row2)] * 4 + [
            pl.BlockSpec((BM, 1), _row2),
            pl.BlockSpec((BM, D), _row2),
            pl.BlockSpec((D, D), _fix2),
            pl.BlockSpec((D, D), _fix2),
            pl.BlockSpec((1, D), _fix2),
        ],
        out_specs=[pl.BlockSpec((BM, Q), _row2)] * 4
        + [pl.BlockSpec((BM, D), _row2)],
        out_shape=[jax.ShapeDtypeStruct((N, Q), _f32)] * 4
        + [jax.ShapeDtypeStruct((N, D), _f32)],
    )(*aggs, cnt2d, z, wl, wr, bl)


def _mm_out(aggs, cnt2d, z, wo, bo):
    return pl.pallas_call(
        _mm_out_body,
        grid=(N // BM,),
        in_specs=[pl.BlockSpec((BM, Q), _row2)] * 4 + [
            pl.BlockSpec((BM, 1), _row2),
            pl.BlockSpec((BM, D), _row2),
            pl.BlockSpec((1, D), _fix2),
            pl.BlockSpec((1, D), _fix2),
        ],
        out_specs=[pl.BlockSpec((BM, 1), _row2)],
        out_shape=[jax.ShapeDtypeStruct((N, 1), _f32)],
    )(*aggs, cnt2d, z, wo, bo)



def _sc_body(compute_cnt, y0_hbm, y1_hbm, y2_hbm, y3_hbm, src_hbm, dst_hbm,
             o0, o1, o2, o3, cnt_hbm,
             src_v, dst_v, gbuf0, gbuf1, zbuf, zc, ones_v,
             acc_sh, cnt_sh, sem0, sem1):
    cid = lax.axis_index("c")
    sid = lax.axis_index("s")
    z16 = jnp.zeros((16,), _f32)

    @pl.loop(0, zbuf.shape[0])
    def _(r):
        for c in range(Q // 16):
            zbuf[r, pl.ds(c * 16, 16)] = z16

    def _zero_acc():
        zr = zbuf.shape[0]
        for j in range(RPT // zr):
            pltpu.sync_copy(zbuf, acc_sh.at[pl.ds(sid * RPT + j * zr, zr)])

    _zero_acc()

    if compute_cnt:
        @pl.loop(0, zc.shape[0])
        def _(r):
            zc[r, :] = z16

        @pl.loop(0, K)
        def _(r):
            ones_v[r, :] = z16 + 1.0

        @pl.when(cid == 0)
        def _():
            zr = zc.shape[0]
            for j in range(RPT // zr):
                pltpu.sync_copy(zc, cnt_sh.at[pl.ds(sid * RPT + j * zr, zr)])

    pltpu.sync_copy(src_hbm.at[sid], src_v)
    pltpu.sync_copy(dst_hbm.at[sid], dst_v)

    plsc.subcore_barrier()

    def _run(tbl, do_cnt):
        pltpu.async_copy(tbl.at[src_v.at[0]], gbuf0, sem0)

        def _scatter(g, j):
            pltpu.sync_copy(g, acc_sh.at[dst_v.at[j]], add=True)
            if do_cnt:
                pltpu.sync_copy(ones_v, cnt_sh.at[dst_v.at[j]], add=True)

        @pl.loop(0, NCH // 2)
        def _(t):
            j = 2 * t
            pltpu.async_copy(tbl.at[src_v.at[j + 1]], gbuf1, sem1)
            pltpu.make_async_copy(tbl.at[src_v.at[j]], gbuf0, sem0).wait()
            _scatter(gbuf0, j)

            @pl.when(t < NCH // 2 - 1)
            def _():
                pltpu.async_copy(tbl.at[src_v.at[j + 2]], gbuf0, sem0)

            pltpu.make_async_copy(tbl.at[src_v.at[j + 1]], gbuf1, sem1).wait()
            _scatter(gbuf1, j + 1)

    @pl.when(cid == 0)
    def _():
        _run(y0_hbm, compute_cnt)

    @pl.when(cid == 1)
    def _():
        _run(y2_hbm, False)

    plsc.subcore_barrier()

    @pl.when(cid == 0)
    def _():
        pltpu.sync_copy(acc_sh.at[pl.ds(sid * RPT, RPT)], o0.at[sid])

    @pl.when(cid == 1)
    def _():
        pltpu.sync_copy(acc_sh.at[pl.ds(sid * RPT, RPT)], o2.at[sid])

    if compute_cnt:
        @pl.when(cid == 0)
        def _():
            pltpu.sync_copy(cnt_sh.at[pl.ds(sid * RPT, RPT)], cnt_hbm.at[sid])

    _zero_acc()
    plsc.subcore_barrier()

    @pl.when(cid == 0)
    def _():
        _run(y1_hbm, False)

    @pl.when(cid == 1)
    def _():
        _run(y3_hbm, False)

    plsc.subcore_barrier()

    @pl.when(cid == 0)
    def _():
        pltpu.sync_copy(acc_sh.at[pl.ds(sid * RPT, RPT)], o1.at[sid])

    @pl.when(cid == 1)
    def _():
        pltpu.sync_copy(acc_sh.at[pl.ds(sid * RPT, RPT)], o3.at[sid])


def _make_sc(compute_cnt):
    mesh = plsc.VectorSubcoreMesh(core_axis_name="c", subcore_axis_name="s")
    out_type = [jax.ShapeDtypeStruct((NS, RPT, Q), _f32)] * 4
    if compute_cnt:
        out_type.append(jax.ShapeDtypeStruct((NS, RPT, 16), _f32))
    scratch = [
        pltpu.VMEM((NCH, K), jnp.int32),
        pltpu.VMEM((NCH, K), jnp.int32),
        pltpu.VMEM((K, Q), _f32),
        pltpu.VMEM((K, Q), _f32),
        pltpu.VMEM((128, Q), _f32),
        pltpu.VMEM((128, 16), _f32),
        pltpu.VMEM((K, 16), _f32),
        pltpu.VMEM_SHARED((NPAD, Q), _f32),
        pltpu.VMEM_SHARED((NPAD, 16), _f32),
        pltpu.SemaphoreType.DMA,
        pltpu.SemaphoreType.DMA,
    ]

    if compute_cnt:
        def body(y0, y1, y2, y3, src3, dst3, o0, o1, o2, o3, cnt, *scr):
            _sc_body(True, y0, y1, y2, y3, src3, dst3,
                     o0, o1, o2, o3, cnt, *scr)
    else:
        def body(y0, y1, y2, y3, src3, dst3, o0, o1, o2, o3, *scr):
            _sc_body(False, y0, y1, y2, y3, src3, dst3,
                     o0, o1, o2, o3, None, *scr)

    return pl.kernel(body, out_type=out_type, mesh=mesh, scratch_types=scratch,
                     compiler_params=pltpu.CompilerParams(
                         use_tc_tiling_on_sc=False))



def _trim(a):
    return a.reshape(NPAD, Q)[:N]


def kernel(x, edge_index, W_l1, b_l1, W_r1, W_l2, b_l2, W_r2, W_out, b_out):
    ei = edge_index.astype(jnp.int32)
    src3 = ei[0].reshape(NS, NCH, K)
    dst3 = ei[1].reshape(NS, NCH, K)
    bl1 = b_l1.reshape(1, D)
    bl2 = b_l2.reshape(1, D)
    bo = jnp.broadcast_to(b_out.reshape(1, 1), (1, D))

    sc_first = _make_sc(True)
    sc_second = _make_sc(False)

    y0, y1, y2, y3, z1 = _mm_first(x, W_l1, W_r1, bl1)
    a0, a1, a2, a3, cnt = sc_first(y0, y1, y2, y3, src3, dst3)
    aggs1 = [_trim(a) for a in (a0, a1, a2, a3)]
    cnt2d = cnt.reshape(NPAD, 16)[:N, 0:1]
    u0, u1, u2, u3, z2 = _mm_mid(aggs1, cnt2d, z1, W_l2, W_r2, bl2)
    b0, b1, b2, b3 = sc_second(u0, u1, u2, u3, src3, dst3)
    aggs2 = [_trim(b) for b in (b0, b1, b2, b3)]
    (logits,) = _mm_out(aggs2, cnt2d, z2, W_out, bo)
    return logits.reshape(N)

# --- scband reference (transcript-rebuilt; emitter-appended) ---
"""Pipeline reference for scband-graph-sage-8787503087955 (READ-ONLY COPY).

The authoritative reference and input builder live on the scoring server;
editing this copy changes nothing except your own understanding.
"""

import jax, jax.numpy as jnp
import numpy as np

N = 10000
E = 160000
D = 256
H = 256


def sage_conv(x, edge_index, W_l, b_l, W_r):
    # PyG-style SAGEConv with mean aggregation:
    # out = lin_l(mean_{j in N(i)} x_j) + lin_r(x_i)
    src = edge_index[0]
    dst = edge_index[1]
    msgs = x[src]
    agg = jax.ops.segment_sum(msgs, dst, num_segments=x.shape[0])
    cnt = jax.ops.segment_sum(jnp.ones((edge_index.shape[1],), dtype=x.dtype), dst, num_segments=x.shape[0])
    agg = agg / jnp.maximum(cnt, 1.0)[:, None]
    return agg @ W_l.T + b_l + x @ W_r.T


def setup_inputs(seed: int = 0) -> dict:
    key = jax.random.key(seed)
    ks = [jax.random.fold_in(key, i) for i in range(10)]
    x = jax.random.normal(ks[0], (N, D), dtype=jnp.float32)
    edge_index = jax.random.randint(ks[1], (2, E), 0, N, dtype=jnp.int64)
    s1 = 1.0 / np.sqrt(D)
    s2 = 1.0 / np.sqrt(H)
    W_l1 = jax.random.uniform(ks[2], (H, D), jnp.float32, -s1, s1)
    b_l1 = jnp.zeros((H,), jnp.float32)
    W_r1 = jax.random.uniform(ks[3], (H, D), jnp.float32, -s1, s1)
    W_l2 = jax.random.uniform(ks[4], (H, H), jnp.float32, -s2, s2)
    b_l2 = jnp.zeros((H,), jnp.float32)
    W_r2 = jax.random.uniform(ks[5], (H, H), jnp.float32, -s2, s2)
    W_out = jax.random.uniform(ks[6], (1, H), jnp.float32, -s2, s2)
    b_out = jnp.zeros((1,), jnp.float32)
    return {"x": x, "edge_index": edge_index, "W_l1": W_l1, "b_l1": b_l1, "W_r1": W_r1,
            "W_l2": W_l2, "b_l2": b_l2, "W_r2": W_r2, "W_out": W_out, "b_out": b_out}


def reference(x, edge_index, W_l1, b_l1, W_r1, W_l2, b_l2, W_r2, W_out, b_out):
    # Inference mode: dropout is identity.
    h = jax.nn.relu(sage_conv(x, edge_index, W_l1, b_l1, W_r1))
    h = jax.nn.relu(sage_conv(h, edge_index, W_l2, b_l2, W_r2))
    logits = (h @ W_out.T + b_out).squeeze(-1)
    return logits

if __name__ == "__main__":
    import jax
    _d = setup_inputs()
    print(jax.jit(kernel)(*tuple(_d.values())))

</pallas_src>

<mosaic_0001>
#map = affine_map<(d0, d1) -> (0, 0)>
#map1 = affine_map<(d0, d1) -> (0, 0, 0)>
module attributes {stable_mosaic.version = 14 : i64} {
  func.func @body(%arg0: i32, %arg1: i32, %arg2: memref<10000x64xf32, #tpu.memory_space<hbm>>, %arg3: memref<10000x64xf32, #tpu.memory_space<hbm>>, %arg4: memref<10000x64xf32, #tpu.memory_space<hbm>>, %arg5: memref<10000x64xf32, #tpu.memory_space<hbm>>, %arg6: memref<16x250x40xi32, #tpu.memory_space<hbm>>, %arg7: memref<16x250x40xi32, #tpu.memory_space<hbm>>, %arg8: memref<16x640x64xf32, #tpu.memory_space<hbm>>, %arg9: memref<16x640x64xf32, #tpu.memory_space<hbm>>, %arg10: memref<16x640x64xf32, #tpu.memory_space<hbm>>, %arg11: memref<16x640x64xf32, #tpu.memory_space<hbm>>, %arg12: memref<16x640x16xf32, #tpu.memory_space<hbm>>, %arg13: memref<250x40xi32, #tpu.memory_space<vmem>>, %arg14: memref<250x40xi32, #tpu.memory_space<vmem>>, %arg15: memref<40x64xf32, #tpu.memory_space<vmem>>, %arg16: memref<40x64xf32, #tpu.memory_space<vmem>>, %arg17: memref<128x64xf32, #tpu.memory_space<vmem>>, %arg18: memref<128x16xf32, #tpu.memory_space<vmem>>, %arg19: memref<40x16xf32, #tpu.memory_space<vmem>>, %arg20: memref<10240x64xf32, #tpu.memory_space<vmem_shared>>, %arg21: memref<10240x16xf32, #tpu.memory_space<vmem_shared>>, %arg22: memref<!tpu.dma_semaphore, #tpu.memory_space<semaphore_mem>>, %arg23: memref<!tpu.dma_semaphore, #tpu.memory_space<semaphore_mem>>) attributes {dimension_semantics = [#tpu.dimension_semantics<core_parallel>, #tpu.dimension_semantics<subcore_parallel>], iteration_bounds = array<i64: 2, 16>, scalar_prefetch = 0 : i64, scratch_operands = 11 : i64, tpu.core_type = #tpu.core_type<sc_vector_subcore>, window_params = [{transform_indices = #map}, {transform_indices = #map}, {transform_indices = #map}, {transform_indices = #map}, {transform_indices = #map1}, {transform_indices = #map1}, {transform_indices = #map1}, {transform_indices = #map1}, {transform_indices = #map1}, {transform_indices = #map1}, {transform_indices = #map1}]} {
    %broadcast_in_dim3A = arith.constant 0.000000e+00 : f32
    %broadcast_in_dim3A_0 = vector.broadcast %broadcast_in_dim3A : f32 to vector<16xf32>
    %scan3A = arith.constant 0 : i32
    %scan3A_1 = arith.constant 128 : i32
    %scan3A_2 = arith.addi %scan3A, %scan3A_1 : i32
    %scan3A_3 = arith.constant 1 : i32
    scf.for %scan3A_103 = %scan3A to %scan3A_2 step %scan3A_3  : i32 {
      %mul3A_104 = arith.constant 1 : i32
      %mul3A_105 = arith.muli %scan3A_103, %mul3A_104 : i32
      %add3A_106 = arith.constant 0 : i32
      %add3A_107 = arith.addi %add3A_106, %mul3A_105 : i32
      %swap3A = arith.index_cast %add3A_107 : i32 to index
      %swap3A_108 = arith.constant 0 : index
      %swap3A_109 = tpu.vector_load %arg17[%swap3A, %swap3A_108] {strides = array<i32>} : memref<128x64xf32, #tpu.memory_space<vmem>>, vector<1x16xf32>,
      %swap3A_110 = vector.shape_cast %swap3A_109 : vector<1x16xf32> to vector<16xf32>
      %swap3A_111 = vector.shape_cast %broadcast_in_dim3A_0 : vector<16xf32> to vector<1x16xf32>
      tpu.vector_store %arg17[%swap3A, %swap3A_108], %swap3A_111 {strides = array<i32>} : memref<128x64xf32, #tpu.memory_space<vmem>>, vector<1x16xf32>,
      %swap3A_112 = arith.index_cast %add3A_107 : i32 to index
      %swap3A_113 = arith.constant 16 : index
      %swap3A_114 = tpu.vector_load %arg17[%swap3A_112, %swap3A_113] {strides = array<i32>} : memref<128x64xf32, #tpu.memory_space<vmem>>, vector<1x16xf32>,
      %swap3A_115 = vector.shape_cast %swap3A_114 : vector<1x16xf32> to vector<16xf32>
      %swap3A_116 = vector.shape_cast %broadcast_in_dim3A_0 : vector<16xf32> to vector<1x16xf32>
      tpu.vector_store %arg17[%swap3A_112, %swap3A_113], %swap3A_116 {strides = array<i32>} : memref<128x64xf32, #tpu.memory_space<vmem>>, vector<1x16xf32>,
      %swap3A_117 = arith.index_cast %add3A_107 : i32 to index
      %swap3A_118 = arith.constant 32 : index
      %swap3A_119 = tpu.vector_load %arg17[%swap3A_117, %swap3A_118] {strides = array<i32>} : memref<128x64xf32, #tpu.memory_space<vmem>>, vector<1x16xf32>,
      %swap3A_120 = vector.shape_cast %swap3A_119 : vector<1x16xf32> to vector<16xf32>
      %swap3A_121 = vector.shape_cast %broadcast_in_dim3A_0 : vector<16xf32> to vector<1x16xf32>
      tpu.vector_store %arg17[%swap3A_117, %swap3A_118], %swap3A_121 {strides = array<i32>} : memref<128x64xf32, #tpu.memory_space<vmem>>, vector<1x16xf32>,
      %swap3A_122 = arith.index_cast %add3A_107 : i32 to index
      %swap3A_123 = arith.constant 48 : index
      %swap3A_124 = tpu.vector_load %arg17[%swap3A_122, %swap3A_123] {strides = array<i32>} : memref<128x64xf32, #tpu.memory_space<vmem>>, vector<1x16xf32>,
      %swap3A_125 = vector.shape_cast %swap3A_124 : vector<1x16xf32> to vector<16xf32>
      %swap3A_126 = vector.shape_cast %broadcast_in_dim3A_0 : vector<16xf32> to vector<1x16xf32>
      tpu.vector_store %arg17[%swap3A_122, %swap3A_123], %swap3A_126 {strides = array<i32>} : memref<128x64xf32, #tpu.memory_space<vmem>>, vector<1x16xf32>,
    }
    %scan3A_4 = arith.constant 128 : i32
    %mul3A = arith.constant 640 : i32
    %mul3A_5 = arith.muli %arg1, %mul3A : i32
    %add3A = arith.constant 0 : i32
    %add3A_6 = arith.addi %mul3A_5, %add3A : i32
    "tpu.region"() ({
      %run_scoped3A = tpu.sem_alloc : memref<!tpu.dma_semaphore, #tpu.memory_space<semaphore_mem>>
      %dma_start3A = arith.constant 0 : i32
      %dma_start3A_103 = tpu.memref_slice %arg20[%add3A_6, %dma_start3A] : memref<10240x64xf32, #tpu.memory_space<vmem_shared>> -> memref<128x64xf32, #tpu.memory_space<vmem_shared>>
      %dma_start3A_104 = arith.constant 0 : i32
      %dma_start3A_105 = tpu.memref_slice %arg20[%add3A_6, %dma_start3A_104] : memref<10240x64xf32, #tpu.memory_space<vmem_shared>> -> memref<128x64xf32, #tpu.memory_space<vmem_shared>>
      tpu.enqueue_dma source(%arg17 : memref<128x64xf32, #tpu.memory_space<vmem>>) target(%dma_start3A_105 : memref<128x64xf32, #tpu.memory_space<vmem_shared>>) target_semaphore(%run_scoped3A : memref<!tpu.dma_semaphore, #tpu.memory_space<semaphore_mem>>)
      %dma_wait3A = arith.constant 0 : i32
      %dma_wait3A_106 = tpu.memref_slice %arg20[%add3A_6, %dma_wait3A] : memref<10240x64xf32, #tpu.memory_space<vmem_shared>> -> memref<128x64xf32, #tpu.memory_space<vmem_shared>>
      %dma_wait3A_107 = arith.constant 0 : i32
      %dma_wait3A_108 = tpu.memref_slice %arg20[%add3A_6, %dma_wait3A_107] : memref<10240x64xf32, #tpu.memory_space<vmem_shared>> -> memref<128x64xf32, #tpu.memory_space<vmem_shared>>
      tpu.wait_dma2 semaphore(%run_scoped3A : memref<!tpu.dma_semaphore, #tpu.memory_space<semaphore_mem>>) src(%arg17 : memref<128x64xf32, #tpu.memory_space<vmem>>) dst(%dma_wait3A_108 : memref<128x64xf32, #tpu.memory_space<vmem_shared>>)
      tpu.yield
    }) : () -> ()
    %mul3A_7 = arith.constant 640 : i32
    %mul3A_8 = arith.muli %arg1, %mul3A_7 : i32
    %add3A_9 = arith.constant 128 : i32
    %add3A_10 = arith.addi %mul3A_8, %add3A_9 : i32
    "tpu.region"() ({
      %run_scoped3A = tpu.sem_alloc : memref<!tpu.dma_semaphore, #tpu.memory_space<semaphore_mem>>
      %dma_start3A = arith.constant 0 : i32
      %dma_start3A_103 = tpu.memref_slice %arg20[%add3A_10, %dma_start3A] : memref<10240x64xf32, #tpu.memory_space<vmem_shared>> -> memref<128x64xf32, #tpu.memory_space<vmem_shared>>
      %dma_start3A_104 = arith.constant 0 : i32
      %dma_start3A_105 = tpu.memref_slice %arg20[%add3A_10, %dma_start3A_104] : memref<10240x64xf32, #tpu.memory_space<vmem_shared>> -> memref<128x64xf32, #tpu.memory_space<vmem_shared>>
      tpu.enqueue_dma source(%arg17 : memref<128x64xf32, #tpu.memory_space<vmem>>) target(%dma_start3A_105 : memref<128x64xf32, #tpu.memory_space<vmem_shared>>) target_semaphore(%run_scoped3A : memref<!tpu.dma_semaphore, #tpu.memory_space<semaphore_mem>>)
      %dma_wait3A = arith.constant 0 : i32
      %dma_wait3A_106 = tpu.memref_slice %arg20[%add3A_10, %dma_wait3A] : memref<10240x64xf32, #tpu.memory_space<vmem_shared>> -> memref<128x64xf32, #tpu.memory_space<vmem_shared>>
      %dma_wait3A_107 = arith.constant 0 : i32
      %dma_wait3A_108 = tpu.memref_slice %arg20[%add3A_10, %dma_wait3A_107] : memref<10240x64xf32, #tpu.memory_space<vmem_shared>> -> memref<128x64xf32, #tpu.memory_space<vmem_shared>>
      tpu.wait_dma2 semaphore(%run_scoped3A : memref<!tpu.dma_semaphore, #tpu.memory_space<semaphore_mem>>) src(%arg17 : memref<128x64xf32, #tpu.memory_space<vmem>>) dst(%dma_wait3A_108 : memref<128x64xf32, #tpu.memory_space<vmem_shared>>)
      tpu.yield
    }) : () -> ()
    %mul3A_11 = arith.constant 640 : i32
    %mul3A_12 = arith.muli %arg1, %mul3A_11 : i32
    %add3A_13 = arith.constant 256 : i32
    %add3A_14 = arith.addi %mul3A_12, %add3A_13 : i32
    "tpu.region"() ({
      %run_scoped3A = tpu.sem_alloc : memref<!tpu.dma_semaphore, #tpu.memory_space<semaphore_mem>>
      %dma_start3A = arith.constant 0 : i32
      %dma_start3A_103 = tpu.memref_slice %arg20[%add3A_14, %dma_start3A] : memref<10240x64xf32, #tpu.memory_space<vmem_shared>> -> memref<128x64xf32, #tpu.memory_space<vmem_shared>>
      %dma_start3A_104 = arith.constant 0 : i32
      %dma_start3A_105 = tpu.memref_slice %arg20[%add3A_14, %dma_start3A_104] : memref<10240x64xf32, #tpu.memory_space<vmem_shared>> -> memref<128x64xf32, #tpu.memory_space<vmem_shared>>
      tpu.enqueue_dma source(%arg17 : memref<128x64xf32, #tpu.memory_space<vmem>>) target(%dma_start3A_105 : memref<128x64xf32, #tpu.memory_space<vmem_shared>>) target_semaphore(%run_scoped3A : memref<!tpu.dma_semaphore, #tpu.memory_space<semaphore_mem>>)
      %dma_wait3A = arith.constant 0 : i32
      %dma_wait3A_106 = tpu.memref_slice %arg20[%add3A_14, %dma_wait3A] : memref<10240x64xf32, #tpu.memory_space<vmem_shared>> -> memref<128x64xf32, #tpu.memory_space<vmem_shared>>
      %dma_wait3A_107 = arith.constant 0 : i32
      %dma_wait3A_108 = tpu.memref_slice %arg20[%add3A_14, %dma_wait3A_107] : memref<10240x64xf32, #tpu.memory_space<vmem_shared>> -> memref<128x64xf32, #tpu.memory_space<vmem_shared>>
      tpu.wait_dma2 semaphore(%run_scoped3A : memref<!tpu.dma_semaphore, #tpu.memory_space<semaphore_mem>>) src(%arg17 : memref<128x64xf32, #tpu.memory_space<vmem>>) dst(%dma_wait3A_108 : memref<128x64xf32, #tpu.memory_space<vmem_shared>>)
      tpu.yield
    }) : () -> ()
    %mul3A_15 = arith.constant 640 : i32
    %mul3A_16 = arith.muli %arg1, %mul3A_15 : i32
    %add3A_17 = arith.constant 384 : i32
    %add3A_18 = arith.addi %mul3A_16, %add3A_17 : i32
    "tpu.region"() ({
      %run_scoped3A = tpu.sem_alloc : memref<!tpu.dma_semaphore, #tpu.memory_space<semaphore_mem>>
      %dma_start3A = arith.constant 0 : i32
      %dma_start3A_103 = tpu.memref_slice %arg20[%add3A_18, %dma_start3A] : memref<10240x64xf32, #tpu.memory_space<vmem_shared>> -> memref<128x64xf32, #tpu.memory_space<vmem_shared>>
      %dma_start3A_104 = arith.constant 0 : i32
      %dma_start3A_105 = tpu.memref_slice %arg20[%add3A_18, %dma_start3A_104] : memref<10240x64xf32, #tpu.memory_space<vmem_shared>> -> memref<128x64xf32, #tpu.memory_space<vmem_shared>>
      tpu.enqueue_dma source(%arg17 : memref<128x64xf32, #tpu.memory_space<vmem>>) target(%dma_start3A_105 : memref<128x64xf32, #tpu.memory_space<vmem_shared>>) target_semaphore(%run_scoped3A : memref<!tpu.dma_semaphore, #tpu.memory_space<semaphore_mem>>)
      %dma_wait3A = arith.constant 0 : i32
      %dma_wait3A_106 = tpu.memref_slice %arg20[%add3A_18, %dma_wait3A] : memref<10240x64xf32, #tpu.memory_space<vmem_shared>> -> memref<128x64xf32, #tpu.memory_space<vmem_shared>>
      %dma_wait3A_107 = arith.constant 0 : i32
      %dma_wait3A_108 = tpu.memref_slice %arg20[%add3A_18, %dma_wait3A_107] : memref<10240x64xf32, #tpu.memory_space<vmem_shared>> -> memref<128x64xf32, #tpu.memory_space<vmem_shared>>
      tpu.wait_dma2 semaphore(%run_scoped3A : memref<!tpu.dma_semaphore, #tpu.memory_space<semaphore_mem>>) src(%arg17 : memref<128x64xf32, #tpu.memory_space<vmem>>) dst(%dma_wait3A_108 : memref<128x64xf32, #tpu.memory_space<vmem_shared>>)
      tpu.yield
    }) : () -> ()
    %mul3A_19 = arith.constant 640 : i32
    %mul3A_20 = arith.muli %arg1, %mul3A_19 : i32
    %add3A_21 = arith.constant 512 : i32
    %add3A_22 = arith.addi %mul3A_20, %add3A_21 : i32
    "tpu.region"() ({
      %run_scoped3A = tpu.sem_alloc : memref<!tpu.dma_semaphore, #tpu.memory_space<semaphore_mem>>
      %dma_start3A = arith.constant 0 : i32
      %dma_start3A_103 = tpu.memref_slice %arg20[%add3A_22, %dma_start3A] : memref<10240x64xf32, #tpu.memory_space<vmem_shared>> -> memref<128x64xf32, #tpu.memory_space<vmem_shared>>
      %dma_start3A_104 = arith.constant 0 : i32
      %dma_start3A_105 = tpu.memref_slice %arg20[%add3A_22, %dma_start3A_104] : memref<10240x64xf32, #tpu.memory_space<vmem_shared>> -> memref<128x64xf32, #tpu.memory_space<vmem_shared>>
      tpu.enqueue_dma source(%arg17 : memref<128x64xf32, #tpu.memory_space<vmem>>) target(%dma_start3A_105 : memref<128x64xf32, #tpu.memory_space<vmem_shared>>) target_semaphore(%run_scoped3A : memref<!tpu.dma_semaphore, #tpu.memory_space<semaphore_mem>>)
      %dma_wait3A = arith.constant 0 : i32
      %dma_wait3A_106 = tpu.memref_slice %arg20[%add3A_22, %dma_wait3A] : memref<10240x64xf32, #tpu.memory_space<vmem_shared>> -> memref<128x64xf32, #tpu.memory_space<vmem_shared>>
      %dma_wait3A_107 = arith.constant 0 : i32
      %dma_wait3A_108 = tpu.memref_slice %arg20[%add3A_22, %dma_wait3A_107] : memref<10240x64xf32, #tpu.memory_space<vmem_shared>> -> memref<128x64xf32, #tpu.memory_space<vmem_shared>>
      tpu.wait_dma2 semaphore(%run_scoped3A : memref<!tpu.dma_semaphore, #tpu.memory_space<semaphore_mem>>) src(%arg17 : memref<128x64xf32, #tpu.memory_space<vmem>>) dst(%dma_wait3A_108 : memref<128x64xf32, #tpu.memory_space<vmem_shared>>)
      tpu.yield
    }) : () -> ()
    %scan3A_23 = arith.constant 0 : i32
    %scan3A_24 = arith.constant 128 : i32
    %scan3A_25 = arith.addi %scan3A_23, %scan3A_24 : i32
    %scan3A_26 = arith.constant 1 : i32
    scf.for %scan3A_103 = %scan3A_23 to %scan3A_25 step %scan3A_26  : i32 {
      %mul3A_104 = arith.constant 1 : i32
      %mul3A_105 = arith.muli %scan3A_103, %mul3A_104 : i32
      %add3A_106 = arith.constant 0 : i32
      %add3A_107 = arith.addi %add3A_106, %mul3A_105 : i32
      %swap3A = arith.index_cast %add3A_107 : i32 to index
      %swap3A_108 = arith.constant 0 : index
      %swap3A_109 = tpu.vector_load %arg18[%swap3A, %swap3A_108] {strides = array<i32>} : memref<128x16xf32, #tpu.memory_space<vmem>>, vector<1x16xf32>,
      %swap3A_110 = vector.shape_cast %swap3A_109 : vector<1x16xf32> to vector<16xf32>
      %swap3A_111 = vector.shape_cast %broadcast_in_dim3A_0 : vector<16xf32> to vector<1x16xf32>
      tpu.vector_store %arg18[%swap3A, %swap3A_108], %swap3A_111 {strides = array<i32>} : memref<128x16xf32, #tpu.memory_space<vmem>>, vector<1x16xf32>,
    }
    %scan3A_27 = arith.constant 128 : i32
    %scan3A_28 = arith.constant 0 : i32
    %scan3A_29 = arith.constant 40 : i32
    %scan3A_30 = arith.addi %scan3A_28, %scan3A_29 : i32
    %scan3A_31 = arith.constant 1 : i32
    scf.for %scan3A_103 = %scan3A_28 to %scan3A_30 step %scan3A_31  : i32 {
      %mul3A_104 = arith.constant 1 : i32
      %mul3A_105 = arith.muli %scan3A_103, %mul3A_104 : i32
      %add3A_106 = arith.constant 0 : i32
      %add3A_107 = arith.addi %add3A_106, %mul3A_105 : i32
      %add3A_108 = arith.constant 1.000000e+00 : f32
      %add3A_109 = vector.broadcast %add3A_108 : f32 to vector<16xf32>
      %add3A_110 = arith.addf %broadcast_in_dim3A_0, %add3A_109 : vector<16xf32>
      %swap3A = arith.index_cast %add3A_107 : i32 to index
      %swap3A_111 = arith.constant 0 : index
      %swap3A_112 = tpu.vector_load %arg19[%swap3A, %swap3A_111] {strides = array<i32>} : memref<40x16xf32, #tpu.memory_space<vmem>>, vector<1x16xf32>,
      %swap3A_113 = vector.shape_cast %swap3A_112 : vector<1x16xf32> to vector<16xf32>
      %swap3A_114 = vector.shape_cast %add3A_110 : vector<16xf32> to vector<1x16xf32>
      tpu.vector_store %arg19[%swap3A, %swap3A_111], %swap3A_114 {strides = array<i32>} : memref<40x16xf32, #tpu.memory_space<vmem>>, vector<1x16xf32>,
    }
    %scan3A_32 = arith.constant 40 : i32
    %eq3A = arith.constant 0 : i32
    %eq3A_33 = arith.cmpi eq, %arg0, %eq3A : i32
    %convert_element_type3A = arith.extui %eq3A_33 : i1 to i32
    %cond3A = arith.constant 0 : i32
    %cond3A_34 = arith.cmpi ne, %convert_element_type3A, %cond3A : i32
    scf.if %cond3A_34 {
      %mul3A_103 = arith.constant 640 : i32
      %mul3A_104 = arith.muli %arg1, %mul3A_103 : i32
      %add3A_105 = arith.constant 0 : i32
      %add3A_106 = arith.addi %mul3A_104, %add3A_105 : i32
      "tpu.region"() ({
        %run_scoped3A = tpu.sem_alloc : memref<!tpu.dma_semaphore, #tpu.memory_space<semaphore_mem>>
        %dma_start3A = arith.constant 0 : i32
        %dma_start3A_123 = tpu.memref_slice %arg21[%add3A_106, %dma_start3A] : memref<10240x16xf32, #tpu.memory_space<vmem_shared>> -> memref<128x16xf32, #tpu.memory_space<vmem_shared>>
        %dma_start3A_124 = arith.constant 0 : i32
        %dma_start3A_125 = tpu.memref_slice %arg21[%add3A_106, %dma_start3A_124] : memref<10240x16xf32, #tpu.memory_space<vmem_shared>> -> memref<128x16xf32, #tpu.memory_space<vmem_shared>>
        tpu.enqueue_dma source(%arg18 : memref<128x16xf32, #tpu.memory_space<vmem>>) target(%dma_start3A_125 : memref<128x16xf32, #tpu.memory_space<vmem_shared>>) target_semaphore(%run_scoped3A : memref<!tpu.dma_semaphore, #tpu.memory_space<semaphore_mem>>)
        %dma_wait3A = arith.constant 0 : i32
        %dma_wait3A_126 = tpu.memref_slice %arg21[%add3A_106, %dma_wait3A] : memref<10240x16xf32, #tpu.memory_space<vmem_shared>> -> memref<128x16xf32, #tpu.memory_space<vmem_shared>>
        %dma_wait3A_127 = arith.constant 0 : i32
        %dma_wait3A_128 = tpu.memref_slice %arg21[%add3A_106, %dma_wait3A_127] : memref<10240x16xf32, #tpu.memory_space<vmem_shared>> -> memref<128x16xf32, #tpu.memory_space<vmem_shared>>
        tpu.wait_dma2 semaphore(%run_scoped3A : memref<!tpu.dma_semaphore, #tpu.memory_space<semaphore_mem>>) src(%arg18 : memref<128x16xf32, #tpu.memory_space<vmem>>) dst(%dma_wait3A_128 : memref<128x16xf32, #tpu.memory_space<vmem_shared>>)
        tpu.yield
      }) : () -> ()
      %mul3A_107 = arith.constant 640 : i32
      %mul3A_108 = arith.muli %arg1, %mul3A_107 : i32
      %add3A_109 = arith.constant 128 : i32
      %add3A_110 = arith.addi %mul3A_108, %add3A_109 : i32
      "tpu.region"() ({
        %run_scoped3A = tpu.sem_alloc : memref<!tpu.dma_semaphore, #tpu.memory_space<semaphore_mem>>
        %dma_start3A = arith.constant 0 : i32
        %dma_start3A_123 = tpu.memref_slice %arg21[%add3A_110, %dma_start3A] : memref<10240x16xf32, #tpu.memory_space<vmem_shared>> -> memref<128x16xf32, #tpu.memory_space<vmem_shared>>
        %dma_start3A_124 = arith.constant 0 : i32
        %dma_start3A_125 = tpu.memref_slice %arg21[%add3A_110, %dma_start3A_124] : memref<10240x16xf32, #tpu.memory_space<vmem_shared>> -> memref<128x16xf32, #tpu.memory_space<vmem_shared>>
        tpu.enqueue_dma source(%arg18 : memref<128x16xf32, #tpu.memory_space<vmem>>) target(%dma_start3A_125 : memref<128x16xf32, #tpu.memory_space<vmem_shared>>) target_semaphore(%run_scoped3A : memref<!tpu.dma_semaphore, #tpu.memory_space<semaphore_mem>>)
        %dma_wait3A = arith.constant 0 : i32
        %dma_wait3A_126 = tpu.memref_slice %arg21[%add3A_110, %dma_wait3A] : memref<10240x16xf32, #tpu.memory_space<vmem_shared>> -> memref<128x16xf32, #tpu.memory_space<vmem_shared>>
        %dma_wait3A_127 = arith.constant 0 : i32
        %dma_wait3A_128 = tpu.memref_slice %arg21[%add3A_110, %dma_wait3A_127] : memref<10240x16xf32, #tpu.memory_space<vmem_shared>> -> memref<128x16xf32, #tpu.memory_space<vmem_shared>>
        tpu.wait_dma2 semaphore(%run_scoped3A : memref<!tpu.dma_semaphore, #tpu.memory_space<semaphore_mem>>) src(%arg18 : memref<128x16xf32, #tpu.memory_space<vmem>>) dst(%dma_wait3A_128 : memref<128x16xf32, #tpu.memory_space<vmem_shared>>)
        tpu.yield
      }) : () -> ()
      %mul3A_111 = arith.constant 640 : i32
      %mul3A_112 = arith.muli %arg1, %mul3A_111 : i32
      %add3A_113 = arith.constant 256 : i32
      %add3A_114 = arith.addi %mul3A_112, %add3A_113 : i32
      "tpu.region"() ({
        %run_scoped3A = tpu.sem_alloc : memref<!tpu.dma_semaphore, #tpu.memory_space<semaphore_mem>>
        %dma_start3A = arith.constant 0 : i32
        %dma_start3A_123 = tpu.memref_slice %arg21[%add3A_114, %dma_start3A] : memref<10240x16xf32, #tpu.memory_space<vmem_shared>> -> memref<128x16xf32, #tpu.memory_space<vmem_shared>>
        %dma_start3A_124 = arith.constant 0 : i32
        %dma_start3A_125 = tpu.memref_slice %arg21[%add3A_114, %dma_start3A_124] : memref<10240x16xf32, #tpu.memory_space<vmem_shared>> -> memref<128x16xf32, #tpu.memory_space<vmem_shared>>
        tpu.enqueue_dma source(%arg18 : memref<128x16xf32, #tpu.memory_space<vmem>>) target(%dma_start3A_125 : memref<128x16xf32, #tpu.memory_space<vmem_shared>>) target_semaphore(%run_scoped3A : memref<!tpu.dma_semaphore, #tpu.memory_space<semaphore_mem>>)
        %dma_wait3A = arith.constant 0 : i32
        %dma_wait3A_126 = tpu.memref_slice %arg21[%add3A_114, %dma_wait3A] : memref<10240x16xf32, #tpu.memory_space<vmem_shared>> -> memref<128x16xf32, #tpu.memory_space<vmem_shared>>
        %dma_wait3A_127 = arith.constant 0 : i32
        %dma_wait3A_128 = tpu.memref_slice %arg21[%add3A_114, %dma_wait3A_127] : memref<10240x16xf32, #tpu.memory_space<vmem_shared>> -> memref<128x16xf32, #tpu.memory_space<vmem_shared>>
        tpu.wait_dma2 semaphore(%run_scoped3A : memref<!tpu.dma_semaphore, #tpu.memory_space<semaphore_mem>>) src(%arg18 : memref<128x16xf32, #tpu.memory_space<vmem>>) dst(%dma_wait3A_128 : memref<128x16xf32, #tpu.memory_space<vmem_shared>>)
        tpu.yield
      }) : () -> ()
      %mul3A_115 = arith.constant 640 : i32
      %mul3A_116 = arith.muli %arg1, %mul3A_115 : i32
      %add3A_117 = arith.constant 384 : i32
      %add3A_118 = arith.addi %mul3A_116, %add3A_117 : i32
      "tpu.region"() ({
        %run_scoped3A = tpu.sem_alloc : memref<!tpu.dma_semaphore, #tpu.memory_space<semaphore_mem>>
        %dma_start3A = arith.constant 0 : i32
        %dma_start3A_123 = tpu.memref_slice %arg21[%add3A_118, %dma_start3A] : memref<10240x16xf32, #tpu.memory_space<vmem_shared>> -> memref<128x16xf32, #tpu.memory_space<vmem_shared>>
        %dma_start3A_124 = arith.constant 0 : i32
        %dma_start3A_125 = tpu.memref_slice %arg21[%add3A_118, %dma_start3A_124] : memref<10240x16xf32, #tpu.memory_space<vmem_shared>> -> memref<128x16xf32, #tpu.memory_space<vmem_shared>>
        tpu.enqueue_dma source(%arg18 : memref<128x16xf32, #tpu.memory_space<vmem>>) target(%dma_start3A_125 : memref<128x16xf32, #tpu.memory_space<vmem_shared>>) target_semaphore(%run_scoped3A : memref<!tpu.dma_semaphore, #tpu.memory_space<semaphore_mem>>)
        %dma_wait3A = arith.constant 0 : i32
        %dma_wait3A_126 = tpu.memref_slice %arg21[%add3A_118, %dma_wait3A] : memref<10240x16xf32, #tpu.memory_space<vmem_shared>> -> memref<128x16xf32, #tpu.memory_space<vmem_shared>>
        %dma_wait3A_127 = arith.constant 0 : i32
        %dma_wait3A_128 = tpu.memref_slice %arg21[%add3A_118, %dma_wait3A_127] : memref<10240x16xf32, #tpu.memory_space<vmem_shared>> -> memref<128x16xf32, #tpu.memory_space<vmem_shared>>
        tpu.wait_dma2 semaphore(%run_scoped3A : memref<!tpu.dma_semaphore, #tpu.memory_space<semaphore_mem>>) src(%arg18 : memref<128x16xf32, #tpu.memory_space<vmem>>) dst(%dma_wait3A_128 : memref<128x16xf32, #tpu.memory_space<vmem_shared>>)
        tpu.yield
      }) : () -> ()
      %mul3A_119 = arith.constant 640 : i32
      %mul3A_120 = arith.muli %arg1, %mul3A_119 : i32
      %add3A_121 = arith.constant 512 : i32
      %add3A_122 = arith.addi %mul3A_120, %add3A_121 : i32
      "tpu.region"() ({
        %run_scoped3A = tpu.sem_alloc : memref<!tpu.dma_semaphore, #tpu.memory_space<semaphore_mem>>
        %dma_start3A = arith.constant 0 : i32
        %dma_start3A_123 = tpu.memref_slice %arg21[%add3A_122, %dma_start3A] : memref<10240x16xf32, #tpu.memory_space<vmem_shared>> -> memref<128x16xf32, #tpu.memory_space<vmem_shared>>
        %dma_start3A_124 = arith.constant 0 : i32
        %dma_start3A_125 = tpu.memref_slice %arg21[%add3A_122, %dma_start3A_124] : memref<10240x16xf32, #tpu.memory_space<vmem_shared>> -> memref<128x16xf32, #tpu.memory_space<vmem_shared>>
        tpu.enqueue_dma source(%arg18 : memref<128x16xf32, #tpu.memory_space<vmem>>) target(%dma_start3A_125 : memref<128x16xf32, #tpu.memory_space<vmem_shared>>) target_semaphore(%run_scoped3A : memref<!tpu.dma_semaphore, #tpu.memory_space<semaphore_mem>>)
        %dma_wait3A = arith.constant 0 : i32
        %dma_wait3A_126 = tpu.memref_slice %arg21[%add3A_122, %dma_wait3A] : memref<10240x16xf32, #tpu.memory_space<vmem_shared>> -> memref<128x16xf32, #tpu.memory_space<vmem_shared>>
        %dma_wait3A_127 = arith.constant 0 : i32
        %dma_wait3A_128 = tpu.memref_slice %arg21[%add3A_122, %dma_wait3A_127] : memref<10240x16xf32, #tpu.memory_space<vmem_shared>> -> memref<128x16xf32, #tpu.memory_space<vmem_shared>>
        tpu.wait_dma2 semaphore(%run_scoped3A : memref<!tpu.dma_semaphore, #tpu.memory_space<semaphore_mem>>) src(%arg18 : memref<128x16xf32, #tpu.memory_space<vmem>>) dst(%dma_wait3A_128 : memref<128x16xf32, #tpu.memory_space<vmem_shared>>)
        tpu.yield
      }) : () -> ()
    } else {
    }
    "tpu.region"() ({
      %run_scoped3A = tpu.sem_alloc : memref<!tpu.dma_semaphore, #tpu.memory_space<semaphore_mem>>
      %dma_start3A = arith.constant 0 : i32
      %dma_start3A_103 = arith.constant 0 : i32
      %dma_start3A_104 = tpu.memref_slice %arg6[%arg1, %dma_start3A, %dma_start3A_103] : memref<16x250x40xi32, #tpu.memory_space<hbm>> -> memref<1x250x40xi32, #tpu.memory_space<hbm>>
      %dma_start3A_105 = tpu.memref_squeeze %dma_start3A_104 : memref<1x250x40xi32, #tpu.memory_space<hbm>> -> memref<250x40xi32, #tpu.memory_space<hbm>>
      %dma_start3A_106 = arith.constant 0 : i32
      %dma_start3A_107 = arith.constant 0 : i32
      %dma_start3A_108 = tpu.memref_slice %arg6[%arg1, %dma_start3A_106, %dma_start3A_107] : memref<16x250x40xi32, #tpu.memory_space<hbm>> -> memref<1x250x40xi32, #tpu.memory_space<hbm>>
      %dma_start3A_109 = tpu.memref_squeeze %dma_start3A_108 : memref<1x250x40xi32, #tpu.memory_space<hbm>> -> memref<250x40xi32, #tpu.memory_space<hbm>>
      tpu.enqueue_dma source(%dma_start3A_109 : memref<250x40xi32, #tpu.memory_space<hbm>>) target(%arg13 : memref<250x40xi32, #tpu.memory_space<vmem>>) target_semaphore(%run_scoped3A : memref<!tpu.dma_semaphore, #tpu.memory_space<semaphore_mem>>)
      %dma_wait3A = arith.constant 0 : i32
      %dma_wait3A_110 = arith.constant 0 : i32
      %dma_wait3A_111 = tpu.memref_slice %arg6[%arg1, %dma_wait3A, %dma_wait3A_110] : memref<16x250x40xi32, #tpu.memory_space<hbm>> -> memref<1x250x40xi32, #tpu.memory_space<hbm>>
      %dma_wait3A_112 = tpu.memref_squeeze %dma_wait3A_111 : memref<1x250x40xi32, #tpu.memory_space<hbm>> -> memref<250x40xi32, #tpu.memory_space<hbm>>
      %dma_wait3A_113 = arith.constant 0 : i32
      %dma_wait3A_114 = arith.constant 0 : i32
      %dma_wait3A_115 = tpu.memref_slice %arg6[%arg1, %dma_wait3A_113, %dma_wait3A_114] : memref<16x250x40xi32, #tpu.memory_space<hbm>> -> memref<1x250x40xi32, #tpu.memory_space<hbm>>
      %dma_wait3A_116 = tpu.memref_squeeze %dma_wait3A_115 : memref<1x250x40xi32, #tpu.memory_space<hbm>> -> memref<250x40xi32, #tpu.memory_space<hbm>>
      tpu.wait_dma2 semaphore(%run_scoped3A : memref<!tpu.dma_semaphore, #tpu.memory_space<semaphore_mem>>) src(%dma_wait3A_116 : memref<250x40xi32, #tpu.memory_space<hbm>>) dst(%arg13 : memref<250x40xi32, #tpu.memory_space<vmem>>)
      tpu.yield
    }) : () -> ()
    "tpu.region"() ({
      %run_scoped3A = tpu.sem_alloc : memref<!tpu.dma_semaphore, #tpu.memory_space<semaphore_mem>>
      %dma_start3A = arith.constant 0 : i32
      %dma_start3A_103 = arith.constant 0 : i32
      %dma_start3A_104 = tpu.memref_slice %arg7[%arg1, %dma_start3A, %dma_start3A_103] : memref<16x250x40xi32, #tpu.memory_space<hbm>> -> memref<1x250x40xi32, #tpu.memory_space<hbm>>
      %dma_start3A_105 = tpu.memref_squeeze %dma_start3A_104 : memref<1x250x40xi32, #tpu.memory_space<hbm>> -> memref<250x40xi32, #tpu.memory_space<hbm>>
      %dma_start3A_106 = arith.constant 0 : i32
      %dma_start3A_107 = arith.constant 0 : i32
      %dma_start3A_108 = tpu.memref_slice %arg7[%arg1, %dma_start3A_106, %dma_start3A_107] : memref<16x250x40xi32, #tpu.memory_space<hbm>> -> memref<1x250x40xi32, #tpu.memory_space<hbm>>
      %dma_start3A_109 = tpu.memref_squeeze %dma_start3A_108 : memref<1x250x40xi32, #tpu.memory_space<hbm>> -> memref<250x40xi32, #tpu.memory_space<hbm>>
      tpu.enqueue_dma source(%dma_start3A_109 : memref<250x40xi32, #tpu.memory_space<hbm>>) target(%arg14 : memref<250x40xi32, #tpu.memory_space<vmem>>) target_semaphore(%run_scoped3A : memref<!tpu.dma_semaphore, #tpu.memory_space<semaphore_mem>>)
      %dma_wait3A = arith.constant 0 : i32
      %dma_wait3A_110 = arith.constant 0 : i32
      %dma_wait3A_111 = tpu.memref_slice %arg7[%arg1, %dma_wait3A, %dma_wait3A_110] : memref<16x250x40xi32, #tpu.memory_space<hbm>> -> memref<1x250x40xi32, #tpu.memory_space<hbm>>
      %dma_wait3A_112 = tpu.memref_squeeze %dma_wait3A_111 : memref<1x250x40xi32, #tpu.memory_space<hbm>> -> memref<250x40xi32, #tpu.memory_space<hbm>>
      %dma_wait3A_113 = arith.constant 0 : i32
      %dma_wait3A_114 = arith.constant 0 : i32
      %dma_wait3A_115 = tpu.memref_slice %arg7[%arg1, %dma_wait3A_113, %dma_wait3A_114] : memref<16x250x40xi32, #tpu.memory_space<hbm>> -> memref<1x250x40xi32, #tpu.memory_space<hbm>>
      %dma_wait3A_116 = tpu.memref_squeeze %dma_wait3A_115 : memref<1x250x40xi32, #tpu.memory_space<hbm>> -> memref<250x40xi32, #tpu.memory_space<hbm>>
      tpu.wait_dma2 semaphore(%run_scoped3A : memref<!tpu.dma_semaphore, #tpu.memory_space<semaphore_mem>>) src(%dma_wait3A_116 : memref<250x40xi32, #tpu.memory_space<hbm>>) dst(%arg14 : memref<250x40xi32, #tpu.memory_space<vmem>>)
      tpu.yield
    }) : () -> ()
    %barrier3A = arith.constant 0 : index
    tpu.barrier barrier_id(%barrier3A)
    %eq3A_35 = arith.constant 0 : i32
    %eq3A_36 = arith.cmpi eq, %arg0, %eq3A_35 : i32
    %convert_element_type3A_37 = arith.extui %eq3A_36 : i1 to i32
    %cond3A_38 = arith.constant 0 : i32
    %cond3A_39 = arith.cmpi ne, %convert_element_type3A_37, %cond3A_38 : i32
    scf.if %cond3A_39 {
      %dma_start3A = arith.constant 0 : i32
      %dma_start3A_103 = arith.constant 0 : i32
      %dma_start3A_104 = tpu.memref_slice %arg13[%dma_start3A, %dma_start3A_103] : memref<250x40xi32, #tpu.memory_space<vmem>> -> memref<1x40xi32, #tpu.memory_space<vmem>>
      %dma_start3A_105 = tpu.memref_squeeze %dma_start3A_104 : memref<1x40xi32, #tpu.memory_space<vmem>> -> memref<40xi32, #tpu.memory_space<vmem>>
      %dma_start3A_106 = arith.constant 0 : i32
      %dma_start3A_107 = arith.constant 0 : i32
      %dma_start3A_108 = tpu.memref_slice %arg2[%dma_start3A_106, %dma_start3A_107] : memref<10000x64xf32, #tpu.memory_space<hbm>> -> memref<10000x64xf32, #tpu.memory_space<hbm>>
      tpu.enqueue_indirect_dma source(%dma_start3A_108 : memref<10000x64xf32, #tpu.memory_space<hbm>>) target(%arg15 : memref<40x64xf32, #tpu.memory_space<vmem>>) offsets(%dma_start3A_105 : memref<40xi32, #tpu.memory_space<vmem>>) semaphore(%arg22 : memref<!tpu.dma_semaphore, #tpu.memory_space<semaphore_mem>>)
      %scan3A_109 = arith.constant 0 : i32
      %scan3A_110 = arith.constant 125 : i32
      %scan3A_111 = arith.addi %scan3A_109, %scan3A_110 : i32
      %scan3A_112 = arith.constant 1 : i32
      scf.for %scan3A_114 = %scan3A_109 to %scan3A_111 step %scan3A_112  : i32 {
        %mul3A_115 = arith.constant 1 : i32
        %mul3A_116 = arith.muli %scan3A_114, %mul3A_115 : i32
        %add3A_117 = arith.constant 0 : i32
        %add3A_118 = arith.addi %add3A_117, %mul3A_116 : i32
        %mul3A_119 = arith.constant 2 : i32
        %mul3A_120 = arith.muli %mul3A_119, %add3A_118 : i32
        %add3A_121 = arith.constant 1 : i32
        %add3A_122 = arith.addi %mul3A_120, %add3A_121 : i32
        %dma_start3A_123 = arith.constant 0 : i32
        %dma_start3A_124 = tpu.memref_slice %arg13[%add3A_122, %dma_start3A_123] : memref<250x40xi32, #tpu.memory_space<vmem>> -> memref<1x40xi32, #tpu.memory_space<vmem>>
        %dma_start3A_125 = tpu.memref_squeeze %dma_start3A_124 : memref<1x40xi32, #tpu.memory_space<vmem>> -> memref<40xi32, #tpu.memory_space<vmem>>
        %dma_start3A_126 = arith.constant 0 : i32
        %dma_start3A_127 = arith.constant 0 : i32
        %dma_start3A_128 = tpu.memref_slice %arg2[%dma_start3A_126, %dma_start3A_127] : memref<10000x64xf32, #tpu.memory_space<hbm>> -> memref<10000x64xf32, #tpu.memory_space<hbm>>
        tpu.enqueue_indirect_dma source(%dma_start3A_128 : memref<10000x64xf32, #tpu.memory_space<hbm>>) target(%arg16 : memref<40x64xf32, #tpu.memory_space<vmem>>) offsets(%dma_start3A_125 : memref<40xi32, #tpu.memory_space<vmem>>) semaphore(%arg23 : memref<!tpu.dma_semaphore, #tpu.memory_space<semaphore_mem>>)
        %dma_wait3A = arith.constant 0 : i32
        %dma_wait3A_129 = tpu.memref_slice %arg13[%mul3A_120, %dma_wait3A] : memref<250x40xi32, #tpu.memory_space<vmem>> -> memref<1x40xi32, #tpu.memory_space<vmem>>
        %dma_wait3A_130 = tpu.memref_squeeze %dma_wait3A_129 : memref<1x40xi32, #tpu.memory_space<vmem>> -> memref<40xi32, #tpu.memory_space<vmem>>
        %dma_wait3A_131 = arith.constant 0 : i32
        %dma_wait3A_132 = arith.constant 0 : i32
        %dma_wait3A_133 = tpu.memref_slice %arg2[%dma_wait3A_131, %dma_wait3A_132] : memref<10000x64xf32, #tpu.memory_space<hbm>> -> memref<10000x64xf32, #tpu.memory_space<hbm>>
        tpu.wait_indirect_dma semaphore(%arg22 : memref<!tpu.dma_semaphore, #tpu.memory_space<semaphore_mem>>) src(%dma_wait3A_133 : memref<10000x64xf32, #tpu.memory_space<hbm>>) dst(%arg15 : memref<40x64xf32, #tpu.memory_space<vmem>>)
        "tpu.region"() ({
          %run_scoped3A = tpu.sem_alloc : memref<!tpu.dma_semaphore, #tpu.memory_space<semaphore_mem>>
          %dma_start3A_148 = arith.constant 0 : i32
          %dma_start3A_149 = tpu.memref_slice %arg14[%mul3A_120, %dma_start3A_148] : memref<250x40xi32, #tpu.memory_space<vmem>> -> memref<1x40xi32, #tpu.memory_space<vmem>>
          %dma_start3A_150 = tpu.memref_squeeze %dma_start3A_149 : memref<1x40xi32, #tpu.memory_space<vmem>> -> memref<40xi32, #tpu.memory_space<vmem>>
          %dma_start3A_151 = arith.constant 0 : i32
          %dma_start3A_152 = arith.constant 0 : i32
          %dma_start3A_153 = tpu.memref_slice %arg20[%dma_start3A_151, %dma_start3A_152] : memref<10240x64xf32, #tpu.memory_space<vmem_shared>> -> memref<10240x64xf32, #tpu.memory_space<vmem_shared>>
          tpu.enqueue_indirect_dma source(%arg15 : memref<40x64xf32, #tpu.memory_space<vmem>>) target(%dma_start3A_153 : memref<10240x64xf32, #tpu.memory_space<vmem_shared>>) offsets(%dma_start3A_150 : memref<40xi32, #tpu.memory_space<vmem>>) semaphore(%run_scoped3A : memref<!tpu.dma_semaphore, #tpu.memory_space<semaphore_mem>>) {add = true}
          %dma_wait3A_154 = arith.constant 0 : i32
          %dma_wait3A_155 = tpu.memref_slice %arg14[%mul3A_120, %dma_wait3A_154] : memref<250x40xi32, #tpu.memory_space<vmem>> -> memref<1x40xi32, #tpu.memory_space<vmem>>
          %dma_wait3A_156 = tpu.memref_squeeze %dma_wait3A_155 : memref<1x40xi32, #tpu.memory_space<vmem>> -> memref<40xi32, #tpu.memory_space<vmem>>
          %dma_wait3A_157 = arith.constant 0 : i32
          %dma_wait3A_158 = arith.constant 0 : i32
          %dma_wait3A_159 = tpu.memref_slice %arg20[%dma_wait3A_157, %dma_wait3A_158] : memref<10240x64xf32, #tpu.memory_space<vmem_shared>> -> memref<10240x64xf32, #tpu.memory_space<vmem_shared>>
          tpu.wait_indirect_dma semaphore(%run_scoped3A : memref<!tpu.dma_semaphore, #tpu.memory_space<semaphore_mem>>) src(%arg15 : memref<40x64xf32, #tpu.memory_space<vmem>>) dst(%dma_wait3A_159 : memref<10240x64xf32, #tpu.memory_space<vmem_shared>>)
          tpu.yield
        }) : () -> ()
        "tpu.region"() ({
          %run_scoped3A = tpu.sem_alloc : memref<!tpu.dma_semaphore, #tpu.memory_space<semaphore_mem>>
          %dma_start3A_148 = arith.constant 0 : i32
          %dma_start3A_149 = tpu.memref_slice %arg14[%mul3A_120, %dma_start3A_148] : memref<250x40xi32, #tpu.memory_space<vmem>> -> memref<1x40xi32, #tpu.memory_space<vmem>>
          %dma_start3A_150 = tpu.memref_squeeze %dma_start3A_149 : memref<1x40xi32, #tpu.memory_space<vmem>> -> memref<40xi32, #tpu.memory_space<vmem>>
          %dma_start3A_151 = arith.constant 0 : i32
          %dma_start3A_152 = arith.constant 0 : i32
          %dma_start3A_153 = tpu.memref_slice %arg21[%dma_start3A_151, %dma_start3A_152] : memref<10240x16xf32, #tpu.memory_space<vmem_shared>> -> memref<10240x16xf32, #tpu.memory_space<vmem_shared>>
          tpu.enqueue_indirect_dma source(%arg19 : memref<40x16xf32, #tpu.memory_space<vmem>>) target(%dma_start3A_153 : memref<10240x16xf32, #tpu.memory_space<vmem_shared>>) offsets(%dma_start3A_150 : memref<40xi32, #tpu.memory_space<vmem>>) semaphore(%run_scoped3A : memref<!tpu.dma_semaphore, #tpu.memory_space<semaphore_mem>>) {add = true}
          %dma_wait3A_154 = arith.constant 0 : i32
          %dma_wait3A_155 = tpu.memref_slice %arg14[%mul3A_120, %dma_wait3A_154] : memref<250x40xi32, #tpu.memory_space<vmem>> -> memref<1x40xi32, #tpu.memory_space<vmem>>
          %dma_wait3A_156 = tpu.memref_squeeze %dma_wait3A_155 : memref<1x40xi32, #tpu.memory_space<vmem>> -> memref<40xi32, #tpu.memory_space<vmem>>
          %dma_wait3A_157 = arith.constant 0 : i32
          %dma_wait3A_158 = arith.constant 0 : i32
          %dma_wait3A_159 = tpu.memref_slice %arg21[%dma_wait3A_157, %dma_wait3A_158] : memref<10240x16xf32, #tpu.memory_space<vmem_shared>> -> memref<10240x16xf32, #tpu.memory_space<vmem_shared>>
          tpu.wait_indirect_dma semaphore(%run_scoped3A : memref<!tpu.dma_semaphore, #tpu.memory_space<semaphore_mem>>) src(%arg19 : memref<40x16xf32, #tpu.memory_space<vmem>>) dst(%dma_wait3A_159 : memref<10240x16xf32, #tpu.memory_space<vmem_shared>>)
          tpu.yield
        }) : () -> ()
        %lt3A = arith.constant 124 : i32
        %lt3A_134 = arith.cmpi slt, %add3A_118, %lt3A : i32
        %convert_element_type3A_135 = arith.extui %lt3A_134 : i1 to i32
        %cond3A_136 = arith.constant 0 : i32
        %cond3A_137 = arith.cmpi ne, %convert_element_type3A_135, %cond3A_136 : i32
        scf.if %cond3A_137 {
          %add3A_148 = arith.constant 2 : i32
          %add3A_149 = arith.addi %mul3A_120, %add3A_148 : i32
          %dma_start3A_150 = arith.constant 0 : i32
          %dma_start3A_151 = tpu.memref_slice %arg13[%add3A_149, %dma_start3A_150] : memref<250x40xi32, #tpu.memory_space<vmem>> -> memref<1x40xi32, #tpu.memory_space<vmem>>
          %dma_start3A_152 = tpu.memref_squeeze %dma_start3A_151 : memref<1x40xi32, #tpu.memory_space<vmem>> -> memref<40xi32, #tpu.memory_space<vmem>>
          %dma_start3A_153 = arith.constant 0 : i32
          %dma_start3A_154 = arith.constant 0 : i32
          %dma_start3A_155 = tpu.memref_slice %arg2[%dma_start3A_153, %dma_start3A_154] : memref<10000x64xf32, #tpu.memory_space<hbm>> -> memref<10000x64xf32, #tpu.memory_space<hbm>>
          tpu.enqueue_indirect_dma source(%dma_start3A_155 : memref<10000x64xf32, #tpu.memory_space<hbm>>) target(%arg15 : memref<40x64xf32, #tpu.memory_space<vmem>>) offsets(%dma_start3A_152 : memref<40xi32, #tpu.memory_space<vmem>>) semaphore(%arg22 : memref<!tpu.dma_semaphore, #tpu.memory_space<semaphore_mem>>)
        } else {
        }
        %add3A_138 = arith.constant 1 : i32
        %add3A_139 = arith.addi %mul3A_120, %add3A_138 : i32
        %dma_wait3A_140 = arith.constant 0 : i32
        %dma_wait3A_141 = tpu.memref_slice %arg13[%add3A_139, %dma_wait3A_140] : memref<250x40xi32, #tpu.memory_space<vmem>> -> memref<1x40xi32, #tpu.memory_space<vmem>>
        %dma_wait3A_142 = tpu.memref_squeeze %dma_wait3A_141 : memref<1x40xi32, #tpu.memory_space<vmem>> -> memref<40xi32, #tpu.memory_space<vmem>>
        %dma_wait3A_143 = arith.constant 0 : i32
        %dma_wait3A_144 = arith.constant 0 : i32
        %dma_wait3A_145 = tpu.memref_slice %arg2[%dma_wait3A_143, %dma_wait3A_144] : memref<10000x64xf32, #tpu.memory_space<hbm>> -> memref<10000x64xf32, #tpu.memory_space<hbm>>
        tpu.wait_indirect_dma semaphore(%arg23 : memref<!tpu.dma_semaphore, #tpu.memory_space<semaphore_mem>>) src(%dma_wait3A_145 : memref<10000x64xf32, #tpu.memory_space<hbm>>) dst(%arg16 : memref<40x64xf32, #tpu.memory_space<vmem>>)
        %add3A_146 = arith.constant 1 : i32
        %add3A_147 = arith.addi %mul3A_120, %add3A_146 : i32
        "tpu.region"() ({
          %run_scoped3A = tpu.sem_alloc : memref<!tpu.dma_semaphore, #tpu.memory_space<semaphore_mem>>
          %dma_start3A_148 = arith.constant 0 : i32
          %dma_start3A_149 = tpu.memref_slice %arg14[%add3A_147, %dma_start3A_148] : memref<250x40xi32, #tpu.memory_space<vmem>> -> memref<1x40xi32, #tpu.memory_space<vmem>>
          %dma_start3A_150 = tpu.memref_squeeze %dma_start3A_149 : memref<1x40xi32, #tpu.memory_space<vmem>> -> memref<40xi32, #tpu.memory_space<vmem>>
          %dma_start3A_151 = arith.constant 0 : i32
          %dma_start3A_152 = arith.constant 0 : i32
          %dma_start3A_153 = tpu.memref_slice %arg20[%dma_start3A_151, %dma_start3A_152] : memref<10240x64xf32, #tpu.memory_space<vmem_shared>> -> memref<10240x64xf32, #tpu.memory_space<vmem_shared>>
          tpu.enqueue_indirect_dma source(%arg16 : memref<40x64xf32, #tpu.memory_space<vmem>>) target(%dma_start3A_153 : memref<10240x64xf32, #tpu.memory_space<vmem_shared>>) offsets(%dma_start3A_150 : memref<40xi32, #tpu.memory_space<vmem>>) semaphore(%run_scoped3A : memref<!tpu.dma_semaphore, #tpu.memory_space<semaphore_mem>>) {add = true}
          %dma_wait3A_154 = arith.constant 0 : i32
          %dma_wait3A_155 = tpu.memref_slice %arg14[%add3A_147, %dma_wait3A_154] : memref<250x40xi32, #tpu.memory_space<vmem>> -> memref<1x40xi32, #tpu.memory_space<vmem>>
          %dma_wait3A_156 = tpu.memref_squeeze %dma_wait3A_155 : memref<1x40xi32, #tpu.memory_space<vmem>> -> memref<40xi32, #tpu.memory_space<vmem>>
          %dma_wait3A_157 = arith.constant 0 : i32
          %dma_wait3A_158 = arith.constant 0 : i32
          %dma_wait3A_159 = tpu.memref_slice %arg20[%dma_wait3A_157, %dma_wait3A_158] : memref<10240x64xf32, #tpu.memory_space<vmem_shared>> -> memref<10240x64xf32, #tpu.memory_space<vmem_shared>>
          tpu.wait_indirect_dma semaphore(%run_scoped3A : memref<!tpu.dma_semaphore, #tpu.memory_space<semaphore_mem>>) src(%arg16 : memref<40x64xf32, #tpu.memory_space<vmem>>) dst(%dma_wait3A_159 : memref<10240x64xf32, #tpu.memory_space<vmem_shared>>)
          tpu.yield
        }) : () -> ()
        "tpu.region"() ({
          %run_scoped3A = tpu.sem_alloc : memref<!tpu.dma_semaphore, #tpu.memory_space<semaphore_mem>>
          %dma_start3A_148 = arith.constant 0 : i32
          %dma_start3A_149 = tpu.memref_slice %arg14[%add3A_147, %dma_start3A_148] : memref<250x40xi32, #tpu.memory_space<vmem>> -> memref<1x40xi32, #tpu.memory_space<vmem>>
          %dma_start3A_150 = tpu.memref_squeeze %dma_start3A_149 : memref<1x40xi32, #tpu.memory_space<vmem>> -> memref<40xi32, #tpu.memory_space<vmem>>
          %dma_start3A_151 = arith.constant 0 : i32
          %dma_start3A_152 = arith.constant 0 : i32
          %dma_start3A_153 = tpu.memref_slice %arg21[%dma_start3A_151, %dma_start3A_152] : memref<10240x16xf32, #tpu.memory_space<vmem_shared>> -> memref<10240x16xf32, #tpu.memory_space<vmem_shared>>
          tpu.enqueue_indirect_dma source(%arg19 : memref<40x16xf32, #tpu.memory_space<vmem>>) target(%dma_start3A_153 : memref<10240x16xf32, #tpu.memory_space<vmem_shared>>) offsets(%dma_start3A_150 : memref<40xi32, #tpu.memory_space<vmem>>) semaphore(%run_scoped3A : memref<!tpu.dma_semaphore, #tpu.memory_space<semaphore_mem>>) {add = true}
          %dma_wait3A_154 = arith.constant 0 : i32
          %dma_wait3A_155 = tpu.memref_slice %arg14[%add3A_147, %dma_wait3A_154] : memref<250x40xi32, #tpu.memory_space<vmem>> -> memref<1x40xi32, #tpu.memory_space<vmem>>
          %dma_wait3A_156 = tpu.memref_squeeze %dma_wait3A_155 : memref<1x40xi32, #tpu.memory_space<vmem>> -> memref<40xi32, #tpu.memory_space<vmem>>
          %dma_wait3A_157 = arith.constant 0 : i32
          %dma_wait3A_158 = arith.constant 0 : i32
          %dma_wait3A_159 = tpu.memref_slice %arg21[%dma_wait3A_157, %dma_wait3A_158] : memref<10240x16xf32, #tpu.memory_space<vmem_shared>> -> memref<10240x16xf32, #tpu.memory_space<vmem_shared>>
          tpu.wait_indirect_dma semaphore(%run_scoped3A : memref<!tpu.dma_semaphore, #tpu.memory_space<semaphore_mem>>) src(%arg19 : memref<40x16xf32, #tpu.memory_space<vmem>>) dst(%dma_wait3A_159 : memref<10240x16xf32, #tpu.memory_space<vmem_shared>>)
          tpu.yield
        }) : () -> ()
      }
      %scan3A_113 = arith.constant 125 : i32
    } else {
    }
    %eq3A_40 = arith.constant 1 : i32
    %eq3A_41 = arith.cmpi eq, %arg0, %eq3A_40 : i32
    %convert_element_type3A_42 = arith.extui %eq3A_41 : i1 to i32
    %cond3A_43 = arith.constant 0 : i32
    %cond3A_44 = arith.cmpi ne, %convert_element_type3A_42, %cond3A_43 : i32
    scf.if %cond3A_44 {
      %dma_start3A = arith.constant 0 : i32
      %dma_start3A_103 = arith.constant 0 : i32
      %dma_start3A_104 = tpu.memref_slice %arg13[%dma_start3A, %dma_start3A_103] : memref<250x40xi32, #tpu.memory_space<vmem>> -> memref<1x40xi32, #tpu.memory_space<vmem>>
      %dma_start3A_105 = tpu.memref_squeeze %dma_start3A_104 : memref<1x40xi32, #tpu.memory_space<vmem>> -> memref<40xi32, #tpu.memory_space<vmem>>
      %dma_start3A_106 = arith.constant 0 : i32
      %dma_start3A_107 = arith.constant 0 : i32
      %dma_start3A_108 = tpu.memref_slice %arg4[%dma_start3A_106, %dma_start3A_107] : memref<10000x64xf32, #tpu.memory_space<hbm>> -> memref<10000x64xf32, #tpu.memory_space<hbm>>
      tpu.enqueue_indirect_dma source(%dma_start3A_108 : memref<10000x64xf32, #tpu.memory_space<hbm>>) target(%arg15 : memref<40x64xf32, #tpu.memory_space<vmem>>) offsets(%dma_start3A_105 : memref<40xi32, #tpu.memory_space<vmem>>) semaphore(%arg22 : memref<!tpu.dma_semaphore, #tpu.memory_space<semaphore_mem>>)
      %scan3A_109 = arith.constant 0 : i32
      %scan3A_110 = arith.constant 125 : i32
      %scan3A_111 = arith.addi %scan3A_109, %scan3A_110 : i32
      %scan3A_112 = arith.constant 1 : i32
      scf.for %scan3A_114 = %scan3A_109 to %scan3A_111 step %scan3A_112  : i32 {
        %mul3A_115 = arith.constant 1 : i32
        %mul3A_116 = arith.muli %scan3A_114, %mul3A_115 : i32
        %add3A_117 = arith.constant 0 : i32
        %add3A_118 = arith.addi %add3A_117, %mul3A_116 : i32
        %mul3A_119 = arith.constant 2 : i32
        %mul3A_120 = arith.muli %mul3A_119, %add3A_118 : i32
        %add3A_121 = arith.constant 1 : i32
        %add3A_122 = arith.addi %mul3A_120, %add3A_121 : i32
        %dma_start3A_123 = arith.constant 0 : i32
        %dma_start3A_124 = tpu.memref_slice %arg13[%add3A_122, %dma_start3A_123] : memref<250x40xi32, #tpu.memory_space<vmem>> -> memref<1x40xi32, #tpu.memory_space<vmem>>
        %dma_start3A_125 = tpu.memref_squeeze %dma_start3A_124 : memref<1x40xi32, #tpu.memory_space<vmem>> -> memref<40xi32, #tpu.memory_space<vmem>>
        %dma_start3A_126 = arith.constant 0 : i32
        %dma_start3A_127 = arith.constant 0 : i32
        %dma_start3A_128 = tpu.memref_slice %arg4[%dma_start3A_126, %dma_start3A_127] : memref<10000x64xf32, #tpu.memory_space<hbm>> -> memref<10000x64xf32, #tpu.memory_space<hbm>>
        tpu.enqueue_indirect_dma source(%dma_start3A_128 : memref<10000x64xf32, #tpu.memory_space<hbm>>) target(%arg16 : memref<40x64xf32, #tpu.memory_space<vmem>>) offsets(%dma_start3A_125 : memref<40xi32, #tpu.memory_space<vmem>>) semaphore(%arg23 : memref<!tpu.dma_semaphore, #tpu.memory_space<semaphore_mem>>)
        %dma_wait3A = arith.constant 0 : i32
        %dma_wait3A_129 = tpu.memref_slice %arg13[%mul3A_120, %dma_wait3A] : memref<250x40xi32, #tpu.memory_space<vmem>> -> memref<1x40xi32, #tpu.memory_space<vmem>>
        %dma_wait3A_130 = tpu.memref_squeeze %dma_wait3A_129 : memref<1x40xi32, #tpu.memory_space<vmem>> -> memref<40xi32, #tpu.memory_space<vmem>>
        %dma_wait3A_131 = arith.constant 0 : i32
        %dma_wait3A_132 = arith.constant 0 : i32
        %dma_wait3A_133 = tpu.memref_slice %arg4[%dma_wait3A_131, %dma_wait3A_132] : memref<10000x64xf32, #tpu.memory_space<hbm>> -> memref<10000x64xf32, #tpu.memory_space<hbm>>
        tpu.wait_indirect_dma semaphore(%arg22 : memref<!tpu.dma_semaphore, #tpu.memory_space<semaphore_mem>>) src(%dma_wait3A_133 : memref<10000x64xf32, #tpu.memory_space<hbm>>) dst(%arg15 : memref<40x64xf32, #tpu.memory_space<vmem>>)
        "tpu.region"() ({
          %run_scoped3A = tpu.sem_alloc : memref<!tpu.dma_semaphore, #tpu.memory_space<semaphore_mem>>
          %dma_start3A_148 = arith.constant 0 : i32
          %dma_start3A_149 = tpu.memref_slice %arg14[%mul3A_120, %dma_start3A_148] : memref<250x40xi32, #tpu.memory_space<vmem>> -> memref<1x40xi32, #tpu.memory_space<vmem>>
          %dma_start3A_150 = tpu.memref_squeeze %dma_start3A_149 : memref<1x40xi32, #tpu.memory_space<vmem>> -> memref<40xi32, #tpu.memory_space<vmem>>
          %dma_start3A_151 = arith.constant 0 : i32
          %dma_start3A_152 = arith.constant 0 : i32
          %dma_start3A_153 = tpu.memref_slice %arg20[%dma_start3A_151, %dma_start3A_152] : memref<10240x64xf32, #tpu.memory_space<vmem_shared>> -> memref<10240x64xf32, #tpu.memory_space<vmem_shared>>
          tpu.enqueue_indirect_dma source(%arg15 : memref<40x64xf32, #tpu.memory_space<vmem>>) target(%dma_start3A_153 : memref<10240x64xf32, #tpu.memory_space<vmem_shared>>) offsets(%dma_start3A_150 : memref<40xi32, #tpu.memory_space<vmem>>) semaphore(%run_scoped3A : memref<!tpu.dma_semaphore, #tpu.memory_space<semaphore_mem>>) {add = true}
          %dma_wait3A_154 = arith.constant 0 : i32
          %dma_wait3A_155 = tpu.memref_slice %arg14[%mul3A_120, %dma_wait3A_154] : memref<250x40xi32, #tpu.memory_space<vmem>> -> memref<1x40xi32, #tpu.memory_space<vmem>>
          %dma_wait3A_156 = tpu.memref_squeeze %dma_wait3A_155 : memref<1x40xi32, #tpu.memory_space<vmem>> -> memref<40xi32, #tpu.memory_space<vmem>>
          %dma_wait3A_157 = arith.constant 0 : i32
          %dma_wait3A_158 = arith.constant 0 : i32
          %dma_wait3A_159 = tpu.memref_slice %arg20[%dma_wait3A_157, %dma_wait3A_158] : memref<10240x64xf32, #tpu.memory_space<vmem_shared>> -> memref<10240x64xf32, #tpu.memory_space<vmem_shared>>
          tpu.wait_indirect_dma semaphore(%run_scoped3A : memref<!tpu.dma_semaphore, #tpu.memory_space<semaphore_mem>>) src(%arg15 : memref<40x64xf32, #tpu.memory_space<vmem>>) dst(%dma_wait3A_159 : memref<10240x64xf32, #tpu.memory_space<vmem_shared>>)
          tpu.yield
        }) : () -> ()
        %lt3A = arith.constant 124 : i32
        %lt3A_134 = arith.cmpi slt, %add3A_118, %lt3A : i32
        %convert_element_type3A_135 = arith.extui %lt3A_134 : i1 to i32
        %cond3A_136 = arith.constant 0 : i32
        %cond3A_137 = arith.cmpi ne, %convert_element_type3A_135, %cond3A_136 : i32
        scf.if %cond3A_137 {
          %add3A_148 = arith.constant 2 : i32
          %add3A_149 = arith.addi %mul3A_120, %add3A_148 : i32
          %dma_start3A_150 = arith.constant 0 : i32
          %dma_start3A_151 = tpu.memref_slice %arg13[%add3A_149, %dma_start3A_150] : memref<250x40xi32, #tpu.memory_space<vmem>> -> memref<1x40xi32, #tpu.memory_space<vmem>>
          %dma_start3A_152 = tpu.memref_squeeze %dma_start3A_151 : memref<1x40xi32, #tpu.memory_space<vmem>> -> memref<40xi32, #tpu.memory_space<vmem>>
          %dma_start3A_153 = arith.constant 0 : i32
          %dma_start3A_154 = arith.constant 0 : i32
          %dma_start3A_155 = tpu.memref_slice %arg4[%dma_start3A_153, %dma_start3A_154] : memref<10000x64xf32, #tpu.memory_space<hbm>> -> memref<10000x64xf32, #tpu.memory_space<hbm>>
          tpu.enqueue_indirect_dma source(%dma_start3A_155 : memref<10000x64xf32, #tpu.memory_space<hbm>>) target(%arg15 : memref<40x64xf32, #tpu.memory_space<vmem>>) offsets(%dma_start3A_152 : memref<40xi32, #tpu.memory_space<vmem>>) semaphore(%arg22 : memref<!tpu.dma_semaphore, #tpu.memory_space<semaphore_mem>>)
        } else {
        }
        %add3A_138 = arith.constant 1 : i32
        %add3A_139 = arith.addi %mul3A_120, %add3A_138 : i32
        %dma_wait3A_140 = arith.constant 0 : i32
        %dma_wait3A_141 = tpu.memref_slice %arg13[%add3A_139, %dma_wait3A_140] : memref<250x40xi32, #tpu.memory_space<vmem>> -> memref<1x40xi32, #tpu.memory_space<vmem>>
        %dma_wait3A_142 = tpu.memref_squeeze %dma_wait3A_141 : memref<1x40xi32, #tpu.memory_space<vmem>> -> memref<40xi32, #tpu.memory_space<vmem>>
        %dma_wait3A_143 = arith.constant 0 : i32
        %dma_wait3A_144 = arith.constant 0 : i32
        %dma_wait3A_145 = tpu.memref_slice %arg4[%dma_wait3A_143, %dma_wait3A_144] : memref<10000x64xf32, #tpu.memory_space<hbm>> -> memref<10000x64xf32, #tpu.memory_space<hbm>>
        tpu.wait_indirect_dma semaphore(%arg23 : memref<!tpu.dma_semaphore, #tpu.memory_space<semaphore_mem>>) src(%dma_wait3A_145 : memref<10000x64xf32, #tpu.memory_space<hbm>>) dst(%arg16 : memref<40x64xf32, #tpu.memory_space<vmem>>)
        %add3A_146 = arith.constant 1 : i32
        %add3A_147 = arith.addi %mul3A_120, %add3A_146 : i32
        "tpu.region"() ({
          %run_scoped3A = tpu.sem_alloc : memref<!tpu.dma_semaphore, #tpu.memory_space<semaphore_mem>>
          %dma_start3A_148 = arith.constant 0 : i32
          %dma_start3A_149 = tpu.memref_slice %arg14[%add3A_147, %dma_start3A_148] : memref<250x40xi32, #tpu.memory_space<vmem>> -> memref<1x40xi32, #tpu.memory_space<vmem>>
          %dma_start3A_150 = tpu.memref_squeeze %dma_start3A_149 : memref<1x40xi32, #tpu.memory_space<vmem>> -> memref<40xi32, #tpu.memory_space<vmem>>
          %dma_start3A_151 = arith.constant 0 : i32
          %dma_start3A_152 = arith.constant 0 : i32
          %dma_start3A_153 = tpu.memref_slice %arg20[%dma_start3A_151, %dma_start3A_152] : memref<10240x64xf32, #tpu.memory_space<vmem_shared>> -> memref<10240x64xf32, #tpu.memory_space<vmem_shared>>
          tpu.enqueue_indirect_dma source(%arg16 : memref<40x64xf32, #tpu.memory_space<vmem>>) target(%dma_start3A_153 : memref<10240x64xf32, #tpu.memory_space<vmem_shared>>) offsets(%dma_start3A_150 : memref<40xi32, #tpu.memory_space<vmem>>) semaphore(%run_scoped3A : memref<!tpu.dma_semaphore, #tpu.memory_space<semaphore_mem>>) {add = true}
          %dma_wait3A_154 = arith.constant 0 : i32
          %dma_wait3A_155 = tpu.memref_slice %arg14[%add3A_147, %dma_wait3A_154] : memref<250x40xi32, #tpu.memory_space<vmem>> -> memref<1x40xi32, #tpu.memory_space<vmem>>
          %dma_wait3A_156 = tpu.memref_squeeze %dma_wait3A_155 : memref<1x40xi32, #tpu.memory_space<vmem>> -> memref<40xi32, #tpu.memory_space<vmem>>
          %dma_wait3A_157 = arith.constant 0 : i32
          %dma_wait3A_158 = arith.constant 0 : i32
          %dma_wait3A_159 = tpu.memref_slice %arg20[%dma_wait3A_157, %dma_wait3A_158] : memref<10240x64xf32, #tpu.memory_space<vmem_shared>> -> memref<10240x64xf32, #tpu.memory_space<vmem_shared>>
          tpu.wait_indirect_dma semaphore(%run_scoped3A : memref<!tpu.dma_semaphore, #tpu.memory_space<semaphore_mem>>) src(%arg16 : memref<40x64xf32, #tpu.memory_space<vmem>>) dst(%dma_wait3A_159 : memref<10240x64xf32, #tpu.memory_space<vmem_shared>>)
          tpu.yield
        }) : () -> ()
      }
      %scan3A_113 = arith.constant 125 : i32
    } else {
    }
    %barrier3A_45 = arith.constant 0 : index
    tpu.barrier barrier_id(%barrier3A_45)
    %eq3A_46 = arith.constant 0 : i32
    %eq3A_47 = arith.cmpi eq, %arg0, %eq3A_46 : i32
    %convert_element_type3A_48 = arith.extui %eq3A_47 : i1 to i32
    %cond3A_49 = arith.constant 0 : i32
    %cond3A_50 = arith.cmpi ne, %convert_element_type3A_48, %cond3A_49 : i32
    scf.if %cond3A_50 {
      %mul3A_103 = arith.constant 640 : i32
      %mul3A_104 = arith.muli %arg1, %mul3A_103 : i32
      "tpu.region"() ({
        %run_scoped3A = tpu.sem_alloc : memref<!tpu.dma_semaphore, #tpu.memory_space<semaphore_mem>>
        %dma_start3A = arith.constant 0 : i32
        %dma_start3A_105 = arith.constant 0 : i32
        %dma_start3A_106 = tpu.memref_slice %arg8[%arg1, %dma_start3A, %dma_start3A_105] : memref<16x640x64xf32, #tpu.memory_space<hbm>> -> memref<1x640x64xf32, #tpu.memory_space<hbm>>
        %dma_start3A_107 = tpu.memref_squeeze %dma_start3A_106 : memref<1x640x64xf32, #tpu.memory_space<hbm>> -> memref<640x64xf32, #tpu.memory_space<hbm>>
        %dma_start3A_108 = arith.constant 0 : i32
        %dma_start3A_109 = tpu.memref_slice %arg20[%mul3A_104, %dma_start3A_108] : memref<10240x64xf32, #tpu.memory_space<vmem_shared>> -> memref<640x64xf32, #tpu.memory_space<vmem_shared>>
        tpu.enqueue_dma source(%dma_start3A_109 : memref<640x64xf32, #tpu.memory_space<vmem_shared>>) target(%dma_start3A_107 : memref<640x64xf32, #tpu.memory_space<hbm>>) target_semaphore(%run_scoped3A : memref<!tpu.dma_semaphore, #tpu.memory_space<semaphore_mem>>)
        %dma_wait3A = arith.constant 0 : i32
        %dma_wait3A_110 = arith.constant 0 : i32
        %dma_wait3A_111 = tpu.memref_slice %arg8[%arg1, %dma_wait3A, %dma_wait3A_110] : memref<16x640x64xf32, #tpu.memory_space<hbm>> -> memref<1x640x64xf32, #tpu.memory_space<hbm>>
        %dma_wait3A_112 = tpu.memref_squeeze %dma_wait3A_111 : memref<1x640x64xf32, #tpu.memory_space<hbm>> -> memref<640x64xf32, #tpu.memory_space<hbm>>
        %dma_wait3A_113 = arith.constant 0 : i32
        %dma_wait3A_114 = tpu.memref_slice %arg20[%mul3A_104, %dma_wait3A_113] : memref<10240x64xf32, #tpu.memory_space<vmem_shared>> -> memref<640x64xf32, #tpu.memory_space<vmem_shared>>
        tpu.wait_dma2 semaphore(%run_scoped3A : memref<!tpu.dma_semaphore, #tpu.memory_space<semaphore_mem>>) src(%dma_wait3A_114 : memref<640x64xf32, #tpu.memory_space<vmem_shared>>) dst(%dma_wait3A_112 : memref<640x64xf32, #tpu.memory_space<hbm>>)
        tpu.yield
      }) : () -> ()
    } else {
    }
    %eq3A_51 = arith.constant 1 : i32
    %eq3A_52 = arith.cmpi eq, %arg0, %eq3A_51 : i32
    %convert_element_type3A_53 = arith.extui %eq3A_52 : i1 to i32
    %cond3A_54 = arith.constant 0 : i32
    %cond3A_55 = arith.cmpi ne, %convert_element_type3A_53, %cond3A_54 : i32
    scf.if %cond3A_55 {
      %mul3A_103 = arith.constant 640 : i32
      %mul3A_104 = arith.muli %arg1, %mul3A_103 : i32
      "tpu.region"() ({
        %run_scoped3A = tpu.sem_alloc : memref<!tpu.dma_semaphore, #tpu.memory_space<semaphore_mem>>
        %dma_start3A = arith.constant 0 : i32
        %dma_start3A_105 = arith.constant 0 : i32
        %dma_start3A_106 = tpu.memref_slice %arg10[%arg1, %dma_start3A, %dma_start3A_105] : memref<16x640x64xf32, #tpu.memory_space<hbm>> -> memref<1x640x64xf32, #tpu.memory_space<hbm>>
        %dma_start3A_107 = tpu.memref_squeeze %dma_start3A_106 : memref<1x640x64xf32, #tpu.memory_space<hbm>> -> memref<640x64xf32, #tpu.memory_space<hbm>>
        %dma_start3A_108 = arith.constant 0 : i32
        %dma_start3A_109 = tpu.memref_slice %arg20[%mul3A_104, %dma_start3A_108] : memref<10240x64xf32, #tpu.memory_space<vmem_shared>> -> memref<640x64xf32, #tpu.memory_space<vmem_shared>>
        tpu.enqueue_dma source(%dma_start3A_109 : memref<640x64xf32, #tpu.memory_space<vmem_shared>>) target(%dma_start3A_107 : memref<640x64xf32, #tpu.memory_space<hbm>>) target_semaphore(%run_scoped3A : memref<!tpu.dma_semaphore, #tpu.memory_space<semaphore_mem>>)
        %dma_wait3A = arith.constant 0 : i32
        %dma_wait3A_110 = arith.constant 0 : i32
        %dma_wait3A_111 = tpu.memref_slice %arg10[%arg1, %dma_wait3A, %dma_wait3A_110] : memref<16x640x64xf32, #tpu.memory_space<hbm>> -> memref<1x640x64xf32, #tpu.memory_space<hbm>>
        %dma_wait3A_112 = tpu.memref_squeeze %dma_wait3A_111 : memref<1x640x64xf32, #tpu.memory_space<hbm>> -> memref<640x64xf32, #tpu.memory_space<hbm>>
        %dma_wait3A_113 = arith.constant 0 : i32
        %dma_wait3A_114 = tpu.memref_slice %arg20[%mul3A_104, %dma_wait3A_113] : memref<10240x64xf32, #tpu.memory_space<vmem_shared>> -> memref<640x64xf32, #tpu.memory_space<vmem_shared>>
        tpu.wait_dma2 semaphore(%run_scoped3A : memref<!tpu.dma_semaphore, #tpu.memory_space<semaphore_mem>>) src(%dma_wait3A_114 : memref<640x64xf32, #tpu.memory_space<vmem_shared>>) dst(%dma_wait3A_112 : memref<640x64xf32, #tpu.memory_space<hbm>>)
        tpu.yield
      }) : () -> ()
    } else {
    }
    %eq3A_56 = arith.constant 0 : i32
    %eq3A_57 = arith.cmpi eq, %arg0, %eq3A_56 : i32
    %convert_element_type3A_58 = arith.extui %eq3A_57 : i1 to i32
    %cond3A_59 = arith.constant 0 : i32
    %cond3A_60 = arith.cmpi ne, %convert_element_type3A_58, %cond3A_59 : i32
    scf.if %cond3A_60 {
      %mul3A_103 = arith.constant 640 : i32
      %mul3A_104 = arith.muli %arg1, %mul3A_103 : i32
      "tpu.region"() ({
        %run_scoped3A = tpu.sem_alloc : memref<!tpu.dma_semaphore, #tpu.memory_space<semaphore_mem>>
        %dma_start3A = arith.constant 0 : i32
        %dma_start3A_105 = arith.constant 0 : i32
        %dma_start3A_106 = tpu.memref_slice %arg12[%arg1, %dma_start3A, %dma_start3A_105] : memref<16x640x16xf32, #tpu.memory_space<hbm>> -> memref<1x640x16xf32, #tpu.memory_space<hbm>>
        %dma_start3A_107 = tpu.memref_squeeze %dma_start3A_106 : memref<1x640x16xf32, #tpu.memory_space<hbm>> -> memref<640x16xf32, #tpu.memory_space<hbm>>
        %dma_start3A_108 = arith.constant 0 : i32
        %dma_start3A_109 = tpu.memref_slice %arg21[%mul3A_104, %dma_start3A_108] : memref<10240x16xf32, #tpu.memory_space<vmem_shared>> -> memref<640x16xf32, #tpu.memory_space<vmem_shared>>
        tpu.enqueue_dma source(%dma_start3A_109 : memref<640x16xf32, #tpu.memory_space<vmem_shared>>) target(%dma_start3A_107 : memref<640x16xf32, #tpu.memory_space<hbm>>) target_semaphore(%run_scoped3A : memref<!tpu.dma_semaphore, #tpu.memory_space<semaphore_mem>>)
        %dma_wait3A = arith.constant 0 : i32
        %dma_wait3A_110 = arith.constant 0 : i32
        %dma_wait3A_111 = tpu.memref_slice %arg12[%arg1, %dma_wait3A, %dma_wait3A_110] : memref<16x640x16xf32, #tpu.memory_space<hbm>> -> memref<1x640x16xf32, #tpu.memory_space<hbm>>
        %dma_wait3A_112 = tpu.memref_squeeze %dma_wait3A_111 : memref<1x640x16xf32, #tpu.memory_space<hbm>> -> memref<640x16xf32, #tpu.memory_space<hbm>>
        %dma_wait3A_113 = arith.constant 0 : i32
        %dma_wait3A_114 = tpu.memref_slice %arg21[%mul3A_104, %dma_wait3A_113] : memref<10240x16xf32, #tpu.memory_space<vmem_shared>> -> memref<640x16xf32, #tpu.memory_space<vmem_shared>>
        tpu.wait_dma2 semaphore(%run_scoped3A : memref<!tpu.dma_semaphore, #tpu.memory_space<semaphore_mem>>) src(%dma_wait3A_114 : memref<640x16xf32, #tpu.memory_space<vmem_shared>>) dst(%dma_wait3A_112 : memref<640x16xf32, #tpu.memory_space<hbm>>)
        tpu.yield
      }) : () -> ()
    } else {
    }
    %mul3A_61 = arith.constant 640 : i32
    %mul3A_62 = arith.muli %arg1, %mul3A_61 : i32
    %add3A_63 = arith.constant 0 : i32
    %add3A_64 = arith.addi %mul3A_62, %add3A_63 : i32
    "tpu.region"() ({
      %run_scoped3A = tpu.sem_alloc : memref<!tpu.dma_semaphore, #tpu.memory_space<semaphore_mem>>
      %dma_start3A = arith.constant 0 : i32
      %dma_start3A_103 = tpu.memref_slice %arg20[%add3A_64, %dma_start3A] : memref<10240x64xf32, #tpu.memory_space<vmem_shared>> -> memref<128x64xf32, #tpu.memory_space<vmem_shared>>
      %dma_start3A_104 = arith.constant 0 : i32
      %dma_start3A_105 = tpu.memref_slice %arg20[%add3A_64, %dma_start3A_104] : memref<10240x64xf32, #tpu.memory_space<vmem_shared>> -> memref<128x64xf32, #tpu.memory_space<vmem_shared>>
      tpu.enqueue_dma source(%arg17 : memref<128x64xf32, #tpu.memory_space<vmem>>) target(%dma_start3A_105 : memref<128x64xf32, #tpu.memory_space<vmem_shared>>) target_semaphore(%run_scoped3A : memref<!tpu.dma_semaphore, #tpu.memory_space<semaphore_mem>>)
      %dma_wait3A = arith.constant 0 : i32
      %dma_wait3A_106 = tpu.memref_slice %arg20[%add3A_64, %dma_wait3A] : memref<10240x64xf32, #tpu.memory_space<vmem_shared>> -> memref<128x64xf32, #tpu.memory_space<vmem_shared>>
      %dma_wait3A_107 = arith.constant 0 : i32
      %dma_wait3A_108 = tpu.memref_slice %arg20[%add3A_64, %dma_wait3A_107] : memref<10240x64xf32, #tpu.memory_space<vmem_shared>> -> memref<128x64xf32, #tpu.memory_space<vmem_shared>>
      tpu.wait_dma2 semaphore(%run_scoped3A : memref<!tpu.dma_semaphore, #tpu.memory_space<semaphore_mem>>) src(%arg17 : memref<128x64xf32, #tpu.memory_space<vmem>>) dst(%dma_wait3A_108 : memref<128x64xf32, #tpu.memory_space<vmem_shared>>)
      tpu.yield
    }) : () -> ()
    %mul3A_65 = arith.constant 640 : i32
    %mul3A_66 = arith.muli %arg1, %mul3A_65 : i32
    %add3A_67 = arith.constant 128 : i32
    %add3A_68 = arith.addi %mul3A_66, %add3A_67 : i32
    "tpu.region"() ({
      %run_scoped3A = tpu.sem_alloc : memref<!tpu.dma_semaphore, #tpu.memory_space<semaphore_mem>>
      %dma_start3A = arith.constant 0 : i32
      %dma_start3A_103 = tpu.memref_slice %arg20[%add3A_68, %dma_start3A] : memref<10240x64xf32, #tpu.memory_space<vmem_shared>> -> memref<128x64xf32, #tpu.memory_space<vmem_shared>>
      %dma_start3A_104 = arith.constant 0 : i32
      %dma_start3A_105 = tpu.memref_slice %arg20[%add3A_68, %dma_start3A_104] : memref<10240x64xf32, #tpu.memory_space<vmem_shared>> -> memref<128x64xf32, #tpu.memory_space<vmem_shared>>
      tpu.enqueue_dma source(%arg17 : memref<128x64xf32, #tpu.memory_space<vmem>>) target(%dma_start3A_105 : memref<128x64xf32, #tpu.memory_space<vmem_shared>>) target_semaphore(%run_scoped3A : memref<!tpu.dma_semaphore, #tpu.memory_space<semaphore_mem>>)
      %dma_wait3A = arith.constant 0 : i32
      %dma_wait3A_106 = tpu.memref_slice %arg20[%add3A_68, %dma_wait3A] : memref<10240x64xf32, #tpu.memory_space<vmem_shared>> -> memref<128x64xf32, #tpu.memory_space<vmem_shared>>
      %dma_wait3A_107 = arith.constant 0 : i32
      %dma_wait3A_108 = tpu.memref_slice %arg20[%add3A_68, %dma_wait3A_107] : memref<10240x64xf32, #tpu.memory_space<vmem_shared>> -> memref<128x64xf32, #tpu.memory_space<vmem_shared>>
      tpu.wait_dma2 semaphore(%run_scoped3A : memref<!tpu.dma_semaphore, #tpu.memory_space<semaphore_mem>>) src(%arg17 : memref<128x64xf32, #tpu.memory_space<vmem>>) dst(%dma_wait3A_108 : memref<128x64xf32, #tpu.memory_space<vmem_shared>>)
      tpu.yield
    }) : () -> ()
    %mul3A_69 = arith.constant 640 : i32
    %mul3A_70 = arith.muli %arg1, %mul3A_69 : i32
    %add3A_71 = arith.constant 256 : i32
    %add3A_72 = arith.addi %mul3A_70, %add3A_71 : i32
    "tpu.region"() ({
      %run_scoped3A = tpu.sem_alloc : memref<!tpu.dma_semaphore, #tpu.memory_space<semaphore_mem>>
      %dma_start3A = arith.constant 0 : i32
      %dma_start3A_103 = tpu.memref_slice %arg20[%add3A_72, %dma_start3A] : memref<10240x64xf32, #tpu.memory_space<vmem_shared>> -> memref<128x64xf32, #tpu.memory_space<vmem_shared>>
      %dma_start3A_104 = arith.constant 0 : i32
      %dma_start3A_105 = tpu.memref_slice %arg20[%add3A_72, %dma_start3A_104] : memref<10240x64xf32, #tpu.memory_space<vmem_shared>> -> memref<128x64xf32, #tpu.memory_space<vmem_shared>>
      tpu.enqueue_dma source(%arg17 : memref<128x64xf32, #tpu.memory_space<vmem>>) target(%dma_start3A_105 : memref<128x64xf32, #tpu.memory_space<vmem_shared>>) target_semaphore(%run_scoped3A : memref<!tpu.dma_semaphore, #tpu.memory_space<semaphore_mem>>)
      %dma_wait3A = arith.constant 0 : i32
      %dma_wait3A_106 = tpu.memref_slice %arg20[%add3A_72, %dma_wait3A] : memref<10240x64xf32, #tpu.memory_space<vmem_shared>> -> memref<128x64xf32, #tpu.memory_space<vmem_shared>>
      %dma_wait3A_107 = arith.constant 0 : i32
      %dma_wait3A_108 = tpu.memref_slice %arg20[%add3A_72, %dma_wait3A_107] : memref<10240x64xf32, #tpu.memory_space<vmem_shared>> -> memref<128x64xf32, #tpu.memory_space<vmem_shared>>
      tpu.wait_dma2 semaphore(%run_scoped3A : memref<!tpu.dma_semaphore, #tpu.memory_space<semaphore_mem>>) src(%arg17 : memref<128x64xf32, #tpu.memory_space<vmem>>) dst(%dma_wait3A_108 : memref<128x64xf32, #tpu.memory_space<vmem_shared>>)
      tpu.yield
    }) : () -> ()
    %mul3A_73 = arith.constant 640 : i32
    %mul3A_74 = arith.muli %arg1, %mul3A_73 : i32
    %add3A_75 = arith.constant 384 : i32
    %add3A_76 = arith.addi %mul3A_74, %add3A_75 : i32
    "tpu.region"() ({
      %run_scoped3A = tpu.sem_alloc : memref<!tpu.dma_semaphore, #tpu.memory_space<semaphore_mem>>
      %dma_start3A = arith.constant 0 : i32
      %dma_start3A_103 = tpu.memref_slice %arg20[%add3A_76, %dma_start3A] : memref<10240x64xf32, #tpu.memory_space<vmem_shared>> -> memref<128x64xf32, #tpu.memory_space<vmem_shared>>
      %dma_start3A_104 = arith.constant 0 : i32
      %dma_start3A_105 = tpu.memref_slice %arg20[%add3A_76, %dma_start3A_104] : memref<10240x64xf32, #tpu.memory_space<vmem_shared>> -> memref<128x64xf32, #tpu.memory_space<vmem_shared>>
      tpu.enqueue_dma source(%arg17 : memref<128x64xf32, #tpu.memory_space<vmem>>) target(%dma_start3A_105 : memref<128x64xf32, #tpu.memory_space<vmem_shared>>) target_semaphore(%run_scoped3A : memref<!tpu.dma_semaphore, #tpu.memory_space<semaphore_mem>>)
      %dma_wait3A = arith.constant 0 : i32
      %dma_wait3A_106 = tpu.memref_slice %arg20[%add3A_76, %dma_wait3A] : memref<10240x64xf32, #tpu.memory_space<vmem_shared>> -> memref<128x64xf32, #tpu.memory_space<vmem_shared>>
      %dma_wait3A_107 = arith.constant 0 : i32
      %dma_wait3A_108 = tpu.memref_slice %arg20[%add3A_76, %dma_wait3A_107] : memref<10240x64xf32, #tpu.memory_space<vmem_shared>> -> memref<128x64xf32, #tpu.memory_space<vmem_shared>>
      tpu.wait_dma2 semaphore(%run_scoped3A : memref<!tpu.dma_semaphore, #tpu.memory_space<semaphore_mem>>) src(%arg17 : memref<128x64xf32, #tpu.memory_space<vmem>>) dst(%dma_wait3A_108 : memref<128x64xf32, #tpu.memory_space<vmem_shared>>)
      tpu.yield
    }) : () -> ()
    %mul3A_77 = arith.constant 640 : i32
    %mul3A_78 = arith.muli %arg1, %mul3A_77 : i32
    %add3A_79 = arith.constant 512 : i32
    %add3A_80 = arith.addi %mul3A_78, %add3A_79 : i32
    "tpu.region"() ({
      %run_scoped3A = tpu.sem_alloc : memref<!tpu.dma_semaphore, #tpu.memory_space<semaphore_mem>>
      %dma_start3A = arith.constant 0 : i32
      %dma_start3A_103 = tpu.memref_slice %arg20[%add3A_80, %dma_start3A] : memref<10240x64xf32, #tpu.memory_space<vmem_shared>> -> memref<128x64xf32, #tpu.memory_space<vmem_shared>>
      %dma_start3A_104 = arith.constant 0 : i32
      %dma_start3A_105 = tpu.memref_slice %arg20[%add3A_80, %dma_start3A_104] : memref<10240x64xf32, #tpu.memory_space<vmem_shared>> -> memref<128x64xf32, #tpu.memory_space<vmem_shared>>
      tpu.enqueue_dma source(%arg17 : memref<128x64xf32, #tpu.memory_space<vmem>>) target(%dma_start3A_105 : memref<128x64xf32, #tpu.memory_space<vmem_shared>>) target_semaphore(%run_scoped3A : memref<!tpu.dma_semaphore, #tpu.memory_space<semaphore_mem>>)
      %dma_wait3A = arith.constant 0 : i32
      %dma_wait3A_106 = tpu.memref_slice %arg20[%add3A_80, %dma_wait3A] : memref<10240x64xf32, #tpu.memory_space<vmem_shared>> -> memref<128x64xf32, #tpu.memory_space<vmem_shared>>
      %dma_wait3A_107 = arith.constant 0 : i32
      %dma_wait3A_108 = tpu.memref_slice %arg20[%add3A_80, %dma_wait3A_107] : memref<10240x64xf32, #tpu.memory_space<vmem_shared>> -> memref<128x64xf32, #tpu.memory_space<vmem_shared>>
      tpu.wait_dma2 semaphore(%run_scoped3A : memref<!tpu.dma_semaphore, #tpu.memory_space<semaphore_mem>>) src(%arg17 : memref<128x64xf32, #tpu.memory_space<vmem>>) dst(%dma_wait3A_108 : memref<128x64xf32, #tpu.memory_space<vmem_shared>>)
      tpu.yield
    }) : () -> ()
    %barrier3A_81 = arith.constant 0 : index
    tpu.barrier barrier_id(%barrier3A_81)
    %eq3A_82 = arith.constant 0 : i32
    %eq3A_83 = arith.cmpi eq, %arg0, %eq3A_82 : i32
    %convert_element_type3A_84 = arith.extui %eq3A_83 : i1 to i32
    %cond3A_85 = arith.constant 0 : i32
    %cond3A_86 = arith.cmpi ne, %convert_element_type3A_84, %cond3A_85 : i32
    scf.if %cond3A_86 {
      %dma_start3A = arith.constant 0 : i32
      %dma_start3A_103 = arith.constant 0 : i32
      %dma_start3A_104 = tpu.memref_slice %arg13[%dma_start3A, %dma_start3A_103] : memref<250x40xi32, #tpu.memory_space<vmem>> -> memref<1x40xi32, #tpu.memory_space<vmem>>
      %dma_start3A_105 = tpu.memref_squeeze %dma_start3A_104 : memref<1x40xi32, #tpu.memory_space<vmem>> -> memref<40xi32, #tpu.memory_space<vmem>>
      %dma_start3A_106 = arith.constant 0 : i32
      %dma_start3A_107 = arith.constant 0 : i32
      %dma_start3A_108 = tpu.memref_slice %arg3[%dma_start3A_106, %dma_start3A_107] : memref<10000x64xf32, #tpu.memory_space<hbm>> -> memref<10000x64xf32, #tpu.memory_space<hbm>>
      tpu.enqueue_indirect_dma source(%dma_start3A_108 : memref<10000x64xf32, #tpu.memory_space<hbm>>) target(%arg15 : memref<40x64xf32, #tpu.memory_space<vmem>>) offsets(%dma_start3A_105 : memref<40xi32, #tpu.memory_space<vmem>>) semaphore(%arg22 : memref<!tpu.dma_semaphore, #tpu.memory_space<semaphore_mem>>)
      %scan3A_109 = arith.constant 0 : i32
      %scan3A_110 = arith.constant 125 : i32
      %scan3A_111 = arith.addi %scan3A_109, %scan3A_110 : i32
      %scan3A_112 = arith.constant 1 : i32
      scf.for %scan3A_114 = %scan3A_109 to %scan3A_111 step %scan3A_112  : i32 {
        %mul3A_115 = arith.constant 1 : i32
        %mul3A_116 = arith.muli %scan3A_114, %mul3A_115 : i32
        %add3A_117 = arith.constant 0 : i32
        %add3A_118 = arith.addi %add3A_117, %mul3A_116 : i32
        %mul3A_119 = arith.constant 2 : i32
        %mul3A_120 = arith.muli %mul3A_119, %add3A_118 : i32
        %add3A_121 = arith.constant 1 : i32
        %add3A_122 = arith.addi %mul3A_120, %add3A_121 : i32
        %dma_start3A_123 = arith.constant 0 : i32
        %dma_start3A_124 = tpu.memref_slice %arg13[%add3A_122, %dma_start3A_123] : memref<250x40xi32, #tpu.memory_space<vmem>> -> memref<1x40xi32, #tpu.memory_space<vmem>>
        %dma_start3A_125 = tpu.memref_squeeze %dma_start3A_124 : memref<1x40xi32, #tpu.memory_space<vmem>> -> memref<40xi32, #tpu.memory_space<vmem>>
        %dma_start3A_126 = arith.constant 0 : i32
        %dma_start3A_127 = arith.constant 0 : i32
        %dma_start3A_128 = tpu.memref_slice %arg3[%dma_start3A_126, %dma_start3A_127] : memref<10000x64xf32, #tpu.memory_space<hbm>> -> memref<10000x64xf32, #tpu.memory_space<hbm>>
        tpu.enqueue_indirect_dma source(%dma_start3A_128 : memref<10000x64xf32, #tpu.memory_space<hbm>>) target(%arg16 : memref<40x64xf32, #tpu.memory_space<vmem>>) offsets(%dma_start3A_125 : memref<40xi32, #tpu.memory_space<vmem>>) semaphore(%arg23 : memref<!tpu.dma_semaphore, #tpu.memory_space<semaphore_mem>>)
        %dma_wait3A = arith.constant 0 : i32
        %dma_wait3A_129 = tpu.memref_slice %arg13[%mul3A_120, %dma_wait3A] : memref<250x40xi32, #tpu.memory_space<vmem>> -> memref<1x40xi32, #tpu.memory_space<vmem>>
        %dma_wait3A_130 = tpu.memref_squeeze %dma_wait3A_129 : memref<1x40xi32, #tpu.memory_space<vmem>> -> memref<40xi32, #tpu.memory_space<vmem>>
        %dma_wait3A_131 = arith.constant 0 : i32
        %dma_wait3A_132 = arith.constant 0 : i32
        %dma_wait3A_133 = tpu.memref_slice %arg3[%dma_wait3A_131, %dma_wait3A_132] : memref<10000x64xf32, #tpu.memory_space<hbm>> -> memref<10000x64xf32, #tpu.memory_space<hbm>>
        tpu.wait_indirect_dma semaphore(%arg22 : memref<!tpu.dma_semaphore, #tpu.memory_space<semaphore_mem>>) src(%dma_wait3A_133 : memref<10000x64xf32, #tpu.memory_space<hbm>>) dst(%arg15 : memref<40x64xf32, #tpu.memory_space<vmem>>)
        "tpu.region"() ({
          %run_scoped3A = tpu.sem_alloc : memref<!tpu.dma_semaphore, #tpu.memory_space<semaphore_mem>>
          %dma_start3A_148 = arith.constant 0 : i32
          %dma_start3A_149 = tpu.memref_slice %arg14[%mul3A_120, %dma_start3A_148] : memref<250x40xi32, #tpu.memory_space<vmem>> -> memref<1x40xi32, #tpu.memory_space<vmem>>
          %dma_start3A_150 = tpu.memref_squeeze %dma_start3A_149 : memref<1x40xi32, #tpu.memory_space<vmem>> -> memref<40xi32, #tpu.memory_space<vmem>>
          %dma_start3A_151 = arith.constant 0 : i32
          %dma_start3A_152 = arith.constant 0 : i32
          %dma_start3A_153 = tpu.memref_slice %arg20[%dma_start3A_151, %dma_start3A_152] : memref<10240x64xf32, #tpu.memory_space<vmem_shared>> -> memref<10240x64xf32, #tpu.memory_space<vmem_shared>>
          tpu.enqueue_indirect_dma source(%arg15 : memref<40x64xf32, #tpu.memory_space<vmem>>) target(%dma_start3A_153 : memref<10240x64xf32, #tpu.memory_space<vmem_shared>>) offsets(%dma_start3A_150 : memref<40xi32, #tpu.memory_space<vmem>>) semaphore(%run_scoped3A : memref<!tpu.dma_semaphore, #tpu.memory_space<semaphore_mem>>) {add = true}
          %dma_wait3A_154 = arith.constant 0 : i32
          %dma_wait3A_155 = tpu.memref_slice %arg14[%mul3A_120, %dma_wait3A_154] : memref<250x40xi32, #tpu.memory_space<vmem>> -> memref<1x40xi32, #tpu.memory_space<vmem>>
          %dma_wait3A_156 = tpu.memref_squeeze %dma_wait3A_155 : memref<1x40xi32, #tpu.memory_space<vmem>> -> memref<40xi32, #tpu.memory_space<vmem>>
          %dma_wait3A_157 = arith.constant 0 : i32
          %dma_wait3A_158 = arith.constant 0 : i32
          %dma_wait3A_159 = tpu.memref_slice %arg20[%dma_wait3A_157, %dma_wait3A_158] : memref<10240x64xf32, #tpu.memory_space<vmem_shared>> -> memref<10240x64xf32, #tpu.memory_space<vmem_shared>>
          tpu.wait_indirect_dma semaphore(%run_scoped3A : memref<!tpu.dma_semaphore, #tpu.memory_space<semaphore_mem>>) src(%arg15 : memref<40x64xf32, #tpu.memory_space<vmem>>) dst(%dma_wait3A_159 : memref<10240x64xf32, #tpu.memory_space<vmem_shared>>)
          tpu.yield
        }) : () -> ()
        %lt3A = arith.constant 124 : i32
        %lt3A_134 = arith.cmpi slt, %add3A_118, %lt3A : i32
        %convert_element_type3A_135 = arith.extui %lt3A_134 : i1 to i32
        %cond3A_136 = arith.constant 0 : i32
        %cond3A_137 = arith.cmpi ne, %convert_element_type3A_135, %cond3A_136 : i32
        scf.if %cond3A_137 {
          %add3A_148 = arith.constant 2 : i32
          %add3A_149 = arith.addi %mul3A_120, %add3A_148 : i32
          %dma_start3A_150 = arith.constant 0 : i32
          %dma_start3A_151 = tpu.memref_slice %arg13[%add3A_149, %dma_start3A_150] : memref<250x40xi32, #tpu.memory_space<vmem>> -> memref<1x40xi32, #tpu.memory_space<vmem>>
          %dma_start3A_152 = tpu.memref_squeeze %dma_start3A_151 : memref<1x40xi32, #tpu.memory_space<vmem>> -> memref<40xi32, #tpu.memory_space<vmem>>
          %dma_start3A_153 = arith.constant 0 : i32
          %dma_start3A_154 = arith.constant 0 : i32
          %dma_start3A_155 = tpu.memref_slice %arg3[%dma_start3A_153, %dma_start3A_154] : memref<10000x64xf32, #tpu.memory_space<hbm>> -> memref<10000x64xf32, #tpu.memory_space<hbm>>
          tpu.enqueue_indirect_dma source(%dma_start3A_155 : memref<10000x64xf32, #tpu.memory_space<hbm>>) target(%arg15 : memref<40x64xf32, #tpu.memory_space<vmem>>) offsets(%dma_start3A_152 : memref<40xi32, #tpu.memory_space<vmem>>) semaphore(%arg22 : memref<!tpu.dma_semaphore, #tpu.memory_space<semaphore_mem>>)
        } else {
        }
        %add3A_138 = arith.constant 1 : i32
        %add3A_139 = arith.addi %mul3A_120, %add3A_138 : i32
        %dma_wait3A_140 = arith.constant 0 : i32
        %dma_wait3A_141 = tpu.memref_slice %arg13[%add3A_139, %dma_wait3A_140] : memref<250x40xi32, #tpu.memory_space<vmem>> -> memref<1x40xi32, #tpu.memory_space<vmem>>
        %dma_wait3A_142 = tpu.memref_squeeze %dma_wait3A_141 : memref<1x40xi32, #tpu.memory_space<vmem>> -> memref<40xi32, #tpu.memory_space<vmem>>
        %dma_wait3A_143 = arith.constant 0 : i32
        %dma_wait3A_144 = arith.constant 0 : i32
        %dma_wait3A_145 = tpu.memref_slice %arg3[%dma_wait3A_143, %dma_wait3A_144] : memref<10000x64xf32, #tpu.memory_space<hbm>> -> memref<10000x64xf32, #tpu.memory_space<hbm>>
        tpu.wait_indirect_dma semaphore(%arg23 : memref<!tpu.dma_semaphore, #tpu.memory_space<semaphore_mem>>) src(%dma_wait3A_145 : memref<10000x64xf32, #tpu.memory_space<hbm>>) dst(%arg16 : memref<40x64xf32, #tpu.memory_space<vmem>>)
        %add3A_146 = arith.constant 1 : i32
        %add3A_147 = arith.addi %mul3A_120, %add3A_146 : i32
        "tpu.region"() ({
          %run_scoped3A = tpu.sem_alloc : memref<!tpu.dma_semaphore, #tpu.memory_space<semaphore_mem>>
          %dma_start3A_148 = arith.constant 0 : i32
          %dma_start3A_149 = tpu.memref_slice %arg14[%add3A_147, %dma_start3A_148] : memref<250x40xi32, #tpu.memory_space<vmem>> -> memref<1x40xi32, #tpu.memory_space<vmem>>
          %dma_start3A_150 = tpu.memref_squeeze %dma_start3A_149 : memref<1x40xi32, #tpu.memory_space<vmem>> -> memref<40xi32, #tpu.memory_space<vmem>>
          %dma_start3A_151 = arith.constant 0 : i32
          %dma_start3A_152 = arith.constant 0 : i32
          %dma_start3A_153 = tpu.memref_slice %arg20[%dma_start3A_151, %dma_start3A_152] : memref<10240x64xf32, #tpu.memory_space<vmem_shared>> -> memref<10240x64xf32, #tpu.memory_space<vmem_shared>>
          tpu.enqueue_indirect_dma source(%arg16 : memref<40x64xf32, #tpu.memory_space<vmem>>) target(%dma_start3A_153 : memref<10240x64xf32, #tpu.memory_space<vmem_shared>>) offsets(%dma_start3A_150 : memref<40xi32, #tpu.memory_space<vmem>>) semaphore(%run_scoped3A : memref<!tpu.dma_semaphore, #tpu.memory_space<semaphore_mem>>) {add = true}
          %dma_wait3A_154 = arith.constant 0 : i32
          %dma_wait3A_155 = tpu.memref_slice %arg14[%add3A_147, %dma_wait3A_154] : memref<250x40xi32, #tpu.memory_space<vmem>> -> memref<1x40xi32, #tpu.memory_space<vmem>>
          %dma_wait3A_156 = tpu.memref_squeeze %dma_wait3A_155 : memref<1x40xi32, #tpu.memory_space<vmem>> -> memref<40xi32, #tpu.memory_space<vmem>>
          %dma_wait3A_157 = arith.constant 0 : i32
          %dma_wait3A_158 = arith.constant 0 : i32
          %dma_wait3A_159 = tpu.memref_slice %arg20[%dma_wait3A_157, %dma_wait3A_158] : memref<10240x64xf32, #tpu.memory_space<vmem_shared>> -> memref<10240x64xf32, #tpu.memory_space<vmem_shared>>
          tpu.wait_indirect_dma semaphore(%run_scoped3A : memref<!tpu.dma_semaphore, #tpu.memory_space<semaphore_mem>>) src(%arg16 : memref<40x64xf32, #tpu.memory_space<vmem>>) dst(%dma_wait3A_159 : memref<10240x64xf32, #tpu.memory_space<vmem_shared>>)
          tpu.yield
        }) : () -> ()
      }
      %scan3A_113 = arith.constant 125 : i32
    } else {
    }
    %eq3A_87 = arith.constant 1 : i32
    %eq3A_88 = arith.cmpi eq, %arg0, %eq3A_87 : i32
    %convert_element_type3A_89 = arith.extui %eq3A_88 : i1 to i32
    %cond3A_90 = arith.constant 0 : i32
    %cond3A_91 = arith.cmpi ne, %convert_element_type3A_89, %cond3A_90 : i32
    scf.if %cond3A_91 {
      %dma_start3A = arith.constant 0 : i32
      %dma_start3A_103 = arith.constant 0 : i32
      %dma_start3A_104 = tpu.memref_slice %arg13[%dma_start3A, %dma_start3A_103] : memref<250x40xi32, #tpu.memory_space<vmem>> -> memref<1x40xi32, #tpu.memory_space<vmem>>
      %dma_start3A_105 = tpu.memref_squeeze %dma_start3A_104 : memref<1x40xi32, #tpu.memory_space<vmem>> -> memref<40xi32, #tpu.memory_space<vmem>>
      %dma_start3A_106 = arith.constant 0 : i32
      %dma_start3A_107 = arith.constant 0 : i32
      %dma_start3A_108 = tpu.memref_slice %arg5[%dma_start3A_106, %dma_start3A_107] : memref<10000x64xf32, #tpu.memory_space<hbm>> -> memref<10000x64xf32, #tpu.memory_space<hbm>>
      tpu.enqueue_indirect_dma source(%dma_start3A_108 : memref<10000x64xf32, #tpu.memory_space<hbm>>) target(%arg15 : memref<40x64xf32, #tpu.memory_space<vmem>>) offsets(%dma_start3A_105 : memref<40xi32, #tpu.memory_space<vmem>>) semaphore(%arg22 : memref<!tpu.dma_semaphore, #tpu.memory_space<semaphore_mem>>)
      %scan3A_109 = arith.constant 0 : i32
      %scan3A_110 = arith.constant 125 : i32
      %scan3A_111 = arith.addi %scan3A_109, %scan3A_110 : i32
      %scan3A_112 = arith.constant 1 : i32
      scf.for %scan3A_114 = %scan3A_109 to %scan3A_111 step %scan3A_112  : i32 {
        %mul3A_115 = arith.constant 1 : i32
        %mul3A_116 = arith.muli %scan3A_114, %mul3A_115 : i32
        %add3A_117 = arith.constant 0 : i32
        %add3A_118 = arith.addi %add3A_117, %mul3A_116 : i32
        %mul3A_119 = arith.constant 2 : i32
        %mul3A_120 = arith.muli %mul3A_119, %add3A_118 : i32
        %add3A_121 = arith.constant 1 : i32
        %add3A_122 = arith.addi %mul3A_120, %add3A_121 : i32
        %dma_start3A_123 = arith.constant 0 : i32
        %dma_start3A_124 = tpu.memref_slice %arg13[%add3A_122, %dma_start3A_123] : memref<250x40xi32, #tpu.memory_space<vmem>> -> memref<1x40xi32, #tpu.memory_space<vmem>>
        %dma_start3A_125 = tpu.memref_squeeze %dma_start3A_124 : memref<1x40xi32, #tpu.memory_space<vmem>> -> memref<40xi32, #tpu.memory_space<vmem>>
        %dma_start3A_126 = arith.constant 0 : i32
        %dma_start3A_127 = arith.constant 0 : i32
        %dma_start3A_128 = tpu.memref_slice %arg5[%dma_start3A_126, %dma_start3A_127] : memref<10000x64xf32, #tpu.memory_space<hbm>> -> memref<10000x64xf32, #tpu.memory_space<hbm>>
        tpu.enqueue_indirect_dma source(%dma_start3A_128 : memref<10000x64xf32, #tpu.memory_space<hbm>>) target(%arg16 : memref<40x64xf32, #tpu.memory_space<vmem>>) offsets(%dma_start3A_125 : memref<40xi32, #tpu.memory_space<vmem>>) semaphore(%arg23 : memref<!tpu.dma_semaphore, #tpu.memory_space<semaphore_mem>>)
        %dma_wait3A = arith.constant 0 : i32
        %dma_wait3A_129 = tpu.memref_slice %arg13[%mul3A_120, %dma_wait3A] : memref<250x40xi32, #tpu.memory_space<vmem>> -> memref<1x40xi32, #tpu.memory_space<vmem>>
        %dma_wait3A_130 = tpu.memref_squeeze %dma_wait3A_129 : memref<1x40xi32, #tpu.memory_space<vmem>> -> memref<40xi32, #tpu.memory_space<vmem>>
        %dma_wait3A_131 = arith.constant 0 : i32
        %dma_wait3A_132 = arith.constant 0 : i32
        %dma_wait3A_133 = tpu.memref_slice %arg5[%dma_wait3A_131, %dma_wait3A_132] : memref<10000x64xf32, #tpu.memory_space<hbm>> -> memref<10000x64xf32, #tpu.memory_space<hbm>>
        tpu.wait_indirect_dma semaphore(%arg22 : memref<!tpu.dma_semaphore, #tpu.memory_space<semaphore_mem>>) src(%dma_wait3A_133 : memref<10000x64xf32, #tpu.memory_space<hbm>>) dst(%arg15 : memref<40x64xf32, #tpu.memory_space<vmem>>)
        "tpu.region"() ({
          %run_scoped3A = tpu.sem_alloc : memref<!tpu.dma_semaphore, #tpu.memory_space<semaphore_mem>>
          %dma_start3A_148 = arith.constant 0 : i32
          %dma_start3A_149 = tpu.memref_slice %arg14[%mul3A_120, %dma_start3A_148] : memref<250x40xi32, #tpu.memory_space<vmem>> -> memref<1x40xi32, #tpu.memory_space<vmem>>
          %dma_start3A_150 = tpu.memref_squeeze %dma_start3A_149 : memref<1x40xi32, #tpu.memory_space<vmem>> -> memref<40xi32, #tpu.memory_space<vmem>>
          %dma_start3A_151 = arith.constant 0 : i32
          %dma_start3A_152 = arith.constant 0 : i32
          %dma_start3A_153 = tpu.memref_slice %arg20[%dma_start3A_151, %dma_start3A_152] : memref<10240x64xf32, #tpu.memory_space<vmem_shared>> -> memref<10240x64xf32, #tpu.memory_space<vmem_shared>>
          tpu.enqueue_indirect_dma source(%arg15 : memref<40x64xf32, #tpu.memory_space<vmem>>) target(%dma_start3A_153 : memref<10240x64xf32, #tpu.memory_space<vmem_shared>>) offsets(%dma_start3A_150 : memref<40xi32, #tpu.memory_space<vmem>>) semaphore(%run_scoped3A : memref<!tpu.dma_semaphore, #tpu.memory_space<semaphore_mem>>) {add = true}
          %dma_wait3A_154 = arith.constant 0 : i32
          %dma_wait3A_155 = tpu.memref_slice %arg14[%mul3A_120, %dma_wait3A_154] : memref<250x40xi32, #tpu.memory_space<vmem>> -> memref<1x40xi32, #tpu.memory_space<vmem>>
          %dma_wait3A_156 = tpu.memref_squeeze %dma_wait3A_155 : memref<1x40xi32, #tpu.memory_space<vmem>> -> memref<40xi32, #tpu.memory_space<vmem>>
          %dma_wait3A_157 = arith.constant 0 : i32
          %dma_wait3A_158 = arith.constant 0 : i32
          %dma_wait3A_159 = tpu.memref_slice %arg20[%dma_wait3A_157, %dma_wait3A_158] : memref<10240x64xf32, #tpu.memory_space<vmem_shared>> -> memref<10240x64xf32, #tpu.memory_space<vmem_shared>>
          tpu.wait_indirect_dma semaphore(%run_scoped3A : memref<!tpu.dma_semaphore, #tpu.memory_space<semaphore_mem>>) src(%arg15 : memref<40x64xf32, #tpu.memory_space<vmem>>) dst(%dma_wait3A_159 : memref<10240x64xf32, #tpu.memory_space<vmem_shared>>)
          tpu.yield
        }) : () -> ()
        %lt3A = arith.constant 124 : i32
        %lt3A_134 = arith.cmpi slt, %add3A_118, %lt3A : i32
        %convert_element_type3A_135 = arith.extui %lt3A_134 : i1 to i32
        %cond3A_136 = arith.constant 0 : i32
        %cond3A_137 = arith.cmpi ne, %convert_element_type3A_135, %cond3A_136 : i32
        scf.if %cond3A_137 {
          %add3A_148 = arith.constant 2 : i32
          %add3A_149 = arith.addi %mul3A_120, %add3A_148 : i32
          %dma_start3A_150 = arith.constant 0 : i32
          %dma_start3A_151 = tpu.memref_slice %arg13[%add3A_149, %dma_start3A_150] : memref<250x40xi32, #tpu.memory_space<vmem>> -> memref<1x40xi32, #tpu.memory_space<vmem>>
          %dma_start3A_152 = tpu.memref_squeeze %dma_start3A_151 : memref<1x40xi32, #tpu.memory_space<vmem>> -> memref<40xi32, #tpu.memory_space<vmem>>
          %dma_start3A_153 = arith.constant 0 : i32
          %dma_start3A_154 = arith.constant 0 : i32
          %dma_start3A_155 = tpu.memref_slice %arg5[%dma_start3A_153, %dma_start3A_154] : memref<10000x64xf32, #tpu.memory_space<hbm>> -> memref<10000x64xf32, #tpu.memory_space<hbm>>
          tpu.enqueue_indirect_dma source(%dma_start3A_155 : memref<10000x64xf32, #tpu.memory_space<hbm>>) target(%arg15 : memref<40x64xf32, #tpu.memory_space<vmem>>) offsets(%dma_start3A_152 : memref<40xi32, #tpu.memory_space<vmem>>) semaphore(%arg22 : memref<!tpu.dma_semaphore, #tpu.memory_space<semaphore_mem>>)
        } else {
        }
        %add3A_138 = arith.constant 1 : i32
        %add3A_139 = arith.addi %mul3A_120, %add3A_138 : i32
        %dma_wait3A_140 = arith.constant 0 : i32
        %dma_wait3A_141 = tpu.memref_slice %arg13[%add3A_139, %dma_wait3A_140] : memref<250x40xi32, #tpu.memory_space<vmem>> -> memref<1x40xi32, #tpu.memory_space<vmem>>
        %dma_wait3A_142 = tpu.memref_squeeze %dma_wait3A_141 : memref<1x40xi32, #tpu.memory_space<vmem>> -> memref<40xi32, #tpu.memory_space<vmem>>
        %dma_wait3A_143 = arith.constant 0 : i32
        %dma_wait3A_144 = arith.constant 0 : i32
        %dma_wait3A_145 = tpu.memref_slice %arg5[%dma_wait3A_143, %dma_wait3A_144] : memref<10000x64xf32, #tpu.memory_space<hbm>> -> memref<10000x64xf32, #tpu.memory_space<hbm>>
        tpu.wait_indirect_dma semaphore(%arg23 : memref<!tpu.dma_semaphore, #tpu.memory_space<semaphore_mem>>) src(%dma_wait3A_145 : memref<10000x64xf32, #tpu.memory_space<hbm>>) dst(%arg16 : memref<40x64xf32, #tpu.memory_space<vmem>>)
        %add3A_146 = arith.constant 1 : i32
        %add3A_147 = arith.addi %mul3A_120, %add3A_146 : i32
        "tpu.region"() ({
          %run_scoped3A = tpu.sem_alloc : memref<!tpu.dma_semaphore, #tpu.memory_space<semaphore_mem>>
          %dma_start3A_148 = arith.constant 0 : i32
          %dma_start3A_149 = tpu.memref_slice %arg14[%add3A_147, %dma_start3A_148] : memref<250x40xi32, #tpu.memory_space<vmem>> -> memref<1x40xi32, #tpu.memory_space<vmem>>
          %dma_start3A_150 = tpu.memref_squeeze %dma_start3A_149 : memref<1x40xi32, #tpu.memory_space<vmem>> -> memref<40xi32, #tpu.memory_space<vmem>>
          %dma_start3A_151 = arith.constant 0 : i32
          %dma_start3A_152 = arith.constant 0 : i32
          %dma_start3A_153 = tpu.memref_slice %arg20[%dma_start3A_151, %dma_start3A_152] : memref<10240x64xf32, #tpu.memory_space<vmem_shared>> -> memref<10240x64xf32, #tpu.memory_space<vmem_shared>>
          tpu.enqueue_indirect_dma source(%arg16 : memref<40x64xf32, #tpu.memory_space<vmem>>) target(%dma_start3A_153 : memref<10240x64xf32, #tpu.memory_space<vmem_shared>>) offsets(%dma_start3A_150 : memref<40xi32, #tpu.memory_space<vmem>>) semaphore(%run_scoped3A : memref<!tpu.dma_semaphore, #tpu.memory_space<semaphore_mem>>) {add = true}
          %dma_wait3A_154 = arith.constant 0 : i32
          %dma_wait3A_155 = tpu.memref_slice %arg14[%add3A_147, %dma_wait3A_154] : memref<250x40xi32, #tpu.memory_space<vmem>> -> memref<1x40xi32, #tpu.memory_space<vmem>>
          %dma_wait3A_156 = tpu.memref_squeeze %dma_wait3A_155 : memref<1x40xi32, #tpu.memory_space<vmem>> -> memref<40xi32, #tpu.memory_space<vmem>>
          %dma_wait3A_157 = arith.constant 0 : i32
          %dma_wait3A_158 = arith.constant 0 : i32
          %dma_wait3A_159 = tpu.memref_slice %arg20[%dma_wait3A_157, %dma_wait3A_158] : memref<10240x64xf32, #tpu.memory_space<vmem_shared>> -> memref<10240x64xf32, #tpu.memory_space<vmem_shared>>
          tpu.wait_indirect_dma semaphore(%run_scoped3A : memref<!tpu.dma_semaphore, #tpu.memory_space<semaphore_mem>>) src(%arg16 : memref<40x64xf32, #tpu.memory_space<vmem>>) dst(%dma_wait3A_159 : memref<10240x64xf32, #tpu.memory_space<vmem_shared>>)
          tpu.yield
        }) : () -> ()
      }
      %scan3A_113 = arith.constant 125 : i32
    } else {
    }
    %barrier3A_92 = arith.constant 0 : index
    tpu.barrier barrier_id(%barrier3A_92)
    %eq3A_93 = arith.constant 0 : i32
    %eq3A_94 = arith.cmpi eq, %arg0, %eq3A_93 : i32
    %convert_element_type3A_95 = arith.extui %eq3A_94 : i1 to i32
    %cond3A_96 = arith.constant 0 : i32
    %cond3A_97 = arith.cmpi ne, %convert_element_type3A_95, %cond3A_96 : i32
    scf.if %cond3A_97 {
      %mul3A_103 = arith.constant 640 : i32
      %mul3A_104 = arith.muli %arg1, %mul3A_103 : i32
      "tpu.region"() ({
        %run_scoped3A = tpu.sem_alloc : memref<!tpu.dma_semaphore, #tpu.memory_space<semaphore_mem>>
        %dma_start3A = arith.constant 0 : i32
        %dma_start3A_105 = arith.constant 0 : i32
        %dma_start3A_106 = tpu.memref_slice %arg9[%arg1, %dma_start3A, %dma_start3A_105] : memref<16x640x64xf32, #tpu.memory_space<hbm>> -> memref<1x640x64xf32, #tpu.memory_space<hbm>>
        %dma_start3A_107 = tpu.memref_squeeze %dma_start3A_106 : memref<1x640x64xf32, #tpu.memory_space<hbm>> -> memref<640x64xf32, #tpu.memory_space<hbm>>
        %dma_start3A_108 = arith.constant 0 : i32
        %dma_start3A_109 = tpu.memref_slice %arg20[%mul3A_104, %dma_start3A_108] : memref<10240x64xf32, #tpu.memory_space<vmem_shared>> -> memref<640x64xf32, #tpu.memory_space<vmem_shared>>
        tpu.enqueue_dma source(%dma_start3A_109 : memref<640x64xf32, #tpu.memory_space<vmem_shared>>) target(%dma_start3A_107 : memref<640x64xf32, #tpu.memory_space<hbm>>) target_semaphore(%run_scoped3A : memref<!tpu.dma_semaphore, #tpu.memory_space<semaphore_mem>>)
        %dma_wait3A = arith.constant 0 : i32
        %dma_wait3A_110 = arith.constant 0 : i32
        %dma_wait3A_111 = tpu.memref_slice %arg9[%arg1, %dma_wait3A, %dma_wait3A_110] : memref<16x640x64xf32, #tpu.memory_space<hbm>> -> memref<1x640x64xf32, #tpu.memory_space<hbm>>
        %dma_wait3A_112 = tpu.memref_squeeze %dma_wait3A_111 : memref<1x640x64xf32, #tpu.memory_space<hbm>> -> memref<640x64xf32, #tpu.memory_space<hbm>>
        %dma_wait3A_113 = arith.constant 0 : i32
        %dma_wait3A_114 = tpu.memref_slice %arg20[%mul3A_104, %dma_wait3A_113] : memref<10240x64xf32, #tpu.memory_space<vmem_shared>> -> memref<640x64xf32, #tpu.memory_space<vmem_shared>>
        tpu.wait_dma2 semaphore(%run_scoped3A : memref<!tpu.dma_semaphore, #tpu.memory_space<semaphore_mem>>) src(%dma_wait3A_114 : memref<640x64xf32, #tpu.memory_space<vmem_shared>>) dst(%dma_wait3A_112 : memref<640x64xf32, #tpu.memory_space<hbm>>)
        tpu.yield
      }) : () -> ()
    } else {
    }
    %eq3A_98 = arith.constant 1 : i32
    %eq3A_99 = arith.cmpi eq, %arg0, %eq3A_98 : i32
    %convert_element_type3A_100 = arith.extui %eq3A_99 : i1 to i32
    %cond3A_101 = arith.constant 0 : i32
    %cond3A_102 = arith.cmpi ne, %convert_element_type3A_100, %cond3A_101 : i32
    scf.if %cond3A_102 {
      %mul3A_103 = arith.constant 640 : i32
      %mul3A_104 = arith.muli %arg1, %mul3A_103 : i32
      "tpu.region"() ({
        %run_scoped3A = tpu.sem_alloc : memref<!tpu.dma_semaphore, #tpu.memory_space<semaphore_mem>>
        %dma_start3A = arith.constant 0 : i32
        %dma_start3A_105 = arith.constant 0 : i32
        %dma_start3A_106 = tpu.memref_slice %arg11[%arg1, %dma_start3A, %dma_start3A_105] : memref<16x640x64xf32, #tpu.memory_space<hbm>> -> memref<1x640x64xf32, #tpu.memory_space<hbm>>
        %dma_start3A_107 = tpu.memref_squeeze %dma_start3A_106 : memref<1x640x64xf32, #tpu.memory_space<hbm>> -> memref<640x64xf32, #tpu.memory_space<hbm>>
        %dma_start3A_108 = arith.constant 0 : i32
        %dma_start3A_109 = tpu.memref_slice %arg20[%mul3A_104, %dma_start3A_108] : memref<10240x64xf32, #tpu.memory_space<vmem_shared>> -> memref<640x64xf32, #tpu.memory_space<vmem_shared>>
        tpu.enqueue_dma source(%dma_start3A_109 : memref<640x64xf32, #tpu.memory_space<vmem_shared>>) target(%dma_start3A_107 : memref<640x64xf32, #tpu.memory_space<hbm>>) target_semaphore(%run_scoped3A : memref<!tpu.dma_semaphore, #tpu.memory_space<semaphore_mem>>)
        %dma_wait3A = arith.constant 0 : i32
        %dma_wait3A_110 = arith.constant 0 : i32
        %dma_wait3A_111 = tpu.memref_slice %arg11[%arg1, %dma_wait3A, %dma_wait3A_110] : memref<16x640x64xf32, #tpu.memory_space<hbm>> -> memref<1x640x64xf32, #tpu.memory_space<hbm>>
        %dma_wait3A_112 = tpu.memref_squeeze %dma_wait3A_111 : memref<1x640x64xf32, #tpu.memory_space<hbm>> -> memref<640x64xf32, #tpu.memory_space<hbm>>
        %dma_wait3A_113 = arith.constant 0 : i32
        %dma_wait3A_114 = tpu.memref_slice %arg20[%mul3A_104, %dma_wait3A_113] : memref<10240x64xf32, #tpu.memory_space<vmem_shared>> -> memref<640x64xf32, #tpu.memory_space<vmem_shared>>
        tpu.wait_dma2 semaphore(%run_scoped3A : memref<!tpu.dma_semaphore, #tpu.memory_space<semaphore_mem>>) src(%dma_wait3A_114 : memref<640x64xf32, #tpu.memory_space<vmem_shared>>) dst(%dma_wait3A_112 : memref<640x64xf32, #tpu.memory_space<hbm>>)
        tpu.yield
      }) : () -> ()
    } else {
    }
    return
  }
}

#map = affine_map<(d0, d1) -> (0, 0)>
#map1 = affine_map<(d0, d1) -> (0, 0, 0)>
module attributes {stable_mosaic.version = 14 : i64} {
  func.func @body(%arg0: i32, %arg1: i32, %arg2: memref<10000x64xf32, #tpu.memory_space<hbm>>, %arg3: memref<10000x64xf32, #tpu.memory_space<hbm>>, %arg4: memref<10000x64xf32, #tpu.memory_space<hbm>>, %arg5: memref<10000x64xf32, #tpu.memory_space<hbm>>, %arg6: memref<16x250x40xi32, #tpu.memory_space<hbm>>, %arg7: memref<16x250x40xi32, #tpu.memory_space<hbm>>, %arg8: memref<16x640x64xf32, #tpu.memory_space<hbm>>, %arg9: memref<16x640x64xf32, #tpu.memory_space<hbm>>, %arg10: memref<16x640x64xf32, #tpu.memory_space<hbm>>, %arg11: memref<16x640x64xf32, #tpu.memory_space<hbm>>, %arg12: memref<250x40xi32, #tpu.memory_space<vmem>>, %arg13: memref<250x40xi32, #tpu.memory_space<vmem>>, %arg14: memref<40x64xf32, #tpu.memory_space<vmem>>, %arg15: memref<40x64xf32, #tpu.memory_space<vmem>>, %arg16: memref<128x64xf32, #tpu.memory_space<vmem>>, %arg17: memref<128x16xf32, #tpu.memory_space<vmem>>, %arg18: memref<40x16xf32, #tpu.memory_space<vmem>>, %arg19: memref<10240x64xf32, #tpu.memory_space<vmem_shared>>, %arg20: memref<10240x16xf32, #tpu.memory_space<vmem_shared>>, %arg21: memref<!tpu.dma_semaphore, #tpu.memory_space<semaphore_mem>>, %arg22: memref<!tpu.dma_semaphore, #tpu.memory_space<semaphore_mem>>) attributes {dimension_semantics = [#tpu.dimension_semantics<core_parallel>, #tpu.dimension_semantics<subcore_parallel>], iteration_bounds = array<i64: 2, 16>, scalar_prefetch = 0 : i64, scratch_operands = 11 : i64, tpu.core_type = #tpu.core_type<sc_vector_subcore>, window_params = [{transform_indices = #map}, {transform_indices = #map}, {transform_indices = #map}, {transform_indices = #map}, {transform_indices = #map1}, {transform_indices = #map1}, {transform_indices = #map1}, {transform_indices = #map1}, {transform_indices = #map1}, {transform_indices = #map1}]} {
    %broadcast_in_dim3A = arith.constant 0.000000e+00 : f32
    %broadcast_in_dim3A_0 = vector.broadcast %broadcast_in_dim3A : f32 to vector<16xf32>
    %scan3A = arith.constant 0 : i32
    %scan3A_1 = arith.constant 128 : i32
    %scan3A_2 = arith.addi %scan3A, %scan3A_1 : i32
    %scan3A_3 = arith.constant 1 : i32
    scf.for %scan3A_83 = %scan3A to %scan3A_2 step %scan3A_3  : i32 {
      %mul3A_84 = arith.constant 1 : i32
      %mul3A_85 = arith.muli %scan3A_83, %mul3A_84 : i32
      %add3A_86 = arith.constant 0 : i32
      %add3A_87 = arith.addi %add3A_86, %mul3A_85 : i32
      %swap3A = arith.index_cast %add3A_87 : i32 to index
      %swap3A_88 = arith.constant 0 : index
      %swap3A_89 = tpu.vector_load %arg16[%swap3A, %swap3A_88] {strides = array<i32>} : memref<128x64xf32, #tpu.memory_space<vmem>>, vector<1x16xf32>,
      %swap3A_90 = vector.shape_cast %swap3A_89 : vector<1x16xf32> to vector<16xf32>
      %swap3A_91 = vector.shape_cast %broadcast_in_dim3A_0 : vector<16xf32> to vector<1x16xf32>
      tpu.vector_store %arg16[%swap3A, %swap3A_88], %swap3A_91 {strides = array<i32>} : memref<128x64xf32, #tpu.memory_space<vmem>>, vector<1x16xf32>,
      %swap3A_92 = arith.index_cast %add3A_87 : i32 to index
      %swap3A_93 = arith.constant 16 : index
      %swap3A_94 = tpu.vector_load %arg16[%swap3A_92, %swap3A_93] {strides = array<i32>} : memref<128x64xf32, #tpu.memory_space<vmem>>, vector<1x16xf32>,
      %swap3A_95 = vector.shape_cast %swap3A_94 : vector<1x16xf32> to vector<16xf32>
      %swap3A_96 = vector.shape_cast %broadcast_in_dim3A_0 : vector<16xf32> to vector<1x16xf32>
      tpu.vector_store %arg16[%swap3A_92, %swap3A_93], %swap3A_96 {strides = array<i32>} : memref<128x64xf32, #tpu.memory_space<vmem>>, vector<1x16xf32>,
      %swap3A_97 = arith.index_cast %add3A_87 : i32 to index
      %swap3A_98 = arith.constant 32 : index
      %swap3A_99 = tpu.vector_load %arg16[%swap3A_97, %swap3A_98] {strides = array<i32>} : memref<128x64xf32, #tpu.memory_space<vmem>>, vector<1x16xf32>,
      %swap3A_100 = vector.shape_cast %swap3A_99 : vector<1x16xf32> to vector<16xf32>
      %swap3A_101 = vector.shape_cast %broadcast_in_dim3A_0 : vector<16xf32> to vector<1x16xf32>
      tpu.vector_store %arg16[%swap3A_97, %swap3A_98], %swap3A_101 {strides = array<i32>} : memref<128x64xf32, #tpu.memory_space<vmem>>, vector<1x16xf32>,
      %swap3A_102 = arith.index_cast %add3A_87 : i32 to index
      %swap3A_103 = arith.constant 48 : index
      %swap3A_104 = tpu.vector_load %arg16[%swap3A_102, %swap3A_103] {strides = array<i32>} : memref<128x64xf32, #tpu.memory_space<vmem>>, vector<1x16xf32>,
      %swap3A_105 = vector.shape_cast %swap3A_104 : vector<1x16xf32> to vector<16xf32>
      %swap3A_106 = vector.shape_cast %broadcast_in_dim3A_0 : vector<16xf32> to vector<1x16xf32>
      tpu.vector_store %arg16[%swap3A_102, %swap3A_103], %swap3A_106 {strides = array<i32>} : memref<128x64xf32, #tpu.memory_space<vmem>>, vector<1x16xf32>,
    }
    %scan3A_4 = arith.constant 128 : i32
    %mul3A = arith.constant 640 : i32
    %mul3A_5 = arith.muli %arg1, %mul3A : i32
    %add3A = arith.constant 0 : i32
    %add3A_6 = arith.addi %mul3A_5, %add3A : i32
    "tpu.region"() ({
      %run_scoped3A = tpu.sem_alloc : memref<!tpu.dma_semaphore, #tpu.memory_space<semaphore_mem>>
      %dma_start3A = arith.constant 0 : i32
      %dma_start3A_83 = tpu.memref_slice %arg19[%add3A_6, %dma_start3A] : memref<10240x64xf32, #tpu.memory_space<vmem_shared>> -> memref<128x64xf32, #tpu.memory_space<vmem_shared>>
      %dma_start3A_84 = arith.constant 0 : i32
      %dma_start3A_85 = tpu.memref_slice %arg19[%add3A_6, %dma_start3A_84] : memref<10240x64xf32, #tpu.memory_space<vmem_shared>> -> memref<128x64xf32, #tpu.memory_space<vmem_shared>>
      tpu.enqueue_dma source(%arg16 : memref<128x64xf32, #tpu.memory_space<vmem>>) target(%dma_start3A_85 : memref<128x64xf32, #tpu.memory_space<vmem_shared>>) target_semaphore(%run_scoped3A : memref<!tpu.dma_semaphore, #tpu.memory_space<semaphore_mem>>)
      %dma_wait3A = arith.constant 0 : i32
      %dma_wait3A_86 = tpu.memref_slice %arg19[%add3A_6, %dma_wait3A] : memref<10240x64xf32, #tpu.memory_space<vmem_shared>> -> memref<128x64xf32, #tpu.memory_space<vmem_shared>>
      %dma_wait3A_87 = arith.constant 0 : i32
      %dma_wait3A_88 = tpu.memref_slice %arg19[%add3A_6, %dma_wait3A_87] : memref<10240x64xf32, #tpu.memory_space<vmem_shared>> -> memref<128x64xf32, #tpu.memory_space<vmem_shared>>
      tpu.wait_dma2 semaphore(%run_scoped3A : memref<!tpu.dma_semaphore, #tpu.memory_space<semaphore_mem>>) src(%arg16 : memref<128x64xf32, #tpu.memory_space<vmem>>) dst(%dma_wait3A_88 : memref<128x64xf32, #tpu.memory_space<vmem_shared>>)
      tpu.yield
    }) : () -> ()
    %mul3A_7 = arith.constant 640 : i32
    %mul3A_8 = arith.muli %arg1, %mul3A_7 : i32
    %add3A_9 = arith.constant 128 : i32
    %add3A_10 = arith.addi %mul3A_8, %add3A_9 : i32
    "tpu.region"() ({
      %run_scoped3A = tpu.sem_alloc : memref<!tpu.dma_semaphore, #tpu.memory_space<semaphore_mem>>
      %dma_start3A = arith.constant 0 : i32
      %dma_start3A_83 = tpu.memref_slice %arg19[%add3A_10, %dma_start3A] : memref<10240x64xf32, #tpu.memory_space<vmem_shared>> -> memref<128x64xf32, #tpu.memory_space<vmem_shared>>
      %dma_start3A_84 = arith.constant 0 : i32
      %dma_start3A_85 = tpu.memref_slice %arg19[%add3A_10, %dma_start3A_84] : memref<10240x64xf32, #tpu.memory_space<vmem_shared>> -> memref<128x64xf32, #tpu.memory_space<vmem_shared>>
      tpu.enqueue_dma source(%arg16 : memref<128x64xf32, #tpu.memory_space<vmem>>) target(%dma_start3A_85 : memref<128x64xf32, #tpu.memory_space<vmem_shared>>) target_semaphore(%run_scoped3A : memref<!tpu.dma_semaphore, #tpu.memory_space<semaphore_mem>>)
      %dma_wait3A = arith.constant 0 : i32
      %dma_wait3A_86 = tpu.memref_slice %arg19[%add3A_10, %dma_wait3A] : memref<10240x64xf32, #tpu.memory_space<vmem_shared>> -> memref<128x64xf32, #tpu.memory_space<vmem_shared>>
      %dma_wait3A_87 = arith.constant 0 : i32
      %dma_wait3A_88 = tpu.memref_slice %arg19[%add3A_10, %dma_wait3A_87] : memref<10240x64xf32, #tpu.memory_space<vmem_shared>> -> memref<128x64xf32, #tpu.memory_space<vmem_shared>>
      tpu.wait_dma2 semaphore(%run_scoped3A : memref<!tpu.dma_semaphore, #tpu.memory_space<semaphore_mem>>) src(%arg16 : memref<128x64xf32, #tpu.memory_space<vmem>>) dst(%dma_wait3A_88 : memref<128x64xf32, #tpu.memory_space<vmem_shared>>)
      tpu.yield
    }) : () -> ()
    %mul3A_11 = arith.constant 640 : i32
    %mul3A_12 = arith.muli %arg1, %mul3A_11 : i32
    %add3A_13 = arith.constant 256 : i32
    %add3A_14 = arith.addi %mul3A_12, %add3A_13 : i32
    "tpu.region"() ({
      %run_scoped3A = tpu.sem_alloc : memref<!tpu.dma_semaphore, #tpu.memory_space<semaphore_mem>>
      %dma_start3A = arith.constant 0 : i32
      %dma_start3A_83 = tpu.memref_slice %arg19[%add3A_14, %dma_start3A] : memref<10240x64xf32, #tpu.memory_space<vmem_shared>> -> memref<128x64xf32, #tpu.memory_space<vmem_shared>>
      %dma_start3A_84 = arith.constant 0 : i32
      %dma_start3A_85 = tpu.memref_slice %arg19[%add3A_14, %dma_start3A_84] : memref<10240x64xf32, #tpu.memory_space<vmem_shared>> -> memref<128x64xf32, #tpu.memory_space<vmem_shared>>
      tpu.enqueue_dma source(%arg16 : memref<128x64xf32, #tpu.memory_space<vmem>>) target(%dma_start3A_85 : memref<128x64xf32, #tpu.memory_space<vmem_shared>>) target_semaphore(%run_scoped3A : memref<!tpu.dma_semaphore, #tpu.memory_space<semaphore_mem>>)
      %dma_wait3A = arith.constant 0 : i32
      %dma_wait3A_86 = tpu.memref_slice %arg19[%add3A_14, %dma_wait3A] : memref<10240x64xf32, #tpu.memory_space<vmem_shared>> -> memref<128x64xf32, #tpu.memory_space<vmem_shared>>
      %dma_wait3A_87 = arith.constant 0 : i32
      %dma_wait3A_88 = tpu.memref_slice %arg19[%add3A_14, %dma_wait3A_87] : memref<10240x64xf32, #tpu.memory_space<vmem_shared>> -> memref<128x64xf32, #tpu.memory_space<vmem_shared>>
      tpu.wait_dma2 semaphore(%run_scoped3A : memref<!tpu.dma_semaphore, #tpu.memory_space<semaphore_mem>>) src(%arg16 : memref<128x64xf32, #tpu.memory_space<vmem>>) dst(%dma_wait3A_88 : memref<128x64xf32, #tpu.memory_space<vmem_shared>>)
      tpu.yield
    }) : () -> ()
    %mul3A_15 = arith.constant 640 : i32
    %mul3A_16 = arith.muli %arg1, %mul3A_15 : i32
    %add3A_17 = arith.constant 384 : i32
    %add3A_18 = arith.addi %mul3A_16, %add3A_17 : i32
    "tpu.region"() ({
      %run_scoped3A = tpu.sem_alloc : memref<!tpu.dma_semaphore, #tpu.memory_space<semaphore_mem>>
      %dma_start3A = arith.constant 0 : i32
      %dma_start3A_83 = tpu.memref_slice %arg19[%add3A_18, %dma_start3A] : memref<10240x64xf32, #tpu.memory_space<vmem_shared>> -> memref<128x64xf32, #tpu.memory_space<vmem_shared>>
      %dma_start3A_84 = arith.constant 0 : i32
      %dma_start3A_85 = tpu.memref_slice %arg19[%add3A_18, %dma_start3A_84] : memref<10240x64xf32, #tpu.memory_space<vmem_shared>> -> memref<128x64xf32, #tpu.memory_space<vmem_shared>>
      tpu.enqueue_dma source(%arg16 : memref<128x64xf32, #tpu.memory_space<vmem>>) target(%dma_start3A_85 : memref<128x64xf32, #tpu.memory_space<vmem_shared>>) target_semaphore(%run_scoped3A : memref<!tpu.dma_semaphore, #tpu.memory_space<semaphore_mem>>)
      %dma_wait3A = arith.constant 0 : i32
      %dma_wait3A_86 = tpu.memref_slice %arg19[%add3A_18, %dma_wait3A] : memref<10240x64xf32, #tpu.memory_space<vmem_shared>> -> memref<128x64xf32, #tpu.memory_space<vmem_shared>>
      %dma_wait3A_87 = arith.constant 0 : i32
      %dma_wait3A_88 = tpu.memref_slice %arg19[%add3A_18, %dma_wait3A_87] : memref<10240x64xf32, #tpu.memory_space<vmem_shared>> -> memref<128x64xf32, #tpu.memory_space<vmem_shared>>
      tpu.wait_dma2 semaphore(%run_scoped3A : memref<!tpu.dma_semaphore, #tpu.memory_space<semaphore_mem>>) src(%arg16 : memref<128x64xf32, #tpu.memory_space<vmem>>) dst(%dma_wait3A_88 : memref<128x64xf32, #tpu.memory_space<vmem_shared>>)
      tpu.yield
    }) : () -> ()
    %mul3A_19 = arith.constant 640 : i32
    %mul3A_20 = arith.muli %arg1, %mul3A_19 : i32
    %add3A_21 = arith.constant 512 : i32
    %add3A_22 = arith.addi %mul3A_20, %add3A_21 : i32
    "tpu.region"() ({
      %run_scoped3A = tpu.sem_alloc : memref<!tpu.dma_semaphore, #tpu.memory_space<semaphore_mem>>
      %dma_start3A = arith.constant 0 : i32
      %dma_start3A_83 = tpu.memref_slice %arg19[%add3A_22, %dma_start3A] : memref<10240x64xf32, #tpu.memory_space<vmem_shared>> -> memref<128x64xf32, #tpu.memory_space<vmem_shared>>
      %dma_start3A_84 = arith.constant 0 : i32
      %dma_start3A_85 = tpu.memref_slice %arg19[%add3A_22, %dma_start3A_84] : memref<10240x64xf32, #tpu.memory_space<vmem_shared>> -> memref<128x64xf32, #tpu.memory_space<vmem_shared>>
      tpu.enqueue_dma source(%arg16 : memref<128x64xf32, #tpu.memory_space<vmem>>) target(%dma_start3A_85 : memref<128x64xf32, #tpu.memory_space<vmem_shared>>) target_semaphore(%run_scoped3A : memref<!tpu.dma_semaphore, #tpu.memory_space<semaphore_mem>>)
      %dma_wait3A = arith.constant 0 : i32
      %dma_wait3A_86 = tpu.memref_slice %arg19[%add3A_22, %dma_wait3A] : memref<10240x64xf32, #tpu.memory_space<vmem_shared>> -> memref<128x64xf32, #tpu.memory_space<vmem_shared>>
      %dma_wait3A_87 = arith.constant 0 : i32
      %dma_wait3A_88 = tpu.memref_slice %arg19[%add3A_22, %dma_wait3A_87] : memref<10240x64xf32, #tpu.memory_space<vmem_shared>> -> memref<128x64xf32, #tpu.memory_space<vmem_shared>>
      tpu.wait_dma2 semaphore(%run_scoped3A : memref<!tpu.dma_semaphore, #tpu.memory_space<semaphore_mem>>) src(%arg16 : memref<128x64xf32, #tpu.memory_space<vmem>>) dst(%dma_wait3A_88 : memref<128x64xf32, #tpu.memory_space<vmem_shared>>)
      tpu.yield
    }) : () -> ()
    "tpu.region"() ({
      %run_scoped3A = tpu.sem_alloc : memref<!tpu.dma_semaphore, #tpu.memory_space<semaphore_mem>>
      %dma_start3A = arith.constant 0 : i32
      %dma_start3A_83 = arith.constant 0 : i32
      %dma_start3A_84 = tpu.memref_slice %arg6[%arg1, %dma_start3A, %dma_start3A_83] : memref<16x250x40xi32, #tpu.memory_space<hbm>> -> memref<1x250x40xi32, #tpu.memory_space<hbm>>
      %dma_start3A_85 = tpu.memref_squeeze %dma_start3A_84 : memref<1x250x40xi32, #tpu.memory_space<hbm>> -> memref<250x40xi32, #tpu.memory_space<hbm>>
      %dma_start3A_86 = arith.constant 0 : i32
      %dma_start3A_87 = arith.constant 0 : i32
      %dma_start3A_88 = tpu.memref_slice %arg6[%arg1, %dma_start3A_86, %dma_start3A_87] : memref<16x250x40xi32, #tpu.memory_space<hbm>> -> memref<1x250x40xi32, #tpu.memory_space<hbm>>
      %dma_start3A_89 = tpu.memref_squeeze %dma_start3A_88 : memref<1x250x40xi32, #tpu.memory_space<hbm>> -> memref<250x40xi32, #tpu.memory_space<hbm>>
      tpu.enqueue_dma source(%dma_start3A_89 : memref<250x40xi32, #tpu.memory_space<hbm>>) target(%arg12 : memref<250x40xi32, #tpu.memory_space<vmem>>) target_semaphore(%run_scoped3A : memref<!tpu.dma_semaphore, #tpu.memory_space<semaphore_mem>>)
      %dma_wait3A = arith.constant 0 : i32
      %dma_wait3A_90 = arith.constant 0 : i32
      %dma_wait3A_91 = tpu.memref_slice %arg6[%arg1, %dma_wait3A, %dma_wait3A_90] : memref<16x250x40xi32, #tpu.memory_space<hbm>> -> memref<1x250x40xi32, #tpu.memory_space<hbm>>
      %dma_wait3A_92 = tpu.memref_squeeze %dma_wait3A_91 : memref<1x250x40xi32, #tpu.memory_space<hbm>> -> memref<250x40xi32, #tpu.memory_space<hbm>>
      %dma_wait3A_93 = arith.constant 0 : i32
      %dma_wait3A_94 = arith.constant 0 : i32
      %dma_wait3A_95 = tpu.memref_slice %arg6[%arg1, %dma_wait3A_93, %dma_wait3A_94] : memref<16x250x40xi32, #tpu.memory_space<hbm>> -> memref<1x250x40xi32, #tpu.memory_space<hbm>>
      %dma_wait3A_96 = tpu.memref_squeeze %dma_wait3A_95 : memref<1x250x40xi32, #tpu.memory_space<hbm>> -> memref<250x40xi32, #tpu.memory_space<hbm>>
      tpu.wait_dma2 semaphore(%run_scoped3A : memref<!tpu.dma_semaphore, #tpu.memory_space<semaphore_mem>>) src(%dma_wait3A_96 : memref<250x40xi32, #tpu.memory_space<hbm>>) dst(%arg12 : memref<250x40xi32, #tpu.memory_space<vmem>>)
      tpu.yield
    }) : () -> ()
    "tpu.region"() ({
      %run_scoped3A = tpu.sem_alloc : memref<!tpu.dma_semaphore, #tpu.memory_space<semaphore_mem>>
      %dma_start3A = arith.constant 0 : i32
      %dma_start3A_83 = arith.constant 0 : i32
      %dma_start3A_84 = tpu.memref_slice %arg7[%arg1, %dma_start3A, %dma_start3A_83] : memref<16x250x40xi32, #tpu.memory_space<hbm>> -> memref<1x250x40xi32, #tpu.memory_space<hbm>>
      %dma_start3A_85 = tpu.memref_squeeze %dma_start3A_84 : memref<1x250x40xi32, #tpu.memory_space<hbm>> -> memref<250x40xi32, #tpu.memory_space<hbm>>
      %dma_start3A_86 = arith.constant 0 : i32
      %dma_start3A_87 = arith.constant 0 : i32
      %dma_start3A_88 = tpu.memref_slice %arg7[%arg1, %dma_start3A_86, %dma_start3A_87] : memref<16x250x40xi32, #tpu.memory_space<hbm>> -> memref<1x250x40xi32, #tpu.memory_space<hbm>>
      %dma_start3A_89 = tpu.memref_squeeze %dma_start3A_88 : memref<1x250x40xi32, #tpu.memory_space<hbm>> -> memref<250x40xi32, #tpu.memory_space<hbm>>
      tpu.enqueue_dma source(%dma_start3A_89 : memref<250x40xi32, #tpu.memory_space<hbm>>) target(%arg13 : memref<250x40xi32, #tpu.memory_space<vmem>>) target_semaphore(%run_scoped3A : memref<!tpu.dma_semaphore, #tpu.memory_space<semaphore_mem>>)
      %dma_wait3A = arith.constant 0 : i32
      %dma_wait3A_90 = arith.constant 0 : i32
      %dma_wait3A_91 = tpu.memref_slice %arg7[%arg1, %dma_wait3A, %dma_wait3A_90] : memref<16x250x40xi32, #tpu.memory_space<hbm>> -> memref<1x250x40xi32, #tpu.memory_space<hbm>>
      %dma_wait3A_92 = tpu.memref_squeeze %dma_wait3A_91 : memref<1x250x40xi32, #tpu.memory_space<hbm>> -> memref<250x40xi32, #tpu.memory_space<hbm>>
      %dma_wait3A_93 = arith.constant 0 : i32
      %dma_wait3A_94 = arith.constant 0 : i32
      %dma_wait3A_95 = tpu.memref_slice %arg7[%arg1, %dma_wait3A_93, %dma_wait3A_94] : memref<16x250x40xi32, #tpu.memory_space<hbm>> -> memref<1x250x40xi32, #tpu.memory_space<hbm>>
      %dma_wait3A_96 = tpu.memref_squeeze %dma_wait3A_95 : memref<1x250x40xi32, #tpu.memory_space<hbm>> -> memref<250x40xi32, #tpu.memory_space<hbm>>
      tpu.wait_dma2 semaphore(%run_scoped3A : memref<!tpu.dma_semaphore, #tpu.memory_space<semaphore_mem>>) src(%dma_wait3A_96 : memref<250x40xi32, #tpu.memory_space<hbm>>) dst(%arg13 : memref<250x40xi32, #tpu.memory_space<vmem>>)
      tpu.yield
    }) : () -> ()
    %barrier3A = arith.constant 0 : index
    tpu.barrier barrier_id(%barrier3A)
    %eq3A = arith.constant 0 : i32
    %eq3A_23 = arith.cmpi eq, %arg0, %eq3A : i32
    %convert_element_type3A = arith.extui %eq3A_23 : i1 to i32
    %cond3A = arith.constant 0 : i32
    %cond3A_24 = arith.cmpi ne, %convert_element_type3A, %cond3A : i32
    scf.if %cond3A_24 {
      %dma_start3A = arith.constant 0 : i32
      %dma_start3A_83 = arith.constant 0 : i32
      %dma_start3A_84 = tpu.memref_slice %arg12[%dma_start3A, %dma_start3A_83] : memref<250x40xi32, #tpu.memory_space<vmem>> -> memref<1x40xi32, #tpu.memory_space<vmem>>
      %dma_start3A_85 = tpu.memref_squeeze %dma_start3A_84 : memref<1x40xi32, #tpu.memory_space<vmem>> -> memref<40xi32, #tpu.memory_space<vmem>>
      %dma_start3A_86 = arith.constant 0 : i32
      %dma_start3A_87 = arith.constant 0 : i32
      %dma_start3A_88 = tpu.memref_slice %arg2[%dma_start3A_86, %dma_start3A_87] : memref<10000x64xf32, #tpu.memory_space<hbm>> -> memref<10000x64xf32, #tpu.memory_space<hbm>>
      tpu.enqueue_indirect_dma source(%dma_start3A_88 : memref<10000x64xf32, #tpu.memory_space<hbm>>) target(%arg14 : memref<40x64xf32, #tpu.memory_space<vmem>>) offsets(%dma_start3A_85 : memref<40xi32, #tpu.memory_space<vmem>>) semaphore(%arg21 : memref<!tpu.dma_semaphore, #tpu.memory_space<semaphore_mem>>)
      %scan3A_89 = arith.constant 0 : i32
      %scan3A_90 = arith.constant 125 : i32
      %scan3A_91 = arith.addi %scan3A_89, %scan3A_90 : i32
      %scan3A_92 = arith.constant 1 : i32
      scf.for %scan3A_94 = %scan3A_89 to %scan3A_91 step %scan3A_92  : i32 {
        %mul3A_95 = arith.constant 1 : i32
        %mul3A_96 = arith.muli %scan3A_94, %mul3A_95 : i32
        %add3A_97 = arith.constant 0 : i32
        %add3A_98 = arith.addi %add3A_97, %mul3A_96 : i32
        %mul3A_99 = arith.constant 2 : i32
        %mul3A_100 = arith.muli %mul3A_99, %add3A_98 : i32
        %add3A_101 = arith.constant 1 : i32
        %add3A_102 = arith.addi %mul3A_100, %add3A_101 : i32
        %dma_start3A_103 = arith.constant 0 : i32
        %dma_start3A_104 = tpu.memref_slice %arg12[%add3A_102, %dma_start3A_103] : memref<250x40xi32, #tpu.memory_space<vmem>> -> memref<1x40xi32, #tpu.memory_space<vmem>>
        %dma_start3A_105 = tpu.memref_squeeze %dma_start3A_104 : memref<1x40xi32, #tpu.memory_space<vmem>> -> memref<40xi32, #tpu.memory_space<vmem>>
        %dma_start3A_106 = arith.constant 0 : i32
        %dma_start3A_107 = arith.constant 0 : i32
        %dma_start3A_108 = tpu.memref_slice %arg2[%dma_start3A_106, %dma_start3A_107] : memref<10000x64xf32, #tpu.memory_space<hbm>> -> memref<10000x64xf32, #tpu.memory_space<hbm>>
        tpu.enqueue_indirect_dma source(%dma_start3A_108 : memref<10000x64xf32, #tpu.memory_space<hbm>>) target(%arg15 : memref<40x64xf32, #tpu.memory_space<vmem>>) offsets(%dma_start3A_105 : memref<40xi32, #tpu.memory_space<vmem>>) semaphore(%arg22 : memref<!tpu.dma_semaphore, #tpu.memory_space<semaphore_mem>>)
        %dma_wait3A = arith.constant 0 : i32
        %dma_wait3A_109 = tpu.memref_slice %arg12[%mul3A_100, %dma_wait3A] : memref<250x40xi32, #tpu.memory_space<vmem>> -> memref<1x40xi32, #tpu.memory_space<vmem>>
        %dma_wait3A_110 = tpu.memref_squeeze %dma_wait3A_109 : memref<1x40xi32, #tpu.memory_space<vmem>> -> memref<40xi32, #tpu.memory_space<vmem>>
        %dma_wait3A_111 = arith.constant 0 : i32
        %dma_wait3A_112 = arith.constant 0 : i32
        %dma_wait3A_113 = tpu.memref_slice %arg2[%dma_wait3A_111, %dma_wait3A_112] : memref<10000x64xf32, #tpu.memory_space<hbm>> -> memref<10000x64xf32, #tpu.memory_space<hbm>>
        tpu.wait_indirect_dma semaphore(%arg21 : memref<!tpu.dma_semaphore, #tpu.memory_space<semaphore_mem>>) src(%dma_wait3A_113 : memref<10000x64xf32, #tpu.memory_space<hbm>>) dst(%arg14 : memref<40x64xf32, #tpu.memory_space<vmem>>)
        "tpu.region"() ({
          %run_scoped3A = tpu.sem_alloc : memref<!tpu.dma_semaphore, #tpu.memory_space<semaphore_mem>>
          %dma_start3A_128 = arith.constant 0 : i32
          %dma_start3A_129 = tpu.memref_slice %arg13[%mul3A_100, %dma_start3A_128] : memref<250x40xi32, #tpu.memory_space<vmem>> -> memref<1x40xi32, #tpu.memory_space<vmem>>
          %dma_start3A_130 = tpu.memref_squeeze %dma_start3A_129 : memref<1x40xi32, #tpu.memory_space<vmem>> -> memref<40xi32, #tpu.memory_space<vmem>>
          %dma_start3A_131 = arith.constant 0 : i32
          %dma_start3A_132 = arith.constant 0 : i32
          %dma_start3A_133 = tpu.memref_slice %arg19[%dma_start3A_131, %dma_start3A_132] : memref<10240x64xf32, #tpu.memory_space<vmem_shared>> -> memref<10240x64xf32, #tpu.memory_space<vmem_shared>>
          tpu.enqueue_indirect_dma source(%arg14 : memref<40x64xf32, #tpu.memory_space<vmem>>) target(%dma_start3A_133 : memref<10240x64xf32, #tpu.memory_space<vmem_shared>>) offsets(%dma_start3A_130 : memref<40xi32, #tpu.memory_space<vmem>>) semaphore(%run_scoped3A : memref<!tpu.dma_semaphore, #tpu.memory_space<semaphore_mem>>) {add = true}
          %dma_wait3A_134 = arith.constant 0 : i32
          %dma_wait3A_135 = tpu.memref_slice %arg13[%mul3A_100, %dma_wait3A_134] : memref<250x40xi32, #tpu.memory_space<vmem>> -> memref<1x40xi32, #tpu.memory_space<vmem>>
          %dma_wait3A_136 = tpu.memref_squeeze %dma_wait3A_135 : memref<1x40xi32, #tpu.memory_space<vmem>> -> memref<40xi32, #tpu.memory_space<vmem>>
          %dma_wait3A_137 = arith.constant 0 : i32
          %dma_wait3A_138 = arith.constant 0 : i32
          %dma_wait3A_139 = tpu.memref_slice %arg19[%dma_wait3A_137, %dma_wait3A_138] : memref<10240x64xf32, #tpu.memory_space<vmem_shared>> -> memref<10240x64xf32, #tpu.memory_space<vmem_shared>>
          tpu.wait_indirect_dma semaphore(%run_scoped3A : memref<!tpu.dma_semaphore, #tpu.memory_space<semaphore_mem>>) src(%arg14 : memref<40x64xf32, #tpu.memory_space<vmem>>) dst(%dma_wait3A_139 : memref<10240x64xf32, #tpu.memory_space<vmem_shared>>)
          tpu.yield
        }) : () -> ()
        %lt3A = arith.constant 124 : i32
        %lt3A_114 = arith.cmpi slt, %add3A_98, %lt3A : i32
        %convert_element_type3A_115 = arith.extui %lt3A_114 : i1 to i32
        %cond3A_116 = arith.constant 0 : i32
        %cond3A_117 = arith.cmpi ne, %convert_element_type3A_115, %cond3A_116 : i32
        scf.if %cond3A_117 {
          %add3A_128 = arith.constant 2 : i32
          %add3A_129 = arith.addi %mul3A_100, %add3A_128 : i32
          %dma_start3A_130 = arith.constant 0 : i32
          %dma_start3A_131 = tpu.memref_slice %arg12[%add3A_129, %dma_start3A_130] : memref<250x40xi32, #tpu.memory_space<vmem>> -> memref<1x40xi32, #tpu.memory_space<vmem>>
          %dma_start3A_132 = tpu.memref_squeeze %dma_start3A_131 : memref<1x40xi32, #tpu.memory_space<vmem>> -> memref<40xi32, #tpu.memory_space<vmem>>
          %dma_start3A_133 = arith.constant 0 : i32
          %dma_start3A_134 = arith.constant 0 : i32
          %dma_start3A_135 = tpu.memref_slice %arg2[%dma_start3A_133, %dma_start3A_134] : memref<10000x64xf32, #tpu.memory_space<hbm>> -> memref<10000x64xf32, #tpu.memory_space<hbm>>
          tpu.enqueue_indirect_dma source(%dma_start3A_135 : memref<10000x64xf32, #tpu.memory_space<hbm>>) target(%arg14 : memref<40x64xf32, #tpu.memory_space<vmem>>) offsets(%dma_start3A_132 : memref<40xi32, #tpu.memory_space<vmem>>) semaphore(%arg21 : memref<!tpu.dma_semaphore, #tpu.memory_space<semaphore_mem>>)
        } else {
        }
        %add3A_118 = arith.constant 1 : i32
        %add3A_119 = arith.addi %mul3A_100, %add3A_118 : i32
        %dma_wait3A_120 = arith.constant 0 : i32
        %dma_wait3A_121 = tpu.memref_slice %arg12[%add3A_119, %dma_wait3A_120] : memref<250x40xi32, #tpu.memory_space<vmem>> -> memref<1x40xi32, #tpu.memory_space<vmem>>
        %dma_wait3A_122 = tpu.memref_squeeze %dma_wait3A_121 : memref<1x40xi32, #tpu.memory_space<vmem>> -> memref<40xi32, #tpu.memory_space<vmem>>
        %dma_wait3A_123 = arith.constant 0 : i32
        %dma_wait3A_124 = arith.constant 0 : i32
        %dma_wait3A_125 = tpu.memref_slice %arg2[%dma_wait3A_123, %dma_wait3A_124] : memref<10000x64xf32, #tpu.memory_space<hbm>> -> memref<10000x64xf32, #tpu.memory_space<hbm>>
        tpu.wait_indirect_dma semaphore(%arg22 : memref<!tpu.dma_semaphore, #tpu.memory_space<semaphore_mem>>) src(%dma_wait3A_125 : memref<10000x64xf32, #tpu.memory_space<hbm>>) dst(%arg15 : memref<40x64xf32, #tpu.memory_space<vmem>>)
        %add3A_126 = arith.constant 1 : i32
        %add3A_127 = arith.addi %mul3A_100, %add3A_126 : i32
        "tpu.region"() ({
          %run_scoped3A = tpu.sem_alloc : memref<!tpu.dma_semaphore, #tpu.memory_space<semaphore_mem>>
          %dma_start3A_128 = arith.constant 0 : i32
          %dma_start3A_129 = tpu.memref_slice %arg13[%add3A_127, %dma_start3A_128] : memref<250x40xi32, #tpu.memory_space<vmem>> -> memref<1x40xi32, #tpu.memory_space<vmem>>
          %dma_start3A_130 = tpu.memref_squeeze %dma_start3A_129 : memref<1x40xi32, #tpu.memory_space<vmem>> -> memref<40xi32, #tpu.memory_space<vmem>>
          %dma_start3A_131 = arith.constant 0 : i32
          %dma_start3A_132 = arith.constant 0 : i32
          %dma_start3A_133 = tpu.memref_slice %arg19[%dma_start3A_131, %dma_start3A_132] : memref<10240x64xf32, #tpu.memory_space<vmem_shared>> -> memref<10240x64xf32, #tpu.memory_space<vmem_shared>>
          tpu.enqueue_indirect_dma source(%arg15 : memref<40x64xf32, #tpu.memory_space<vmem>>) target(%dma_start3A_133 : memref<10240x64xf32, #tpu.memory_space<vmem_shared>>) offsets(%dma_start3A_130 : memref<40xi32, #tpu.memory_space<vmem>>) semaphore(%run_scoped3A : memref<!tpu.dma_semaphore, #tpu.memory_space<semaphore_mem>>) {add = true}
          %dma_wait3A_134 = arith.constant 0 : i32
          %dma_wait3A_135 = tpu.memref_slice %arg13[%add3A_127, %dma_wait3A_134] : memref<250x40xi32, #tpu.memory_space<vmem>> -> memref<1x40xi32, #tpu.memory_space<vmem>>
          %dma_wait3A_136 = tpu.memref_squeeze %dma_wait3A_135 : memref<1x40xi32, #tpu.memory_space<vmem>> -> memref<40xi32, #tpu.memory_space<vmem>>
          %dma_wait3A_137 = arith.constant 0 : i32
          %dma_wait3A_138 = arith.constant 0 : i32
          %dma_wait3A_139 = tpu.memref_slice %arg19[%dma_wait3A_137, %dma_wait3A_138] : memref<10240x64xf32, #tpu.memory_space<vmem_shared>> -> memref<10240x64xf32, #tpu.memory_space<vmem_shared>>
          tpu.wait_indirect_dma semaphore(%run_scoped3A : memref<!tpu.dma_semaphore, #tpu.memory_space<semaphore_mem>>) src(%arg15 : memref<40x64xf32, #tpu.memory_space<vmem>>) dst(%dma_wait3A_139 : memref<10240x64xf32, #tpu.memory_space<vmem_shared>>)
          tpu.yield
        }) : () -> ()
      }
      %scan3A_93 = arith.constant 125 : i32
    } else {
    }
    %eq3A_25 = arith.constant 1 : i32
    %eq3A_26 = arith.cmpi eq, %arg0, %eq3A_25 : i32
    %convert_element_type3A_27 = arith.extui %eq3A_26 : i1 to i32
    %cond3A_28 = arith.constant 0 : i32
    %cond3A_29 = arith.cmpi ne, %convert_element_type3A_27, %cond3A_28 : i32
    scf.if %cond3A_29 {
      %dma_start3A = arith.constant 0 : i32
      %dma_start3A_83 = arith.constant 0 : i32
      %dma_start3A_84 = tpu.memref_slice %arg12[%dma_start3A, %dma_start3A_83] : memref<250x40xi32, #tpu.memory_space<vmem>> -> memref<1x40xi32, #tpu.memory_space<vmem>>
      %dma_start3A_85 = tpu.memref_squeeze %dma_start3A_84 : memref<1x40xi32, #tpu.memory_space<vmem>> -> memref<40xi32, #tpu.memory_space<vmem>>
      %dma_start3A_86 = arith.constant 0 : i32
      %dma_start3A_87 = arith.constant 0 : i32
      %dma_start3A_88 = tpu.memref_slice %arg4[%dma_start3A_86, %dma_start3A_87] : memref<10000x64xf32, #tpu.memory_space<hbm>> -> memref<10000x64xf32, #tpu.memory_space<hbm>>
      tpu.enqueue_indirect_dma source(%dma_start3A_88 : memref<10000x64xf32, #tpu.memory_space<hbm>>) target(%arg14 : memref<40x64xf32, #tpu.memory_space<vmem>>) offsets(%dma_start3A_85 : memref<40xi32, #tpu.memory_space<vmem>>) semaphore(%arg21 : memref<!tpu.dma_semaphore, #tpu.memory_space<semaphore_mem>>)
      %scan3A_89 = arith.constant 0 : i32
      %scan3A_90 = arith.constant 125 : i32
      %scan3A_91 = arith.addi %scan3A_89, %scan3A_90 : i32
      %scan3A_92 = arith.constant 1 : i32
      scf.for %scan3A_94 = %scan3A_89 to %scan3A_91 step %scan3A_92  : i32 {
        %mul3A_95 = arith.constant 1 : i32
        %mul3A_96 = arith.muli %scan3A_94, %mul3A_95 : i32
        %add3A_97 = arith.constant 0 : i32
        %add3A_98 = arith.addi %add3A_97, %mul3A_96 : i32
        %mul3A_99 = arith.constant 2 : i32
        %mul3A_100 = arith.muli %mul3A_99, %add3A_98 : i32
        %add3A_101 = arith.constant 1 : i32
        %add3A_102 = arith.addi %mul3A_100, %add3A_101 : i32
        %dma_start3A_103 = arith.constant 0 : i32
        %dma_start3A_104 = tpu.memref_slice %arg12[%add3A_102, %dma_start3A_103] : memref<250x40xi32, #tpu.memory_space<vmem>> -> memref<1x40xi32, #tpu.memory_space<vmem>>
        %dma_start3A_105 = tpu.memref_squeeze %dma_start3A_104 : memref<1x40xi32, #tpu.memory_space<vmem>> -> memref<40xi32, #tpu.memory_space<vmem>>
        %dma_start3A_106 = arith.constant 0 : i32
        %dma_start3A_107 = arith.constant 0 : i32
        %dma_start3A_108 = tpu.memref_slice %arg4[%dma_start3A_106, %dma_start3A_107] : memref<10000x64xf32, #tpu.memory_space<hbm>> -> memref<10000x64xf32, #tpu.memory_space<hbm>>
        tpu.enqueue_indirect_dma source(%dma_start3A_108 : memref<10000x64xf32, #tpu.memory_space<hbm>>) target(%arg15 : memref<40x64xf32, #tpu.memory_space<vmem>>) offsets(%dma_start3A_105 : memref<40xi32, #tpu.memory_space<vmem>>) semaphore(%arg22 : memref<!tpu.dma_semaphore, #tpu.memory_space<semaphore_mem>>)
        %dma_wait3A = arith.constant 0 : i32
        %dma_wait3A_109 = tpu.memref_slice %arg12[%mul3A_100, %dma_wait3A] : memref<250x40xi32, #tpu.memory_space<vmem>> -> memref<1x40xi32, #tpu.memory_space<vmem>>
        %dma_wait3A_110 = tpu.memref_squeeze %dma_wait3A_109 : memref<1x40xi32, #tpu.memory_space<vmem>> -> memref<40xi32, #tpu.memory_space<vmem>>
        %dma_wait3A_111 = arith.constant 0 : i32
        %dma_wait3A_112 = arith.constant 0 : i32
        %dma_wait3A_113 = tpu.memref_slice %arg4[%dma_wait3A_111, %dma_wait3A_112] : memref<10000x64xf32, #tpu.memory_space<hbm>> -> memref<10000x64xf32, #tpu.memory_space<hbm>>
        tpu.wait_indirect_dma semaphore(%arg21 : memref<!tpu.dma_semaphore, #tpu.memory_space<semaphore_mem>>) src(%dma_wait3A_113 : memref<10000x64xf32, #tpu.memory_space<hbm>>) dst(%arg14 : memref<40x64xf32, #tpu.memory_space<vmem>>)
        "tpu.region"() ({
          %run_scoped3A = tpu.sem_alloc : memref<!tpu.dma_semaphore, #tpu.memory_space<semaphore_mem>>
          %dma_start3A_128 = arith.constant 0 : i32
          %dma_start3A_129 = tpu.memref_slice %arg13[%mul3A_100, %dma_start3A_128] : memref<250x40xi32, #tpu.memory_space<vmem>> -> memref<1x40xi32, #tpu.memory_space<vmem>>
          %dma_start3A_130 = tpu.memref_squeeze %dma_start3A_129 : memref<1x40xi32, #tpu.memory_space<vmem>> -> memref<40xi32, #tpu.memory_space<vmem>>
          %dma_start3A_131 = arith.constant 0 : i32
          %dma_start3A_132 = arith.constant 0 : i32
          %dma_start3A_133 = tpu.memref_slice %arg19[%dma_start3A_131, %dma_start3A_132] : memref<10240x64xf32, #tpu.memory_space<vmem_shared>> -> memref<10240x64xf32, #tpu.memory_space<vmem_shared>>
          tpu.enqueue_indirect_dma source(%arg14 : memref<40x64xf32, #tpu.memory_space<vmem>>) target(%dma_start3A_133 : memref<10240x64xf32, #tpu.memory_space<vmem_shared>>) offsets(%dma_start3A_130 : memref<40xi32, #tpu.memory_space<vmem>>) semaphore(%run_scoped3A : memref<!tpu.dma_semaphore, #tpu.memory_space<semaphore_mem>>) {add = true}
          %dma_wait3A_134 = arith.constant 0 : i32
          %dma_wait3A_135 = tpu.memref_slice %arg13[%mul3A_100, %dma_wait3A_134] : memref<250x40xi32, #tpu.memory_space<vmem>> -> memref<1x40xi32, #tpu.memory_space<vmem>>
          %dma_wait3A_136 = tpu.memref_squeeze %dma_wait3A_135 : memref<1x40xi32, #tpu.memory_space<vmem>> -> memref<40xi32, #tpu.memory_space<vmem>>
          %dma_wait3A_137 = arith.constant 0 : i32
          %dma_wait3A_138 = arith.constant 0 : i32
          %dma_wait3A_139 = tpu.memref_slice %arg19[%dma_wait3A_137, %dma_wait3A_138] : memref<10240x64xf32, #tpu.memory_space<vmem_shared>> -> memref<10240x64xf32, #tpu.memory_space<vmem_shared>>
          tpu.wait_indirect_dma semaphore(%run_scoped3A : memref<!tpu.dma_semaphore, #tpu.memory_space<semaphore_mem>>) src(%arg14 : memref<40x64xf32, #tpu.memory_space<vmem>>) dst(%dma_wait3A_139 : memref<10240x64xf32, #tpu.memory_space<vmem_shared>>)
          tpu.yield
        }) : () -> ()
        %lt3A = arith.constant 124 : i32
        %lt3A_114 = arith.cmpi slt, %add3A_98, %lt3A : i32
        %convert_element_type3A_115 = arith.extui %lt3A_114 : i1 to i32
        %cond3A_116 = arith.constant 0 : i32
        %cond3A_117 = arith.cmpi ne, %convert_element_type3A_115, %cond3A_116 : i32
        scf.if %cond3A_117 {
          %add3A_128 = arith.constant 2 : i32
          %add3A_129 = arith.addi %mul3A_100, %add3A_128 : i32
          %dma_start3A_130 = arith.constant 0 : i32
          %dma_start3A_131 = tpu.memref_slice %arg12[%add3A_129, %dma_start3A_130] : memref<250x40xi32, #tpu.memory_space<vmem>> -> memref<1x40xi32, #tpu.memory_space<vmem>>
          %dma_start3A_132 = tpu.memref_squeeze %dma_start3A_131 : memref<1x40xi32, #tpu.memory_space<vmem>> -> memref<40xi32, #tpu.memory_space<vmem>>
          %dma_start3A_133 = arith.constant 0 : i32
          %dma_start3A_134 = arith.constant 0 : i32
          %dma_start3A_135 = tpu.memref_slice %arg4[%dma_start3A_133, %dma_start3A_134] : memref<10000x64xf32, #tpu.memory_space<hbm>> -> memref<10000x64xf32, #tpu.memory_space<hbm>>
          tpu.enqueue_indirect_dma source(%dma_start3A_135 : memref<10000x64xf32, #tpu.memory_space<hbm>>) target(%arg14 : memref<40x64xf32, #tpu.memory_space<vmem>>) offsets(%dma_start3A_132 : memref<40xi32, #tpu.memory_space<vmem>>) semaphore(%arg21 : memref<!tpu.dma_semaphore, #tpu.memory_space<semaphore_mem>>)
        } else {
        }
        %add3A_118 = arith.constant 1 : i32
        %add3A_119 = arith.addi %mul3A_100, %add3A_118 : i32
        %dma_wait3A_120 = arith.constant 0 : i32
        %dma_wait3A_121 = tpu.memref_slice %arg12[%add3A_119, %dma_wait3A_120] : memref<250x40xi32, #tpu.memory_space<vmem>> -> memref<1x40xi32, #tpu.memory_space<vmem>>
        %dma_wait3A_122 = tpu.memref_squeeze %dma_wait3A_121 : memref<1x40xi32, #tpu.memory_space<vmem>> -> memref<40xi32, #tpu.memory_space<vmem>>
        %dma_wait3A_123 = arith.constant 0 : i32
        %dma_wait3A_124 = arith.constant 0 : i32
        %dma_wait3A_125 = tpu.memref_slice %arg4[%dma_wait3A_123, %dma_wait3A_124] : memref<10000x64xf32, #tpu.memory_space<hbm>> -> memref<10000x64xf32, #tpu.memory_space<hbm>>
        tpu.wait_indirect_dma semaphore(%arg22 : memref<!tpu.dma_semaphore, #tpu.memory_space<semaphore_mem>>) src(%dma_wait3A_125 : memref<10000x64xf32, #tpu.memory_space<hbm>>) dst(%arg15 : memref<40x64xf32, #tpu.memory_space<vmem>>)
        %add3A_126 = arith.constant 1 : i32
        %add3A_127 = arith.addi %mul3A_100, %add3A_126 : i32
        "tpu.region"() ({
          %run_scoped3A = tpu.sem_alloc : memref<!tpu.dma_semaphore, #tpu.memory_space<semaphore_mem>>
          %dma_start3A_128 = arith.constant 0 : i32
          %dma_start3A_129 = tpu.memref_slice %arg13[%add3A_127, %dma_start3A_128] : memref<250x40xi32, #tpu.memory_space<vmem>> -> memref<1x40xi32, #tpu.memory_space<vmem>>
          %dma_start3A_130 = tpu.memref_squeeze %dma_start3A_129 : memref<1x40xi32, #tpu.memory_space<vmem>> -> memref<40xi32, #tpu.memory_space<vmem>>
          %dma_start3A_131 = arith.constant 0 : i32
          %dma_start3A_132 = arith.constant 0 : i32
          %dma_start3A_133 = tpu.memref_slice %arg19[%dma_start3A_131, %dma_start3A_132] : memref<10240x64xf32, #tpu.memory_space<vmem_shared>> -> memref<10240x64xf32, #tpu.memory_space<vmem_shared>>
          tpu.enqueue_indirect_dma source(%arg15 : memref<40x64xf32, #tpu.memory_space<vmem>>) target(%dma_start3A_133 : memref<10240x64xf32, #tpu.memory_space<vmem_shared>>) offsets(%dma_start3A_130 : memref<40xi32, #tpu.memory_space<vmem>>) semaphore(%run_scoped3A : memref<!tpu.dma_semaphore, #tpu.memory_space<semaphore_mem>>) {add = true}
          %dma_wait3A_134 = arith.constant 0 : i32
          %dma_wait3A_135 = tpu.memref_slice %arg13[%add3A_127, %dma_wait3A_134] : memref<250x40xi32, #tpu.memory_space<vmem>> -> memref<1x40xi32, #tpu.memory_space<vmem>>
          %dma_wait3A_136 = tpu.memref_squeeze %dma_wait3A_135 : memref<1x40xi32, #tpu.memory_space<vmem>> -> memref<40xi32, #tpu.memory_space<vmem>>
          %dma_wait3A_137 = arith.constant 0 : i32
          %dma_wait3A_138 = arith.constant 0 : i32
          %dma_wait3A_139 = tpu.memref_slice %arg19[%dma_wait3A_137, %dma_wait3A_138] : memref<10240x64xf32, #tpu.memory_space<vmem_shared>> -> memref<10240x64xf32, #tpu.memory_space<vmem_shared>>
          tpu.wait_indirect_dma semaphore(%run_scoped3A : memref<!tpu.dma_semaphore, #tpu.memory_space<semaphore_mem>>) src(%arg15 : memref<40x64xf32, #tpu.memory_space<vmem>>) dst(%dma_wait3A_139 : memref<10240x64xf32, #tpu.memory_space<vmem_shared>>)
          tpu.yield
        }) : () -> ()
      }
      %scan3A_93 = arith.constant 125 : i32
    } else {
    }
    %barrier3A_30 = arith.constant 0 : index
    tpu.barrier barrier_id(%barrier3A_30)
    %eq3A_31 = arith.constant 0 : i32
    %eq3A_32 = arith.cmpi eq, %arg0, %eq3A_31 : i32
    %convert_element_type3A_33 = arith.extui %eq3A_32 : i1 to i32
    %cond3A_34 = arith.constant 0 : i32
    %cond3A_35 = arith.cmpi ne, %convert_element_type3A_33, %cond3A_34 : i32
    scf.if %cond3A_35 {
      %mul3A_83 = arith.constant 640 : i32
      %mul3A_84 = arith.muli %arg1, %mul3A_83 : i32
      "tpu.region"() ({
        %run_scoped3A = tpu.sem_alloc : memref<!tpu.dma_semaphore, #tpu.memory_space<semaphore_mem>>
        %dma_start3A = arith.constant 0 : i32
        %dma_start3A_85 = arith.constant 0 : i32
        %dma_start3A_86 = tpu.memref_slice %arg8[%arg1, %dma_start3A, %dma_start3A_85] : memref<16x640x64xf32, #tpu.memory_space<hbm>> -> memref<1x640x64xf32, #tpu.memory_space<hbm>>
        %dma_start3A_87 = tpu.memref_squeeze %dma_start3A_86 : memref<1x640x64xf32, #tpu.memory_space<hbm>> -> memref<640x64xf32, #tpu.memory_space<hbm>>
        %dma_start3A_88 = arith.constant 0 : i32
        %dma_start3A_89 = tpu.memref_slice %arg19[%mul3A_84, %dma_start3A_88] : memref<10240x64xf32, #tpu.memory_space<vmem_shared>> -> memref<640x64xf32, #tpu.memory_space<vmem_shared>>
        tpu.enqueue_dma source(%dma_start3A_89 : memref<640x64xf32, #tpu.memory_space<vmem_shared>>) target(%dma_start3A_87 : memref<640x64xf32, #tpu.memory_space<hbm>>) target_semaphore(%run_scoped3A : memref<!tpu.dma_semaphore, #tpu.memory_space<semaphore_mem>>)
        %dma_wait3A = arith.constant 0 : i32
        %dma_wait3A_90 = arith.constant 0 : i32
        %dma_wait3A_91 = tpu.memref_slice %arg8[%arg1, %dma_wait3A, %dma_wait3A_90] : memref<16x640x64xf32, #tpu.memory_space<hbm>> -> memref<1x640x64xf32, #tpu.memory_space<hbm>>
        %dma_wait3A_92 = tpu.memref_squeeze %dma_wait3A_91 : memref<1x640x64xf32, #tpu.memory_space<hbm>> -> memref<640x64xf32, #tpu.memory_space<hbm>>
        %dma_wait3A_93 = arith.constant 0 : i32
        %dma_wait3A_94 = tpu.memref_slice %arg19[%mul3A_84, %dma_wait3A_93] : memref<10240x64xf32, #tpu.memory_space<vmem_shared>> -> memref<640x64xf32, #tpu.memory_space<vmem_shared>>
        tpu.wait_dma2 semaphore(%run_scoped3A : memref<!tpu.dma_semaphore, #tpu.memory_space<semaphore_mem>>) src(%dma_wait3A_94 : memref<640x64xf32, #tpu.memory_space<vmem_shared>>) dst(%dma_wait3A_92 : memref<640x64xf32, #tpu.memory_space<hbm>>)
        tpu.yield
      }) : () -> ()
    } else {
    }
    %eq3A_36 = arith.constant 1 : i32
    %eq3A_37 = arith.cmpi eq, %arg0, %eq3A_36 : i32
    %convert_element_type3A_38 = arith.extui %eq3A_37 : i1 to i32
    %cond3A_39 = arith.constant 0 : i32
    %cond3A_40 = arith.cmpi ne, %convert_element_type3A_38, %cond3A_39 : i32
    scf.if %cond3A_40 {
      %mul3A_83 = arith.constant 640 : i32
      %mul3A_84 = arith.muli %arg1, %mul3A_83 : i32
      "tpu.region"() ({
        %run_scoped3A = tpu.sem_alloc : memref<!tpu.dma_semaphore, #tpu.memory_space<semaphore_mem>>
        %dma_start3A = arith.constant 0 : i32
        %dma_start3A_85 = arith.constant 0 : i32
        %dma_start3A_86 = tpu.memref_slice %arg10[%arg1, %dma_start3A, %dma_start3A_85] : memref<16x640x64xf32, #tpu.memory_space<hbm>> -> memref<1x640x64xf32, #tpu.memory_space<hbm>>
        %dma_start3A_87 = tpu.memref_squeeze %dma_start3A_86 : memref<1x640x64xf32, #tpu.memory_space<hbm>> -> memref<640x64xf32, #tpu.memory_space<hbm>>
        %dma_start3A_88 = arith.constant 0 : i32
        %dma_start3A_89 = tpu.memref_slice %arg19[%mul3A_84, %dma_start3A_88] : memref<10240x64xf32, #tpu.memory_space<vmem_shared>> -> memref<640x64xf32, #tpu.memory_space<vmem_shared>>
        tpu.enqueue_dma source(%dma_start3A_89 : memref<640x64xf32, #tpu.memory_space<vmem_shared>>) target(%dma_start3A_87 : memref<640x64xf32, #tpu.memory_space<hbm>>) target_semaphore(%run_scoped3A : memref<!tpu.dma_semaphore, #tpu.memory_space<semaphore_mem>>)
        %dma_wait3A = arith.constant 0 : i32
        %dma_wait3A_90 = arith.constant 0 : i32
        %dma_wait3A_91 = tpu.memref_slice %arg10[%arg1, %dma_wait3A, %dma_wait3A_90] : memref<16x640x64xf32, #tpu.memory_space<hbm>> -> memref<1x640x64xf32, #tpu.memory_space<hbm>>
        %dma_wait3A_92 = tpu.memref_squeeze %dma_wait3A_91 : memref<1x640x64xf32, #tpu.memory_space<hbm>> -> memref<640x64xf32, #tpu.memory_space<hbm>>
        %dma_wait3A_93 = arith.constant 0 : i32
        %dma_wait3A_94 = tpu.memref_slice %arg19[%mul3A_84, %dma_wait3A_93] : memref<10240x64xf32, #tpu.memory_space<vmem_shared>> -> memref<640x64xf32, #tpu.memory_space<vmem_shared>>
        tpu.wait_dma2 semaphore(%run_scoped3A : memref<!tpu.dma_semaphore, #tpu.memory_space<semaphore_mem>>) src(%dma_wait3A_94 : memref<640x64xf32, #tpu.memory_space<vmem_shared>>) dst(%dma_wait3A_92 : memref<640x64xf32, #tpu.memory_space<hbm>>)
        tpu.yield
      }) : () -> ()
    } else {
    }
    %mul3A_41 = arith.constant 640 : i32
    %mul3A_42 = arith.muli %arg1, %mul3A_41 : i32
    %add3A_43 = arith.constant 0 : i32
    %add3A_44 = arith.addi %mul3A_42, %add3A_43 : i32
    "tpu.region"() ({
      %run_scoped3A = tpu.sem_alloc : memref<!tpu.dma_semaphore, #tpu.memory_space<semaphore_mem>>
      %dma_start3A = arith.constant 0 : i32
      %dma_start3A_83 = tpu.memref_slice %arg19[%add3A_44, %dma_start3A] : memref<10240x64xf32, #tpu.memory_space<vmem_shared>> -> memref<128x64xf32, #tpu.memory_space<vmem_shared>>
      %dma_start3A_84 = arith.constant 0 : i32
      %dma_start3A_85 = tpu.memref_slice %arg19[%add3A_44, %dma_start3A_84] : memref<10240x64xf32, #tpu.memory_space<vmem_shared>> -> memref<128x64xf32, #tpu.memory_space<vmem_shared>>
      tpu.enqueue_dma source(%arg16 : memref<128x64xf32, #tpu.memory_space<vmem>>) target(%dma_start3A_85 : memref<128x64xf32, #tpu.memory_space<vmem_shared>>) target_semaphore(%run_scoped3A : memref<!tpu.dma_semaphore, #tpu.memory_space<semaphore_mem>>)
      %dma_wait3A = arith.constant 0 : i32
      %dma_wait3A_86 = tpu.memref_slice %arg19[%add3A_44, %dma_wait3A] : memref<10240x64xf32, #tpu.memory_space<vmem_shared>> -> memref<128x64xf32, #tpu.memory_space<vmem_shared>>
      %dma_wait3A_87 = arith.constant 0 : i32
      %dma_wait3A_88 = tpu.memref_slice %arg19[%add3A_44, %dma_wait3A_87] : memref<10240x64xf32, #tpu.memory_space<vmem_shared>> -> memref<128x64xf32, #tpu.memory_space<vmem_shared>>
      tpu.wait_dma2 semaphore(%run_scoped3A : memref<!tpu.dma_semaphore, #tpu.memory_space<semaphore_mem>>) src(%arg16 : memref<128x64xf32, #tpu.memory_space<vmem>>) dst(%dma_wait3A_88 : memref<128x64xf32, #tpu.memory_space<vmem_shared>>)
      tpu.yield
    }) : () -> ()
    %mul3A_45 = arith.constant 640 : i32
    %mul3A_46 = arith.muli %arg1, %mul3A_45 : i32
    %add3A_47 = arith.constant 128 : i32
    %add3A_48 = arith.addi %mul3A_46, %add3A_47 : i32
    "tpu.region"() ({
      %run_scoped3A = tpu.sem_alloc : memref<!tpu.dma_semaphore, #tpu.memory_space<semaphore_mem>>
      %dma_start3A = arith.constant 0 : i32
      %dma_start3A_83 = tpu.memref_slice %arg19[%add3A_48, %dma_start3A] : memref<10240x64xf32, #tpu.memory_space<vmem_shared>> -> memref<128x64xf32, #tpu.memory_space<vmem_shared>>
      %dma_start3A_84 = arith.constant 0 : i32
      %dma_start3A_85 = tpu.memref_slice %arg19[%add3A_48, %dma_start3A_84] : memref<10240x64xf32, #tpu.memory_space<vmem_shared>> -> memref<128x64xf32, #tpu.memory_space<vmem_shared>>
      tpu.enqueue_dma source(%arg16 : memref<128x64xf32, #tpu.memory_space<vmem>>) target(%dma_start3A_85 : memref<128x64xf32, #tpu.memory_space<vmem_shared>>) target_semaphore(%run_scoped3A : memref<!tpu.dma_semaphore, #tpu.memory_space<semaphore_mem>>)
      %dma_wait3A = arith.constant 0 : i32
      %dma_wait3A_86 = tpu.memref_slice %arg19[%add3A_48, %dma_wait3A] : memref<10240x64xf32, #tpu.memory_space<vmem_shared>> -> memref<128x64xf32, #tpu.memory_space<vmem_shared>>
      %dma_wait3A_87 = arith.constant 0 : i32
      %dma_wait3A_88 = tpu.memref_slice %arg19[%add3A_48, %dma_wait3A_87] : memref<10240x64xf32, #tpu.memory_space<vmem_shared>> -> memref<128x64xf32, #tpu.memory_space<vmem_shared>>
      tpu.wait_dma2 semaphore(%run_scoped3A : memref<!tpu.dma_semaphore, #tpu.memory_space<semaphore_mem>>) src(%arg16 : memref<128x64xf32, #tpu.memory_space<vmem>>) dst(%dma_wait3A_88 : memref<128x64xf32, #tpu.memory_space<vmem_shared>>)
      tpu.yield
    }) : () -> ()
    %mul3A_49 = arith.constant 640 : i32
    %mul3A_50 = arith.muli %arg1, %mul3A_49 : i32
    %add3A_51 = arith.constant 256 : i32
    %add3A_52 = arith.addi %mul3A_50, %add3A_51 : i32
    "tpu.region"() ({
      %run_scoped3A = tpu.sem_alloc : memref<!tpu.dma_semaphore, #tpu.memory_space<semaphore_mem>>
      %dma_start3A = arith.constant 0 : i32
      %dma_start3A_83 = tpu.memref_slice %arg19[%add3A_52, %dma_start3A] : memref<10240x64xf32, #tpu.memory_space<vmem_shared>> -> memref<128x64xf32, #tpu.memory_space<vmem_shared>>
      %dma_start3A_84 = arith.constant 0 : i32
      %dma_start3A_85 = tpu.memref_slice %arg19[%add3A_52, %dma_start3A_84] : memref<10240x64xf32, #tpu.memory_space<vmem_shared>> -> memref<128x64xf32, #tpu.memory_space<vmem_shared>>
      tpu.enqueue_dma source(%arg16 : memref<128x64xf32, #tpu.memory_space<vmem>>) target(%dma_start3A_85 : memref<128x64xf32, #tpu.memory_space<vmem_shared>>) target_semaphore(%run_scoped3A : memref<!tpu.dma_semaphore, #tpu.memory_space<semaphore_mem>>)
      %dma_wait3A = arith.constant 0 : i32
      %dma_wait3A_86 = tpu.memref_slice %arg19[%add3A_52, %dma_wait3A] : memref<10240x64xf32, #tpu.memory_space<vmem_shared>> -> memref<128x64xf32, #tpu.memory_space<vmem_shared>>
      %dma_wait3A_87 = arith.constant 0 : i32
      %dma_wait3A_88 = tpu.memref_slice %arg19[%add3A_52, %dma_wait3A_87] : memref<10240x64xf32, #tpu.memory_space<vmem_shared>> -> memref<128x64xf32, #tpu.memory_space<vmem_shared>>
      tpu.wait_dma2 semaphore(%run_scoped3A : memref<!tpu.dma_semaphore, #tpu.memory_space<semaphore_mem>>) src(%arg16 : memref<128x64xf32, #tpu.memory_space<vmem>>) dst(%dma_wait3A_88 : memref<128x64xf32, #tpu.memory_space<vmem_shared>>)
      tpu.yield
    }) : () -> ()
    %mul3A_53 = arith.constant 640 : i32
    %mul3A_54 = arith.muli %arg1, %mul3A_53 : i32
    %add3A_55 = arith.constant 384 : i32
    %add3A_56 = arith.addi %mul3A_54, %add3A_55 : i32
    "tpu.region"() ({
      %run_scoped3A = tpu.sem_alloc : memref<!tpu.dma_semaphore, #tpu.memory_space<semaphore_mem>>
      %dma_start3A = arith.constant 0 : i32
      %dma_start3A_83 = tpu.memref_slice %arg19[%add3A_56, %dma_start3A] : memref<10240x64xf32, #tpu.memory_space<vmem_shared>> -> memref<128x64xf32, #tpu.memory_space<vmem_shared>>
      %dma_start3A_84 = arith.constant 0 : i32
      %dma_start3A_85 = tpu.memref_slice %arg19[%add3A_56, %dma_start3A_84] : memref<10240x64xf32, #tpu.memory_space<vmem_shared>> -> memref<128x64xf32, #tpu.memory_space<vmem_shared>>
      tpu.enqueue_dma source(%arg16 : memref<128x64xf32, #tpu.memory_space<vmem>>) target(%dma_start3A_85 : memref<128x64xf32, #tpu.memory_space<vmem_shared>>) target_semaphore(%run_scoped3A : memref<!tpu.dma_semaphore, #tpu.memory_space<semaphore_mem>>)
      %dma_wait3A = arith.constant 0 : i32
      %dma_wait3A_86 = tpu.memref_slice %arg19[%add3A_56, %dma_wait3A] : memref<10240x64xf32, #tpu.memory_space<vmem_shared>> -> memref<128x64xf32, #tpu.memory_space<vmem_shared>>
      %dma_wait3A_87 = arith.constant 0 : i32
      %dma_wait3A_88 = tpu.memref_slice %arg19[%add3A_56, %dma_wait3A_87] : memref<10240x64xf32, #tpu.memory_space<vmem_shared>> -> memref<128x64xf32, #tpu.memory_space<vmem_shared>>
      tpu.wait_dma2 semaphore(%run_scoped3A : memref<!tpu.dma_semaphore, #tpu.memory_space<semaphore_mem>>) src(%arg16 : memref<128x64xf32, #tpu.memory_space<vmem>>) dst(%dma_wait3A_88 : memref<128x64xf32, #tpu.memory_space<vmem_shared>>)
      tpu.yield
    }) : () -> ()
    %mul3A_57 = arith.constant 640 : i32
    %mul3A_58 = arith.muli %arg1, %mul3A_57 : i32
    %add3A_59 = arith.constant 512 : i32
    %add3A_60 = arith.addi %mul3A_58, %add3A_59 : i32
    "tpu.region"() ({
      %run_scoped3A = tpu.sem_alloc : memref<!tpu.dma_semaphore, #tpu.memory_space<semaphore_mem>>
      %dma_start3A = arith.constant 0 : i32
      %dma_start3A_83 = tpu.memref_slice %arg19[%add3A_60, %dma_start3A] : memref<10240x64xf32, #tpu.memory_space<vmem_shared>> -> memref<128x64xf32, #tpu.memory_space<vmem_shared>>
      %dma_start3A_84 = arith.constant 0 : i32
      %dma_start3A_85 = tpu.memref_slice %arg19[%add3A_60, %dma_start3A_84] : memref<10240x64xf32, #tpu.memory_space<vmem_shared>> -> memref<128x64xf32, #tpu.memory_space<vmem_shared>>
      tpu.enqueue_dma source(%arg16 : memref<128x64xf32, #tpu.memory_space<vmem>>) target(%dma_start3A_85 : memref<128x64xf32, #tpu.memory_space<vmem_shared>>) target_semaphore(%run_scoped3A : memref<!tpu.dma_semaphore, #tpu.memory_space<semaphore_mem>>)
      %dma_wait3A = arith.constant 0 : i32
      %dma_wait3A_86 = tpu.memref_slice %arg19[%add3A_60, %dma_wait3A] : memref<10240x64xf32, #tpu.memory_space<vmem_shared>> -> memref<128x64xf32, #tpu.memory_space<vmem_shared>>
      %dma_wait3A_87 = arith.constant 0 : i32
      %dma_wait3A_88 = tpu.memref_slice %arg19[%add3A_60, %dma_wait3A_87] : memref<10240x64xf32, #tpu.memory_space<vmem_shared>> -> memref<128x64xf32, #tpu.memory_space<vmem_shared>>
      tpu.wait_dma2 semaphore(%run_scoped3A : memref<!tpu.dma_semaphore, #tpu.memory_space<semaphore_mem>>) src(%arg16 : memref<128x64xf32, #tpu.memory_space<vmem>>) dst(%dma_wait3A_88 : memref<128x64xf32, #tpu.memory_space<vmem_shared>>)
      tpu.yield
    }) : () -> ()
    %barrier3A_61 = arith.constant 0 : index
    tpu.barrier barrier_id(%barrier3A_61)
    %eq3A_62 = arith.constant 0 : i32
    %eq3A_63 = arith.cmpi eq, %arg0, %eq3A_62 : i32
    %convert_element_type3A_64 = arith.extui %eq3A_63 : i1 to i32
    %cond3A_65 = arith.constant 0 : i32
    %cond3A_66 = arith.cmpi ne, %convert_element_type3A_64, %cond3A_65 : i32
    scf.if %cond3A_66 {
      %dma_start3A = arith.constant 0 : i32
      %dma_start3A_83 = arith.constant 0 : i32
      %dma_start3A_84 = tpu.memref_slice %arg12[%dma_start3A, %dma_start3A_83] : memref<250x40xi32, #tpu.memory_space<vmem>> -> memref<1x40xi32, #tpu.memory_space<vmem>>
      %dma_start3A_85 = tpu.memref_squeeze %dma_start3A_84 : memref<1x40xi32, #tpu.memory_space<vmem>> -> memref<40xi32, #tpu.memory_space<vmem>>
      %dma_start3A_86 = arith.constant 0 : i32
      %dma_start3A_87 = arith.constant 0 : i32
      %dma_start3A_88 = tpu.memref_slice %arg3[%dma_start3A_86, %dma_start3A_87] : memref<10000x64xf32, #tpu.memory_space<hbm>> -> memref<10000x64xf32, #tpu.memory_space<hbm>>
      tpu.enqueue_indirect_dma source(%dma_start3A_88 : memref<10000x64xf32, #tpu.memory_space<hbm>>) target(%arg14 : memref<40x64xf32, #tpu.memory_space<vmem>>) offsets(%dma_start3A_85 : memref<40xi32, #tpu.memory_space<vmem>>) semaphore(%arg21 : memref<!tpu.dma_semaphore, #tpu.memory_space<semaphore_mem>>)
      %scan3A_89 = arith.constant 0 : i32
      %scan3A_90 = arith.constant 125 : i32
      %scan3A_91 = arith.addi %scan3A_89, %scan3A_90 : i32
      %scan3A_92 = arith.constant 1 : i32
      scf.for %scan3A_94 = %scan3A_89 to %scan3A_91 step %scan3A_92  : i32 {
        %mul3A_95 = arith.constant 1 : i32
        %mul3A_96 = arith.muli %scan3A_94, %mul3A_95 : i32
        %add3A_97 = arith.constant 0 : i32
        %add3A_98 = arith.addi %add3A_97, %mul3A_96 : i32
        %mul3A_99 = arith.constant 2 : i32
        %mul3A_100 = arith.muli %mul3A_99, %add3A_98 : i32
        %add3A_101 = arith.constant 1 : i32
        %add3A_102 = arith.addi %mul3A_100, %add3A_101 : i32
        %dma_start3A_103 = arith.constant 0 : i32
        %dma_start3A_104 = tpu.memref_slice %arg12[%add3A_102, %dma_start3A_103] : memref<250x40xi32, #tpu.memory_space<vmem>> -> memref<1x40xi32, #tpu.memory_space<vmem>>
        %dma_start3A_105 = tpu.memref_squeeze %dma_start3A_104 : memref<1x40xi32, #tpu.memory_space<vmem>> -> memref<40xi32, #tpu.memory_space<vmem>>
        %dma_start3A_106 = arith.constant 0 : i32
        %dma_start3A_107 = arith.constant 0 : i32
        %dma_start3A_108 = tpu.memref_slice %arg3[%dma_start3A_106, %dma_start3A_107] : memref<10000x64xf32, #tpu.memory_space<hbm>> -> memref<10000x64xf32, #tpu.memory_space<hbm>>
        tpu.enqueue_indirect_dma source(%dma_start3A_108 : memref<10000x64xf32, #tpu.memory_space<hbm>>) target(%arg15 : memref<40x64xf32, #tpu.memory_space<vmem>>) offsets(%dma_start3A_105 : memref<40xi32, #tpu.memory_space<vmem>>) semaphore(%arg22 : memref<!tpu.dma_semaphore, #tpu.memory_space<semaphore_mem>>)
        %dma_wait3A = arith.constant 0 : i32
        %dma_wait3A_109 = tpu.memref_slice %arg12[%mul3A_100, %dma_wait3A] : memref<250x40xi32, #tpu.memory_space<vmem>> -> memref<1x40xi32, #tpu.memory_space<vmem>>
        %dma_wait3A_110 = tpu.memref_squeeze %dma_wait3A_109 : memref<1x40xi32, #tpu.memory_space<vmem>> -> memref<40xi32, #tpu.memory_space<vmem>>
        %dma_wait3A_111 = arith.constant 0 : i32
        %dma_wait3A_112 = arith.constant 0 : i32
        %dma_wait3A_113 = tpu.memref_slice %arg3[%dma_wait3A_111, %dma_wait3A_112] : memref<10000x64xf32, #tpu.memory_space<hbm>> -> memref<10000x64xf32, #tpu.memory_space<hbm>>
        tpu.wait_indirect_dma semaphore(%arg21 : memref<!tpu.dma_semaphore, #tpu.memory_space<semaphore_mem>>) src(%dma_wait3A_113 : memref<10000x64xf32, #tpu.memory_space<hbm>>) dst(%arg14 : memref<40x64xf32, #tpu.memory_space<vmem>>)
        "tpu.region"() ({
          %run_scoped3A = tpu.sem_alloc : memref<!tpu.dma_semaphore, #tpu.memory_space<semaphore_mem>>
          %dma_start3A_128 = arith.constant 0 : i32
          %dma_start3A_129 = tpu.memref_slice %arg13[%mul3A_100, %dma_start3A_128] : memref<250x40xi32, #tpu.memory_space<vmem>> -> memref<1x40xi32, #tpu.memory_space<vmem>>
          %dma_start3A_130 = tpu.memref_squeeze %dma_start3A_129 : memref<1x40xi32, #tpu.memory_space<vmem>> -> memref<40xi32, #tpu.memory_space<vmem>>
          %dma_start3A_131 = arith.constant 0 : i32
          %dma_start3A_132 = arith.constant 0 : i32
          %dma_start3A_133 = tpu.memref_slice %arg19[%dma_start3A_131, %dma_start3A_132] : memref<10240x64xf32, #tpu.memory_space<vmem_shared>> -> memref<10240x64xf32, #tpu.memory_space<vmem_shared>>
          tpu.enqueue_indirect_dma source(%arg14 : memref<40x64xf32, #tpu.memory_space<vmem>>) target(%dma_start3A_133 : memref<10240x64xf32, #tpu.memory_space<vmem_shared>>) offsets(%dma_start3A_130 : memref<40xi32, #tpu.memory_space<vmem>>) semaphore(%run_scoped3A : memref<!tpu.dma_semaphore, #tpu.memory_space<semaphore_mem>>) {add = true}
          %dma_wait3A_134 = arith.constant 0 : i32
          %dma_wait3A_135 = tpu.memref_slice %arg13[%mul3A_100, %dma_wait3A_134] : memref<250x40xi32, #tpu.memory_space<vmem>> -> memref<1x40xi32, #tpu.memory_space<vmem>>
          %dma_wait3A_136 = tpu.memref_squeeze %dma_wait3A_135 : memref<1x40xi32, #tpu.memory_space<vmem>> -> memref<40xi32, #tpu.memory_space<vmem>>
          %dma_wait3A_137 = arith.constant 0 : i32
          %dma_wait3A_138 = arith.constant 0 : i32
          %dma_wait3A_139 = tpu.memref_slice %arg19[%dma_wait3A_137, %dma_wait3A_138] : memref<10240x64xf32, #tpu.memory_space<vmem_shared>> -> memref<10240x64xf32, #tpu.memory_space<vmem_shared>>
          tpu.wait_indirect_dma semaphore(%run_scoped3A : memref<!tpu.dma_semaphore, #tpu.memory_space<semaphore_mem>>) src(%arg14 : memref<40x64xf32, #tpu.memory_space<vmem>>) dst(%dma_wait3A_139 : memref<10240x64xf32, #tpu.memory_space<vmem_shared>>)
          tpu.yield
        }) : () -> ()
        %lt3A = arith.constant 124 : i32
        %lt3A_114 = arith.cmpi slt, %add3A_98, %lt3A : i32
        %convert_element_type3A_115 = arith.extui %lt3A_114 : i1 to i32
        %cond3A_116 = arith.constant 0 : i32
        %cond3A_117 = arith.cmpi ne, %convert_element_type3A_115, %cond3A_116 : i32
        scf.if %cond3A_117 {
          %add3A_128 = arith.constant 2 : i32
          %add3A_129 = arith.addi %mul3A_100, %add3A_128 : i32
          %dma_start3A_130 = arith.constant 0 : i32
          %dma_start3A_131 = tpu.memref_slice %arg12[%add3A_129, %dma_start3A_130] : memref<250x40xi32, #tpu.memory_space<vmem>> -> memref<1x40xi32, #tpu.memory_space<vmem>>
          %dma_start3A_132 = tpu.memref_squeeze %dma_start3A_131 : memref<1x40xi32, #tpu.memory_space<vmem>> -> memref<40xi32, #tpu.memory_space<vmem>>
          %dma_start3A_133 = arith.constant 0 : i32
          %dma_start3A_134 = arith.constant 0 : i32
          %dma_start3A_135 = tpu.memref_slice %arg3[%dma_start3A_133, %dma_start3A_134] : memref<10000x64xf32, #tpu.memory_space<hbm>> -> memref<10000x64xf32, #tpu.memory_space<hbm>>
          tpu.enqueue_indirect_dma source(%dma_start3A_135 : memref<10000x64xf32, #tpu.memory_space<hbm>>) target(%arg14 : memref<40x64xf32, #tpu.memory_space<vmem>>) offsets(%dma_start3A_132 : memref<40xi32, #tpu.memory_space<vmem>>) semaphore(%arg21 : memref<!tpu.dma_semaphore, #tpu.memory_space<semaphore_mem>>)
        } else {
        }
        %add3A_118 = arith.constant 1 : i32
        %add3A_119 = arith.addi %mul3A_100, %add3A_118 : i32
        %dma_wait3A_120 = arith.constant 0 : i32
        %dma_wait3A_121 = tpu.memref_slice %arg12[%add3A_119, %dma_wait3A_120] : memref<250x40xi32, #tpu.memory_space<vmem>> -> memref<1x40xi32, #tpu.memory_space<vmem>>
        %dma_wait3A_122 = tpu.memref_squeeze %dma_wait3A_121 : memref<1x40xi32, #tpu.memory_space<vmem>> -> memref<40xi32, #tpu.memory_space<vmem>>
        %dma_wait3A_123 = arith.constant 0 : i32
        %dma_wait3A_124 = arith.constant 0 : i32
        %dma_wait3A_125 = tpu.memref_slice %arg3[%dma_wait3A_123, %dma_wait3A_124] : memref<10000x64xf32, #tpu.memory_space<hbm>> -> memref<10000x64xf32, #tpu.memory_space<hbm>>
        tpu.wait_indirect_dma semaphore(%arg22 : memref<!tpu.dma_semaphore, #tpu.memory_space<semaphore_mem>>) src(%dma_wait3A_125 : memref<10000x64xf32, #tpu.memory_space<hbm>>) dst(%arg15 : memref<40x64xf32, #tpu.memory_space<vmem>>)
        %add3A_126 = arith.constant 1 : i32
        %add3A_127 = arith.addi %mul3A_100, %add3A_126 : i32
        "tpu.region"() ({
          %run_scoped3A = tpu.sem_alloc : memref<!tpu.dma_semaphore, #tpu.memory_space<semaphore_mem>>
          %dma_start3A_128 = arith.constant 0 : i32
          %dma_start3A_129 = tpu.memref_slice %arg13[%add3A_127, %dma_start3A_128] : memref<250x40xi32, #tpu.memory_space<vmem>> -> memref<1x40xi32, #tpu.memory_space<vmem>>
          %dma_start3A_130 = tpu.memref_squeeze %dma_start3A_129 : memref<1x40xi32, #tpu.memory_space<vmem>> -> memref<40xi32, #tpu.memory_space<vmem>>
          %dma_start3A_131 = arith.constant 0 : i32
          %dma_start3A_132 = arith.constant 0 : i32
          %dma_start3A_133 = tpu.memref_slice %arg19[%dma_start3A_131, %dma_start3A_132] : memref<10240x64xf32, #tpu.memory_space<vmem_shared>> -> memref<10240x64xf32, #tpu.memory_space<vmem_shared>>
          tpu.enqueue_indirect_dma source(%arg15 : memref<40x64xf32, #tpu.memory_space<vmem>>) target(%dma_start3A_133 : memref<10240x64xf32, #tpu.memory_space<vmem_shared>>) offsets(%dma_start3A_130 : memref<40xi32, #tpu.memory_space<vmem>>) semaphore(%run_scoped3A : memref<!tpu.dma_semaphore, #tpu.memory_space<semaphore_mem>>) {add = true}
          %dma_wait3A_134 = arith.constant 0 : i32
          %dma_wait3A_135 = tpu.memref_slice %arg13[%add3A_127, %dma_wait3A_134] : memref<250x40xi32, #tpu.memory_space<vmem>> -> memref<1x40xi32, #tpu.memory_space<vmem>>
          %dma_wait3A_136 = tpu.memref_squeeze %dma_wait3A_135 : memref<1x40xi32, #tpu.memory_space<vmem>> -> memref<40xi32, #tpu.memory_space<vmem>>
          %dma_wait3A_137 = arith.constant 0 : i32
          %dma_wait3A_138 = arith.constant 0 : i32
          %dma_wait3A_139 = tpu.memref_slice %arg19[%dma_wait3A_137, %dma_wait3A_138] : memref<10240x64xf32, #tpu.memory_space<vmem_shared>> -> memref<10240x64xf32, #tpu.memory_space<vmem_shared>>
          tpu.wait_indirect_dma semaphore(%run_scoped3A : memref<!tpu.dma_semaphore, #tpu.memory_space<semaphore_mem>>) src(%arg15 : memref<40x64xf32, #tpu.memory_space<vmem>>) dst(%dma_wait3A_139 : memref<10240x64xf32, #tpu.memory_space<vmem_shared>>)
          tpu.yield
        }) : () -> ()
      }
      %scan3A_93 = arith.constant 125 : i32
    } else {
    }
    %eq3A_67 = arith.constant 1 : i32
    %eq3A_68 = arith.cmpi eq, %arg0, %eq3A_67 : i32
    %convert_element_type3A_69 = arith.extui %eq3A_68 : i1 to i32
    %cond3A_70 = arith.constant 0 : i32
    %cond3A_71 = arith.cmpi ne, %convert_element_type3A_69, %cond3A_70 : i32
    scf.if %cond3A_71 {
      %dma_start3A = arith.constant 0 : i32
      %dma_start3A_83 = arith.constant 0 : i32
      %dma_start3A_84 = tpu.memref_slice %arg12[%dma_start3A, %dma_start3A_83] : memref<250x40xi32, #tpu.memory_space<vmem>> -> memref<1x40xi32, #tpu.memory_space<vmem>>
      %dma_start3A_85 = tpu.memref_squeeze %dma_start3A_84 : memref<1x40xi32, #tpu.memory_space<vmem>> -> memref<40xi32, #tpu.memory_space<vmem>>
      %dma_start3A_86 = arith.constant 0 : i32
      %dma_start3A_87 = arith.constant 0 : i32
      %dma_start3A_88 = tpu.memref_slice %arg5[%dma_start3A_86, %dma_start3A_87] : memref<10000x64xf32, #tpu.memory_space<hbm>> -> memref<10000x64xf32, #tpu.memory_space<hbm>>
      tpu.enqueue_indirect_dma source(%dma_start3A_88 : memref<10000x64xf32, #tpu.memory_space<hbm>>) target(%arg14 : memref<40x64xf32, #tpu.memory_space<vmem>>) offsets(%dma_start3A_85 : memref<40xi32, #tpu.memory_space<vmem>>) semaphore(%arg21 : memref<!tpu.dma_semaphore, #tpu.memory_space<semaphore_mem>>)
      %scan3A_89 = arith.constant 0 : i32
      %scan3A_90 = arith.constant 125 : i32
      %scan3A_91 = arith.addi %scan3A_89, %scan3A_90 : i32
      %scan3A_92 = arith.constant 1 : i32
      scf.for %scan3A_94 = %scan3A_89 to %scan3A_91 step %scan3A_92  : i32 {
        %mul3A_95 = arith.constant 1 : i32
        %mul3A_96 = arith.muli %scan3A_94, %mul3A_95 : i32
        %add3A_97 = arith.constant 0 : i32
        %add3A_98 = arith.addi %add3A_97, %mul3A_96 : i32
        %mul3A_99 = arith.constant 2 : i32
        %mul3A_100 = arith.muli %mul3A_99, %add3A_98 : i32
        %add3A_101 = arith.constant 1 : i32
        %add3A_102 = arith.addi %mul3A_100, %add3A_101 : i32
        %dma_start3A_103 = arith.constant 0 : i32
        %dma_start3A_104 = tpu.memref_slice %arg12[%add3A_102, %dma_start3A_103] : memref<250x40xi32, #tpu.memory_space<vmem>> -> memref<1x40xi32, #tpu.memory_space<vmem>>
        %dma_start3A_105 = tpu.memref_squeeze %dma_start3A_104 : memref<1x40xi32, #tpu.memory_space<vmem>> -> memref<40xi32, #tpu.memory_space<vmem>>
        %dma_start3A_106 = arith.constant 0 : i32
        %dma_start3A_107 = arith.constant 0 : i32
        %dma_start3A_108 = tpu.memref_slice %arg5[%dma_start3A_106, %dma_start3A_107] : memref<10000x64xf32, #tpu.memory_space<hbm>> -> memref<10000x64xf32, #tpu.memory_space<hbm>>
        tpu.enqueue_indirect_dma source(%dma_start3A_108 : memref<10000x64xf32, #tpu.memory_space<hbm>>) target(%arg15 : memref<40x64xf32, #tpu.memory_space<vmem>>) offsets(%dma_start3A_105 : memref<40xi32, #tpu.memory_space<vmem>>) semaphore(%arg22 : memref<!tpu.dma_semaphore, #tpu.memory_space<semaphore_mem>>)
        %dma_wait3A = arith.constant 0 : i32
        %dma_wait3A_109 = tpu.memref_slice %arg12[%mul3A_100, %dma_wait3A] : memref<250x40xi32, #tpu.memory_space<vmem>> -> memref<1x40xi32, #tpu.memory_space<vmem>>
        %dma_wait3A_110 = tpu.memref_squeeze %dma_wait3A_109 : memref<1x40xi32, #tpu.memory_space<vmem>> -> memref<40xi32, #tpu.memory_space<vmem>>
        %dma_wait3A_111 = arith.constant 0 : i32
        %dma_wait3A_112 = arith.constant 0 : i32
        %dma_wait3A_113 = tpu.memref_slice %arg5[%dma_wait3A_111, %dma_wait3A_112] : memref<10000x64xf32, #tpu.memory_space<hbm>> -> memref<10000x64xf32, #tpu.memory_space<hbm>>
        tpu.wait_indirect_dma semaphore(%arg21 : memref<!tpu.dma_semaphore, #tpu.memory_space<semaphore_mem>>) src(%dma_wait3A_113 : memref<10000x64xf32, #tpu.memory_space<hbm>>) dst(%arg14 : memref<40x64xf32, #tpu.memory_space<vmem>>)
        "tpu.region"() ({
          %run_scoped3A = tpu.sem_alloc : memref<!tpu.dma_semaphore, #tpu.memory_space<semaphore_mem>>
          %dma_start3A_128 = arith.constant 0 : i32
          %dma_start3A_129 = tpu.memref_slice %arg13[%mul3A_100, %dma_start3A_128] : memref<250x40xi32, #tpu.memory_space<vmem>> -> memref<1x40xi32, #tpu.memory_space<vmem>>
          %dma_start3A_130 = tpu.memref_squeeze %dma_start3A_129 : memref<1x40xi32, #tpu.memory_space<vmem>> -> memref<40xi32, #tpu.memory_space<vmem>>
          %dma_start3A_131 = arith.constant 0 : i32
          %dma_start3A_132 = arith.constant 0 : i32
          %dma_start3A_133 = tpu.memref_slice %arg19[%dma_start3A_131, %dma_start3A_132] : memref<10240x64xf32, #tpu.memory_space<vmem_shared>> -> memref<10240x64xf32, #tpu.memory_space<vmem_shared>>
          tpu.enqueue_indirect_dma source(%arg14 : memref<40x64xf32, #tpu.memory_space<vmem>>) target(%dma_start3A_133 : memref<10240x64xf32, #tpu.memory_space<vmem_shared>>) offsets(%dma_start3A_130 : memref<40xi32, #tpu.memory_space<vmem>>) semaphore(%run_scoped3A : memref<!tpu.dma_semaphore, #tpu.memory_space<semaphore_mem>>) {add = true}
          %dma_wait3A_134 = arith.constant 0 : i32
          %dma_wait3A_135 = tpu.memref_slice %arg13[%mul3A_100, %dma_wait3A_134] : memref<250x40xi32, #tpu.memory_space<vmem>> -> memref<1x40xi32, #tpu.memory_space<vmem>>
          %dma_wait3A_136 = tpu.memref_squeeze %dma_wait3A_135 : memref<1x40xi32, #tpu.memory_space<vmem>> -> memref<40xi32, #tpu.memory_space<vmem>>
          %dma_wait3A_137 = arith.constant 0 : i32
          %dma_wait3A_138 = arith.constant 0 : i32
          %dma_wait3A_139 = tpu.memref_slice %arg19[%dma_wait3A_137, %dma_wait3A_138] : memref<10240x64xf32, #tpu.memory_space<vmem_shared>> -> memref<10240x64xf32, #tpu.memory_space<vmem_shared>>
          tpu.wait_indirect_dma semaphore(%run_scoped3A : memref<!tpu.dma_semaphore, #tpu.memory_space<semaphore_mem>>) src(%arg14 : memref<40x64xf32, #tpu.memory_space<vmem>>) dst(%dma_wait3A_139 : memref<10240x64xf32, #tpu.memory_space<vmem_shared>>)
          tpu.yield
        }) : () -> ()
        %lt3A = arith.constant 124 : i32
        %lt3A_114 = arith.cmpi slt, %add3A_98, %lt3A : i32
        %convert_element_type3A_115 = arith.extui %lt3A_114 : i1 to i32
        %cond3A_116 = arith.constant 0 : i32
        %cond3A_117 = arith.cmpi ne, %convert_element_type3A_115, %cond3A_116 : i32
        scf.if %cond3A_117 {
          %add3A_128 = arith.constant 2 : i32
          %add3A_129 = arith.addi %mul3A_100, %add3A_128 : i32
          %dma_start3A_130 = arith.constant 0 : i32
          %dma_start3A_131 = tpu.memref_slice %arg12[%add3A_129, %dma_start3A_130] : memref<250x40xi32, #tpu.memory_space<vmem>> -> memref<1x40xi32, #tpu.memory_space<vmem>>
          %dma_start3A_132 = tpu.memref_squeeze %dma_start3A_131 : memref<1x40xi32, #tpu.memory_space<vmem>> -> memref<40xi32, #tpu.memory_space<vmem>>
          %dma_start3A_133 = arith.constant 0 : i32
          %dma_start3A_134 = arith.constant 0 : i32
          %dma_start3A_135 = tpu.memref_slice %arg5[%dma_start3A_133, %dma_start3A_134] : memref<10000x64xf32, #tpu.memory_space<hbm>> -> memref<10000x64xf32, #tpu.memory_space<hbm>>
          tpu.enqueue_indirect_dma source(%dma_start3A_135 : memref<10000x64xf32, #tpu.memory_space<hbm>>) target(%arg14 : memref<40x64xf32, #tpu.memory_space<vmem>>) offsets(%dma_start3A_132 : memref<40xi32, #tpu.memory_space<vmem>>) semaphore(%arg21 : memref<!tpu.dma_semaphore, #tpu.memory_space<semaphore_mem>>)
        } else {
        }
        %add3A_118 = arith.constant 1 : i32
        %add3A_119 = arith.addi %mul3A_100, %add3A_118 : i32
        %dma_wait3A_120 = arith.constant 0 : i32
        %dma_wait3A_121 = tpu.memref_slice %arg12[%add3A_119, %dma_wait3A_120] : memref<250x40xi32, #tpu.memory_space<vmem>> -> memref<1x40xi32, #tpu.memory_space<vmem>>
        %dma_wait3A_122 = tpu.memref_squeeze %dma_wait3A_121 : memref<1x40xi32, #tpu.memory_space<vmem>> -> memref<40xi32, #tpu.memory_space<vmem>>
        %dma_wait3A_123 = arith.constant 0 : i32
        %dma_wait3A_124 = arith.constant 0 : i32
        %dma_wait3A_125 = tpu.memref_slice %arg5[%dma_wait3A_123, %dma_wait3A_124] : memref<10000x64xf32, #tpu.memory_space<hbm>> -> memref<10000x64xf32, #tpu.memory_space<hbm>>
        tpu.wait_indirect_dma semaphore(%arg22 : memref<!tpu.dma_semaphore, #tpu.memory_space<semaphore_mem>>) src(%dma_wait3A_125 : memref<10000x64xf32, #tpu.memory_space<hbm>>) dst(%arg15 : memref<40x64xf32, #tpu.memory_space<vmem>>)
        %add3A_126 = arith.constant 1 : i32
        %add3A_127 = arith.addi %mul3A_100, %add3A_126 : i32
        "tpu.region"() ({
          %run_scoped3A = tpu.sem_alloc : memref<!tpu.dma_semaphore, #tpu.memory_space<semaphore_mem>>
          %dma_start3A_128 = arith.constant 0 : i32
          %dma_start3A_129 = tpu.memref_slice %arg13[%add3A_127, %dma_start3A_128] : memref<250x40xi32, #tpu.memory_space<vmem>> -> memref<1x40xi32, #tpu.memory_space<vmem>>
          %dma_start3A_130 = tpu.memref_squeeze %dma_start3A_129 : memref<1x40xi32, #tpu.memory_space<vmem>> -> memref<40xi32, #tpu.memory_space<vmem>>
          %dma_start3A_131 = arith.constant 0 : i32
          %dma_start3A_132 = arith.constant 0 : i32
          %dma_start3A_133 = tpu.memref_slice %arg19[%dma_start3A_131, %dma_start3A_132] : memref<10240x64xf32, #tpu.memory_space<vmem_shared>> -> memref<10240x64xf32, #tpu.memory_space<vmem_shared>>
          tpu.enqueue_indirect_dma source(%arg15 : memref<40x64xf32, #tpu.memory_space<vmem>>) target(%dma_start3A_133 : memref<10240x64xf32, #tpu.memory_space<vmem_shared>>) offsets(%dma_start3A_130 : memref<40xi32, #tpu.memory_space<vmem>>) semaphore(%run_scoped3A : memref<!tpu.dma_semaphore, #tpu.memory_space<semaphore_mem>>) {add = true}
          %dma_wait3A_134 = arith.constant 0 : i32
          %dma_wait3A_135 = tpu.memref_slice %arg13[%add3A_127, %dma_wait3A_134] : memref<250x40xi32, #tpu.memory_space<vmem>> -> memref<1x40xi32, #tpu.memory_space<vmem>>
          %dma_wait3A_136 = tpu.memref_squeeze %dma_wait3A_135 : memref<1x40xi32, #tpu.memory_space<vmem>> -> memref<40xi32, #tpu.memory_space<vmem>>
          %dma_wait3A_137 = arith.constant 0 : i32
          %dma_wait3A_138 = arith.constant 0 : i32
          %dma_wait3A_139 = tpu.memref_slice %arg19[%dma_wait3A_137, %dma_wait3A_138] : memref<10240x64xf32, #tpu.memory_space<vmem_shared>> -> memref<10240x64xf32, #tpu.memory_space<vmem_shared>>
          tpu.wait_indirect_dma semaphore(%run_scoped3A : memref<!tpu.dma_semaphore, #tpu.memory_space<semaphore_mem>>) src(%arg15 : memref<40x64xf32, #tpu.memory_space<vmem>>) dst(%dma_wait3A_139 : memref<10240x64xf32, #tpu.memory_space<vmem_shared>>)
          tpu.yield
        }) : () -> ()
      }
      %scan3A_93 = arith.constant 125 : i32
    } else {
    }
    %barrier3A_72 = arith.constant 0 : index
    tpu.barrier barrier_id(%barrier3A_72)
    %eq3A_73 = arith.constant 0 : i32
    %eq3A_74 = arith.cmpi eq, %arg0, %eq3A_73 : i32
    %convert_element_type3A_75 = arith.extui %eq3A_74 : i1 to i32
    %cond3A_76 = arith.constant 0 : i32
    %cond3A_77 = arith.cmpi ne, %convert_element_type3A_75, %cond3A_76 : i32
    scf.if %cond3A_77 {
      %mul3A_83 = arith.constant 640 : i32
      %mul3A_84 = arith.muli %arg1, %mul3A_83 : i32
      "tpu.region"() ({
        %run_scoped3A = tpu.sem_alloc : memref<!tpu.dma_semaphore, #tpu.memory_space<semaphore_mem>>
        %dma_start3A = arith.constant 0 : i32
        %dma_start3A_85 = arith.constant 0 : i32
        %dma_start3A_86 = tpu.memref_slice %arg9[%arg1, %dma_start3A, %dma_start3A_85] : memref<16x640x64xf32, #tpu.memory_space<hbm>> -> memref<1x640x64xf32, #tpu.memory_space<hbm>>
        %dma_start3A_87 = tpu.memref_squeeze %dma_start3A_86 : memref<1x640x64xf32, #tpu.memory_space<hbm>> -> memref<640x64xf32, #tpu.memory_space<hbm>>
        %dma_start3A_88 = arith.constant 0 : i32
        %dma_start3A_89 = tpu.memref_slice %arg19[%mul3A_84, %dma_start3A_88] : memref<10240x64xf32, #tpu.memory_space<vmem_shared>> -> memref<640x64xf32, #tpu.memory_space<vmem_shared>>
        tpu.enqueue_dma source(%dma_start3A_89 : memref<640x64xf32, #tpu.memory_space<vmem_shared>>) target(%dma_start3A_87 : memref<640x64xf32, #tpu.memory_space<hbm>>) target_semaphore(%run_scoped3A : memref<!tpu.dma_semaphore, #tpu.memory_space<semaphore_mem>>)
        %dma_wait3A = arith.constant 0 : i32
        %dma_wait3A_90 = arith.constant 0 : i32
        %dma_wait3A_91 = tpu.memref_slice %arg9[%arg1, %dma_wait3A, %dma_wait3A_90] : memref<16x640x64xf32, #tpu.memory_space<hbm>> -> memref<1x640x64xf32, #tpu.memory_space<hbm>>
        %dma_wait3A_92 = tpu.memref_squeeze %dma_wait3A_91 : memref<1x640x64xf32, #tpu.memory_space<hbm>> -> memref<640x64xf32, #tpu.memory_space<hbm>>
        %dma_wait3A_93 = arith.constant 0 : i32
        %dma_wait3A_94 = tpu.memref_slice %arg19[%mul3A_84, %dma_wait3A_93] : memref<10240x64xf32, #tpu.memory_space<vmem_shared>> -> memref<640x64xf32, #tpu.memory_space<vmem_shared>>
        tpu.wait_dma2 semaphore(%run_scoped3A : memref<!tpu.dma_semaphore, #tpu.memory_space<semaphore_mem>>) src(%dma_wait3A_94 : memref<640x64xf32, #tpu.memory_space<vmem_shared>>) dst(%dma_wait3A_92 : memref<640x64xf32, #tpu.memory_space<hbm>>)
        tpu.yield
      }) : () -> ()
    } else {
    }
    %eq3A_78 = arith.constant 1 : i32
    %eq3A_79 = arith.cmpi eq, %arg0, %eq3A_78 : i32
    %convert_element_type3A_80 = arith.extui %eq3A_79 : i1 to i32
    %cond3A_81 = arith.constant 0 : i32
    %cond3A_82 = arith.cmpi ne, %convert_element_type3A_80, %cond3A_81 : i32
    scf.if %cond3A_82 {
      %mul3A_83 = arith.constant 640 : i32
      %mul3A_84 = arith.muli %arg1, %mul3A_83 : i32
      "tpu.region"() ({
        %run_scoped3A = tpu.sem_alloc : memref<!tpu.dma_semaphore, #tpu.memory_space<semaphore_mem>>
        %dma_start3A = arith.constant 0 : i32
        %dma_start3A_85 = arith.constant 0 : i32
        %dma_start3A_86 = tpu.memref_slice %arg11[%arg1, %dma_start3A, %dma_start3A_85] : memref<16x640x64xf32, #tpu.memory_space<hbm>> -> memref<1x640x64xf32, #tpu.memory_space<hbm>>
        %dma_start3A_87 = tpu.memref_squeeze %dma_start3A_86 : memref<1x640x64xf32, #tpu.memory_space<hbm>> -> memref<640x64xf32, #tpu.memory_space<hbm>>
        %dma_start3A_88 = arith.constant 0 : i32
        %dma_start3A_89 = tpu.memref_slice %arg19[%mul3A_84, %dma_start3A_88] : memref<10240x64xf32, #tpu.memory_space<vmem_shared>> -> memref<640x64xf32, #tpu.memory_space<vmem_shared>>
        tpu.enqueue_dma source(%dma_start3A_89 : memref<640x64xf32, #tpu.memory_space<vmem_shared>>) target(%dma_start3A_87 : memref<640x64xf32, #tpu.memory_space<hbm>>) target_semaphore(%run_scoped3A : memref<!tpu.dma_semaphore, #tpu.memory_space<semaphore_mem>>)
        %dma_wait3A = arith.constant 0 : i32
        %dma_wait3A_90 = arith.constant 0 : i32
        %dma_wait3A_91 = tpu.memref_slice %arg11[%arg1, %dma_wait3A, %dma_wait3A_90] : memref<16x640x64xf32, #tpu.memory_space<hbm>> -> memref<1x640x64xf32, #tpu.memory_space<hbm>>
        %dma_wait3A_92 = tpu.memref_squeeze %dma_wait3A_91 : memref<1x640x64xf32, #tpu.memory_space<hbm>> -> memref<640x64xf32, #tpu.memory_space<hbm>>
        %dma_wait3A_93 = arith.constant 0 : i32
        %dma_wait3A_94 = tpu.memref_slice %arg19[%mul3A_84, %dma_wait3A_93] : memref<10240x64xf32, #tpu.memory_space<vmem_shared>> -> memref<640x64xf32, #tpu.memory_space<vmem_shared>>
        tpu.wait_dma2 semaphore(%run_scoped3A : memref<!tpu.dma_semaphore, #tpu.memory_space<semaphore_mem>>) src(%dma_wait3A_94 : memref<640x64xf32, #tpu.memory_space<vmem_shared>>) dst(%dma_wait3A_92 : memref<640x64xf32, #tpu.memory_space<hbm>>)
        tpu.yield
      }) : () -> ()
    } else {
    }
    return
  }
}

module attributes {stable_mosaic.version = 14 : i64} {
  func.func @_mm_first_body(%arg0: i32, %arg1: memref<1000x256xf32, #tpu.memory_space<vmem>>, %arg2: memref<256x256xf32, #tpu.memory_space<vmem>>, %arg3: memref<256x256xf32, #tpu.memory_space<vmem>>, %arg4: memref<1x256xf32, #tpu.memory_space<vmem>>, %arg5: memref<1000x64xf32, #tpu.memory_space<vmem>>, %arg6: memref<1000x64xf32, #tpu.memory_space<vmem>>, %arg7: memref<1000x64xf32, #tpu.memory_space<vmem>>, %arg8: memref<1000x64xf32, #tpu.memory_space<vmem>>, %arg9: memref<1000x256xf32, #tpu.memory_space<vmem>>) attributes {dimension_semantics = [#tpu.dimension_semantics<arbitrary>], iteration_bounds = array<i64: 10>, scalar_prefetch = 0 : i64, scratch_operands = 0 : i64, tpu.core_type = #tpu.core_type<tc>, window_params = [{transform_indices = @transform_0, window_bounds = array<i64: 1000, 256>}, {pipeline_mode = #tpu.pipeline_mode<synchronous>, transform_indices = @transform_1, window_bounds = array<i64: 256, 256>}, {pipeline_mode = #tpu.pipeline_mode<synchronous>, transform_indices = @transform_2, window_bounds = array<i64: 256, 256>}, {pipeline_mode = #tpu.pipeline_mode<synchronous>, transform_indices = @transform_3, window_bounds = array<i64: 1, 256>}, {transform_indices = @transform_4, window_bounds = array<i64: 1000, 64>}, {transform_indices = @transform_5, window_bounds = array<i64: 1000, 64>}, {transform_indices = @transform_6, window_bounds = array<i64: 1000, 64>}, {transform_indices = @transform_7, window_bounds = array<i64: 1000, 64>}, {transform_indices = @transform_8, window_bounds = array<i64: 1000, 256>}]} {
    %get3A = arith.constant 0 : index
    %get3A_0 = arith.constant 0 : index
    %get3A_1 = vector.load %arg1[%get3A, %get3A_0] : memref<1000x256xf32, #tpu.memory_space<vmem>>, vector<1000x256xf32>
    %get3A_2 = arith.constant 0 : index
    %get3A_3 = arith.constant 0 : index
    %get3A_4 = vector.load %arg2[%get3A_2, %get3A_3] : memref<256x256xf32, #tpu.memory_space<vmem>>, vector<256x256xf32>
    %dot_general3A = arith.constant dense<0.000000e+00> : vector<1000x256xf32>
    %dot_general3A_5 = tpu.matmul %get3A_1, %get3A_4, %dot_general3A {dimension_numbers = #tpu.dot_dimension_numbers<[1], [1], [0], [0], [0, 0, 1, 0], [], []>, transpose_lhs_hint = false} : vector<1000x256xf32>, vector<256x256xf32>, vector<1000x256xf32> -> vector<1000x256xf32>
    %slice3A = vector.extract_strided_slice %dot_general3A_5 {offsets = [0, 0], sizes = [1000, 64], strides = [1, 1]} : vector<1000x256xf32> to vector<1000x64xf32>
    %swap3A = arith.constant 0 : index
    %swap3A_6 = arith.constant 0 : index
    %swap3A_7 = vector.load %arg5[%swap3A, %swap3A_6] : memref<1000x64xf32, #tpu.memory_space<vmem>>, vector<1000x64xf32>
    tpu.vector_store %arg5[%swap3A, %swap3A_6], %slice3A {strides = array<i32>} : memref<1000x64xf32, #tpu.memory_space<vmem>>, vector<1000x64xf32>,
    %slice3A_8 = vector.extract_strided_slice %dot_general3A_5 {offsets = [0, 64], sizes = [1000, 64], strides = [1, 1]} : vector<1000x256xf32> to vector<1000x64xf32>
    %swap3A_9 = arith.constant 0 : index
    %swap3A_10 = arith.constant 0 : index
    %swap3A_11 = vector.load %arg6[%swap3A_9, %swap3A_10] : memref<1000x64xf32, #tpu.memory_space<vmem>>, vector<1000x64xf32>
    tpu.vector_store %arg6[%swap3A_9, %swap3A_10], %slice3A_8 {strides = array<i32>} : memref<1000x64xf32, #tpu.memory_space<vmem>>, vector<1000x64xf32>,
    %slice3A_12 = vector.extract_strided_slice %dot_general3A_5 {offsets = [0, 128], sizes = [1000, 64], strides = [1, 1]} : vector<1000x256xf32> to vector<1000x64xf32>
    %swap3A_13 = arith.constant 0 : index
    %swap3A_14 = arith.constant 0 : index
    %swap3A_15 = vector.load %arg7[%swap3A_13, %swap3A_14] : memref<1000x64xf32, #tpu.memory_space<vmem>>, vector<1000x64xf32>
    tpu.vector_store %arg7[%swap3A_13, %swap3A_14], %slice3A_12 {strides = array<i32>} : memref<1000x64xf32, #tpu.memory_space<vmem>>, vector<1000x64xf32>,
    %slice3A_16 = vector.extract_strided_slice %dot_general3A_5 {offsets = [0, 192], sizes = [1000, 64], strides = [1, 1]} : vector<1000x256xf32> to vector<1000x64xf32>
    %swap3A_17 = arith.constant 0 : index
    %swap3A_18 = arith.constant 0 : index
    %swap3A_19 = vector.load %arg8[%swap3A_17, %swap3A_18] : memref<1000x64xf32, #tpu.memory_space<vmem>>, vector<1000x64xf32>
    tpu.vector_store %arg8[%swap3A_17, %swap3A_18], %slice3A_16 {strides = array<i32>} : memref<1000x64xf32, #tpu.memory_space<vmem>>, vector<1000x64xf32>,
    %get3A_20 = arith.constant 0 : index
    %get3A_21 = arith.constant 0 : index
    %get3A_22 = vector.load %arg3[%get3A_20, %get3A_21] : memref<256x256xf32, #tpu.memory_space<vmem>>, vector<256x256xf32>
    %dot_general3A_23 = arith.constant dense<0.000000e+00> : vector<1000x256xf32>
    %dot_general3A_24 = tpu.matmul %get3A_1, %get3A_22, %dot_general3A_23 {dimension_numbers = #tpu.dot_dimension_numbers<[1], [1], [0], [0], [0, 0, 1, 0], [], []>, transpose_lhs_hint = false} : vector<1000x256xf32>, vector<256x256xf32>, vector<1000x256xf32> -> vector<1000x256xf32>
    %get3A_25 = arith.constant 0 : index
    %get3A_26 = arith.constant 0 : index
    %get3A_27 = vector.load %arg4[%get3A_25, %get3A_26] : memref<1x256xf32, #tpu.memory_space<vmem>>, vector<1x256xf32>
    %add3A = vector.broadcast %get3A_27 : vector<1x256xf32> to vector<1000x256xf32>
    %add3A_28 = arith.addf %dot_general3A_24, %add3A : vector<1000x256xf32>
    %swap3A_29 = arith.constant 0 : index
    %swap3A_30 = arith.constant 0 : index
    %swap3A_31 = vector.load %arg9[%swap3A_29, %swap3A_30] : memref<1000x256xf32, #tpu.memory_space<vmem>>, vector<1000x256xf32>
    tpu.vector_store %arg9[%swap3A_29, %swap3A_30], %add3A_28 {strides = array<i32>} : memref<1000x256xf32, #tpu.memory_space<vmem>>, vector<1000x256xf32>,
    return
  }
  func.func @transform_0(%arg0: i32) -> (i32, i32) {
    %c0_i32 = arith.constant 0 : i32
    %c0_i32_0 = arith.constant 0 : i32
    return %arg0, %c0_i32 : i32, i32
  }
  func.func @transform_1(%arg0: i32) -> (i32, i32) {
    %c0_i32 = arith.constant 0 : i32
    %c0_i32_0 = arith.constant 0 : i32
    %c0_i32_1 = arith.constant 0 : i32
    return %c0_i32, %c0_i32_0 : i32, i32
  }
  func.func @transform_2(%arg0: i32) -> (i32, i32) {
    %c0_i32 = arith.constant 0 : i32
    %c0_i32_0 = arith.constant 0 : i32
    %c0_i32_1 = arith.constant 0 : i32
    return %c0_i32, %c0_i32_0 : i32, i32
  }
  func.func @transform_3(%arg0: i32) -> (i32, i32) {
    %c0_i32 = arith.constant 0 : i32
    %c0_i32_0 = arith.constant 0 : i32
    %c0_i32_1 = arith.constant 0 : i32
    return %c0_i32, %c0_i32_0 : i32, i32
  }
  func.func @transform_4(%arg0: i32) -> (i32, i32) {
    %c0_i32 = arith.constant 0 : i32
    %c0_i32_0 = arith.constant 0 : i32
    return %arg0, %c0_i32 : i32, i32
  }
  func.func @transform_5(%arg0: i32) -> (i32, i32) {
    %c0_i32 = arith.constant 0 : i32
    %c0_i32_0 = arith.constant 0 : i32
    return %arg0, %c0_i32 : i32, i32
  }
  func.func @transform_6(%arg0: i32) -> (i32, i32) {
    %c0_i32 = arith.constant 0 : i32
    %c0_i32_0 = arith.constant 0 : i32
    return %arg0, %c0_i32 : i32, i32
  }
  func.func @transform_7(%arg0: i32) -> (i32, i32) {
    %c0_i32 = arith.constant 0 : i32
    %c0_i32_0 = arith.constant 0 : i32
    return %arg0, %c0_i32 : i32, i32
  }
  func.func @transform_8(%arg0: i32) -> (i32, i32) {
    %c0_i32 = arith.constant 0 : i32
    %c0_i32_0 = arith.constant 0 : i32
    return %arg0, %c0_i32 : i32, i32
  }
}

module attributes {stable_mosaic.version = 14 : i64} {
  func.func @_mm_mid_body(%arg0: i32, %arg1: memref<1000x64xf32, #tpu.memory_space<vmem>>, %arg2: memref<1000x64xf32, #tpu.memory_space<vmem>>, %arg3: memref<1000x64xf32, #tpu.memory_space<vmem>>, %arg4: memref<1000x64xf32, #tpu.memory_space<vmem>>, %arg5: memref<1000x1xf32, #tpu.memory_space<vmem>>, %arg6: memref<1000x256xf32, #tpu.memory_space<vmem>>, %arg7: memref<256x256xf32, #tpu.memory_space<vmem>>, %arg8: memref<256x256xf32, #tpu.memory_space<vmem>>, %arg9: memref<1x256xf32, #tpu.memory_space<vmem>>, %arg10: memref<1000x64xf32, #tpu.memory_space<vmem>>, %arg11: memref<1000x64xf32, #tpu.memory_space<vmem>>, %arg12: memref<1000x64xf32, #tpu.memory_space<vmem>>, %arg13: memref<1000x64xf32, #tpu.memory_space<vmem>>, %arg14: memref<1000x256xf32, #tpu.memory_space<vmem>>) attributes {dimension_semantics = [#tpu.dimension_semantics<arbitrary>], iteration_bounds = array<i64: 10>, scalar_prefetch = 0 : i64, scratch_operands = 0 : i64, tpu.core_type = #tpu.core_type<tc>, window_params = [{transform_indices = @transform_0, window_bounds = array<i64: 1000, 64>}, {transform_indices = @transform_1, window_bounds = array<i64: 1000, 64>}, {transform_indices = @transform_2, window_bounds = array<i64: 1000, 64>}, {transform_indices = @transform_3, window_bounds = array<i64: 1000, 64>}, {transform_indices = @transform_4, window_bounds = array<i64: 1000, 1>}, {transform_indices = @transform_5, window_bounds = array<i64: 1000, 256>}, {pipeline_mode = #tpu.pipeline_mode<synchronous>, transform_indices = @transform_6, window_bounds = array<i64: 256, 256>}, {pipeline_mode = #tpu.pipeline_mode<synchronous>, transform_indices = @transform_7, window_bounds = array<i64: 256, 256>}, {pipeline_mode = #tpu.pipeline_mode<synchronous>, transform_indices = @transform_8, window_bounds = array<i64: 1, 256>}, {transform_indices = @transform_9, window_bounds = array<i64: 1000, 64>}, {transform_indices = @transform_10, window_bounds = array<i64: 1000, 64>}, {transform_indices = @transform_11, window_bounds = array<i64: 1000, 64>}, {transform_indices = @transform_12, window_bounds = array<i64: 1000, 64>}, {transform_indices = @transform_13, window_bounds = array<i64: 1000, 256>}]} {
    %get3A = arith.constant 0 : index
    %get3A_0 = arith.constant 0 : index
    %get3A_1 = vector.load %arg5[%get3A, %get3A_0] : memref<1000x1xf32, #tpu.memory_space<vmem>>, vector<1000x1xf32>
    %max3A = arith.constant 1.000000e+00 : f32
    %max3A_2 = vector.broadcast %max3A : f32 to vector<1000x1xf32>
    %max3A_3 = arith.maximumf %get3A_1, %max3A_2 : vector<1000x1xf32>
    %div3A = arith.constant 1.000000e+00 : f32
    %div3A_4 = vector.broadcast %div3A : f32 to vector<1000x1xf32>
    %div3A_5 = arith.divf %div3A_4, %max3A_3 : vector<1000x1xf32>
    %get3A_6 = arith.constant 0 : index
    %get3A_7 = arith.constant 0 : index
    %get3A_8 = vector.load %arg1[%get3A_6, %get3A_7] : memref<1000x64xf32, #tpu.memory_space<vmem>>, vector<1000x64xf32>
    %get3A_9 = arith.constant 0 : index
    %get3A_10 = arith.constant 0 : index
    %get3A_11 = vector.load %arg2[%get3A_9, %get3A_10] : memref<1000x64xf32, #tpu.memory_space<vmem>>, vector<1000x64xf32>
    %get3A_12 = arith.constant 0 : index
    %get3A_13 = arith.constant 0 : index
    %get3A_14 = vector.load %arg3[%get3A_12, %get3A_13] : memref<1000x64xf32, #tpu.memory_space<vmem>>, vector<1000x64xf32>
    %get3A_15 = arith.constant 0 : index
    %get3A_16 = arith.constant 0 : index
    %get3A_17 = vector.load %arg4[%get3A_15, %get3A_16] : memref<1000x64xf32, #tpu.memory_space<vmem>>, vector<1000x64xf32>
    %concatenate3A = tpu.concatenate %get3A_8, %get3A_11, %get3A_14, %get3A_17 in 1 : vector<1000x64xf32>, vector<1000x64xf32>, vector<1000x64xf32>, vector<1000x64xf32> -> vector<1000x256xf32>
    %mul3A = vector.broadcast %div3A_5 : vector<1000x1xf32> to vector<1000x256xf32>
    %mul3A_18 = arith.mulf %concatenate3A, %mul3A : vector<1000x256xf32>
    %get3A_19 = arith.constant 0 : index
    %get3A_20 = arith.constant 0 : index
    %get3A_21 = vector.load %arg6[%get3A_19, %get3A_20] : memref<1000x256xf32, #tpu.memory_space<vmem>>, vector<1000x256xf32>
    %add3A = arith.addf %mul3A_18, %get3A_21 : vector<1000x256xf32>
    %max3A_22 = arith.constant 0.000000e+00 : f32
    %max3A_23 = vector.broadcast %max3A_22 : f32 to vector<1000x256xf32>
    %max3A_24 = arith.maximumf %add3A, %max3A_23 : vector<1000x256xf32>
    %get3A_25 = arith.constant 0 : index
    %get3A_26 = arith.constant 0 : index
    %get3A_27 = vector.load %arg7[%get3A_25, %get3A_26] : memref<256x256xf32, #tpu.memory_space<vmem>>, vector<256x256xf32>
    %dot_general3A = arith.constant dense<0.000000e+00> : vector<1000x256xf32>
    %dot_general3A_28 = tpu.matmul %max3A_24, %get3A_27, %dot_general3A {dimension_numbers = #tpu.dot_dimension_numbers<[1], [1], [0], [0], [0, 0, 1, 0], [], []>, transpose_lhs_hint = false} : vector<1000x256xf32>, vector<256x256xf32>, vector<1000x256xf32> -> vector<1000x256xf32>
    %slice3A = vector.extract_strided_slice %dot_general3A_28 {offsets = [0, 0], sizes = [1000, 64], strides = [1, 1]} : vector<1000x256xf32> to vector<1000x64xf32>
    %swap3A = arith.constant 0 : index
    %swap3A_29 = arith.constant 0 : index
    %swap3A_30 = vector.load %arg10[%swap3A, %swap3A_29] : memref<1000x64xf32, #tpu.memory_space<vmem>>, vector<1000x64xf32>
    tpu.vector_store %arg10[%swap3A, %swap3A_29], %slice3A {strides = array<i32>} : memref<1000x64xf32, #tpu.memory_space<vmem>>, vector<1000x64xf32>,
    %slice3A_31 = vector.extract_strided_slice %dot_general3A_28 {offsets = [0, 64], sizes = [1000, 64], strides = [1, 1]} : vector<1000x256xf32> to vector<1000x64xf32>
    %swap3A_32 = arith.constant 0 : index
    %swap3A_33 = arith.constant 0 : index
    %swap3A_34 = vector.load %arg11[%swap3A_32, %swap3A_33] : memref<1000x64xf32, #tpu.memory_space<vmem>>, vector<1000x64xf32>
    tpu.vector_store %arg11[%swap3A_32, %swap3A_33], %slice3A_31 {strides = array<i32>} : memref<1000x64xf32, #tpu.memory_space<vmem>>, vector<1000x64xf32>,
    %slice3A_35 = vector.extract_strided_slice %dot_general3A_28 {offsets = [0, 128], sizes = [1000, 64], strides = [1, 1]} : vector<1000x256xf32> to vector<1000x64xf32>
    %swap3A_36 = arith.constant 0 : index
    %swap3A_37 = arith.constant 0 : index
    %swap3A_38 = vector.load %arg12[%swap3A_36, %swap3A_37] : memref<1000x64xf32, #tpu.memory_space<vmem>>, vector<1000x64xf32>
    tpu.vector_store %arg12[%swap3A_36, %swap3A_37], %slice3A_35 {strides = array<i32>} : memref<1000x64xf32, #tpu.memory_space<vmem>>, vector<1000x64xf32>,
    %slice3A_39 = vector.extract_strided_slice %dot_general3A_28 {offsets = [0, 192], sizes = [1000, 64], strides = [1, 1]} : vector<1000x256xf32> to vector<1000x64xf32>
    %swap3A_40 = arith.constant 0 : index
    %swap3A_41 = arith.constant 0 : index
    %swap3A_42 = vector.load %arg13[%swap3A_40, %swap3A_41] : memref<1000x64xf32, #tpu.memory_space<vmem>>, vector<1000x64xf32>
    tpu.vector_store %arg13[%swap3A_40, %swap3A_41], %slice3A_39 {strides = array<i32>} : memref<1000x64xf32, #tpu.memory_space<vmem>>, vector<1000x64xf32>,
    %get3A_43 = arith.constant 0 : index
    %get3A_44 = arith.constant 0 : index
    %get3A_45 = vector.load %arg8[%get3A_43, %get3A_44] : memref<256x256xf32, #tpu.memory_space<vmem>>, vector<256x256xf32>
    %dot_general3A_46 = arith.constant dense<0.000000e+00> : vector<1000x256xf32>
    %dot_general3A_47 = tpu.matmul %max3A_24, %get3A_45, %dot_general3A_46 {dimension_numbers = #tpu.dot_dimension_numbers<[1], [1], [0], [0], [0, 0, 1, 0], [], []>, transpose_lhs_hint = false} : vector<1000x256xf32>, vector<256x256xf32>, vector<1000x256xf32> -> vector<1000x256xf32>
    %get3A_48 = arith.constant 0 : index
    %get3A_49 = arith.constant 0 : index
    %get3A_50 = vector.load %arg9[%get3A_48, %get3A_49] : memref<1x256xf32, #tpu.memory_space<vmem>>, vector<1x256xf32>
    %add3A_51 = vector.broadcast %get3A_50 : vector<1x256xf32> to vector<1000x256xf32>
    %add3A_52 = arith.addf %dot_general3A_47, %add3A_51 : vector<1000x256xf32>
    %swap3A_53 = arith.constant 0 : index
    %swap3A_54 = arith.constant 0 : index
    %swap3A_55 = vector.load %arg14[%swap3A_53, %swap3A_54] : memref<1000x256xf32, #tpu.memory_space<vmem>>, vector<1000x256xf32>
    tpu.vector_store %arg14[%swap3A_53, %swap3A_54], %add3A_52 {strides = array<i32>} : memref<1000x256xf32, #tpu.memory_space<vmem>>, vector<1000x256xf32>,
    return
  }
  func.func @transform_0(%arg0: i32) -> (i32, i32) {
    %c0_i32 = arith.constant 0 : i32
    %c0_i32_0 = arith.constant 0 : i32
    return %arg0, %c0_i32 : i32, i32
  }
  func.func @transform_1(%arg0: i32) -> (i32, i32) {
    %c0_i32 = arith.constant 0 : i32
    %c0_i32_0 = arith.constant 0 : i32
    return %arg0, %c0_i32 : i32, i32
  }
  func.func @transform_2(%arg0: i32) -> (i32, i32) {
    %c0_i32 = arith.constant 0 : i32
    %c0_i32_0 = arith.constant 0 : i32
    return %arg0, %c0_i32 : i32, i32
  }
  func.func @transform_3(%arg0: i32) -> (i32, i32) {
    %c0_i32 = arith.constant 0 : i32
    %c0_i32_0 = arith.constant 0 : i32
    return %arg0, %c0_i32 : i32, i32
  }
  func.func @transform_4(%arg0: i32) -> (i32, i32) {
    %c0_i32 = arith.constant 0 : i32
    %c0_i32_0 = arith.constant 0 : i32
    return %arg0, %c0_i32 : i32, i32
  }
  func.func @transform_5(%arg0: i32) -> (i32, i32) {
    %c0_i32 = arith.constant 0 : i32
    %c0_i32_0 = arith.constant 0 : i32
    return %arg0, %c0_i32 : i32, i32
  }
  func.func @transform_6(%arg0: i32) -> (i32, i32) {
    %c0_i32 = arith.constant 0 : i32
    %c0_i32_0 = arith.constant 0 : i32
    %c0_i32_1 = arith.constant 0 : i32
    return %c0_i32, %c0_i32_0 : i32, i32
  }
  func.func @transform_7(%arg0: i32) -> (i32, i32) {
    %c0_i32 = arith.constant 0 : i32
    %c0_i32_0 = arith.constant 0 : i32
    %c0_i32_1 = arith.constant 0 : i32
    return %c0_i32, %c0_i32_0 : i32, i32
  }
  func.func @transform_8(%arg0: i32) -> (i32, i32) {
    %c0_i32 = arith.constant 0 : i32
    %c0_i32_0 = arith.constant 0 : i32
    %c0_i32_1 = arith.constant 0 : i32
    return %c0_i32, %c0_i32_0 : i32, i32
  }
  func.func @transform_9(%arg0: i32) -> (i32, i32) {
    %c0_i32 = arith.constant 0 : i32
    %c0_i32_0 = arith.constant 0 : i32
    return %arg0, %c0_i32 : i32, i32
  }
  func.func @transform_10(%arg0: i32) -> (i32, i32) {
    %c0_i32 = arith.constant 0 : i32
    %c0_i32_0 = arith.constant 0 : i32
    return %arg0, %c0_i32 : i32, i32
  }
  func.func @transform_11(%arg0: i32) -> (i32, i32) {
    %c0_i32 = arith.constant 0 : i32
    %c0_i32_0 = arith.constant 0 : i32
    return %arg0, %c0_i32 : i32, i32
  }
  func.func @transform_12(%arg0: i32) -> (i32, i32) {
    %c0_i32 = arith.constant 0 : i32
    %c0_i32_0 = arith.constant 0 : i32
    return %arg0, %c0_i32 : i32, i32
  }
  func.func @transform_13(%arg0: i32) -> (i32, i32) {
    %c0_i32 = arith.constant 0 : i32
    %c0_i32_0 = arith.constant 0 : i32
    return %arg0, %c0_i32 : i32, i32
  }
}

module attributes {stable_mosaic.version = 14 : i64} {
  func.func @_mm_out_body(%arg0: i32, %arg1: memref<1000x64xf32, #tpu.memory_space<vmem>>, %arg2: memref<1000x64xf32, #tpu.memory_space<vmem>>, %arg3: memref<1000x64xf32, #tpu.memory_space<vmem>>, %arg4: memref<1000x64xf32, #tpu.memory_space<vmem>>, %arg5: memref<1000x1xf32, #tpu.memory_space<vmem>>, %arg6: memref<1000x256xf32, #tpu.memory_space<vmem>>, %arg7: memref<1x256xf32, #tpu.memory_space<vmem>>, %arg8: memref<1x256xf32, #tpu.memory_space<vmem>>, %arg9: memref<1000x1xf32, #tpu.memory_space<vmem>>) attributes {dimension_semantics = [#tpu.dimension_semantics<arbitrary>], iteration_bounds = array<i64: 10>, scalar_prefetch = 0 : i64, scratch_operands = 0 : i64, tpu.core_type = #tpu.core_type<tc>, window_params = [{transform_indices = @transform_0, window_bounds = array<i64: 1000, 64>}, {transform_indices = @transform_1, window_bounds = array<i64: 1000, 64>}, {transform_indices = @transform_2, window_bounds = array<i64: 1000, 64>}, {transform_indices = @transform_3, window_bounds = array<i64: 1000, 64>}, {transform_indices = @transform_4, window_bounds = array<i64: 1000, 1>}, {transform_indices = @transform_5, window_bounds = array<i64: 1000, 256>}, {pipeline_mode = #tpu.pipeline_mode<synchronous>, transform_indices = @transform_6, window_bounds = array<i64: 1, 256>}, {pipeline_mode = #tpu.pipeline_mode<synchronous>, transform_indices = @transform_7, window_bounds = array<i64: 1, 256>}, {transform_indices = @transform_8, window_bounds = array<i64: 1000, 1>}]} {
    %get3A = arith.constant 0 : index
    %get3A_0 = arith.constant 0 : index
    %get3A_1 = vector.load %arg5[%get3A, %get3A_0] : memref<1000x1xf32, #tpu.memory_space<vmem>>, vector<1000x1xf32>
    %max3A = arith.constant 1.000000e+00 : f32
    %max3A_2 = vector.broadcast %max3A : f32 to vector<1000x1xf32>
    %max3A_3 = arith.maximumf %get3A_1, %max3A_2 : vector<1000x1xf32>
    %div3A = arith.constant 1.000000e+00 : f32
    %div3A_4 = vector.broadcast %div3A : f32 to vector<1000x1xf32>
    %div3A_5 = arith.divf %div3A_4, %max3A_3 : vector<1000x1xf32>
    %get3A_6 = arith.constant 0 : index
    %get3A_7 = arith.constant 0 : index
    %get3A_8 = vector.load %arg1[%get3A_6, %get3A_7] : memref<1000x64xf32, #tpu.memory_space<vmem>>, vector<1000x64xf32>
    %get3A_9 = arith.constant 0 : index
    %get3A_10 = arith.constant 0 : index
    %get3A_11 = vector.load %arg2[%get3A_9, %get3A_10] : memref<1000x64xf32, #tpu.memory_space<vmem>>, vector<1000x64xf32>
    %get3A_12 = arith.constant 0 : index
    %get3A_13 = arith.constant 0 : index
    %get3A_14 = vector.load %arg3[%get3A_12, %get3A_13] : memref<1000x64xf32, #tpu.memory_space<vmem>>, vector<1000x64xf32>
    %get3A_15 = arith.constant 0 : index
    %get3A_16 = arith.constant 0 : index
    %get3A_17 = vector.load %arg4[%get3A_15, %get3A_16] : memref<1000x64xf32, #tpu.memory_space<vmem>>, vector<1000x64xf32>
    %concatenate3A = tpu.concatenate %get3A_8, %get3A_11, %get3A_14, %get3A_17 in 1 : vector<1000x64xf32>, vector<1000x64xf32>, vector<1000x64xf32>, vector<1000x64xf32> -> vector<1000x256xf32>
    %mul3A = vector.broadcast %div3A_5 : vector<1000x1xf32> to vector<1000x256xf32>
    %mul3A_18 = arith.mulf %concatenate3A, %mul3A : vector<1000x256xf32>
    %get3A_19 = arith.constant 0 : index
    %get3A_20 = arith.constant 0 : index
    %get3A_21 = vector.load %arg6[%get3A_19, %get3A_20] : memref<1000x256xf32, #tpu.memory_space<vmem>>, vector<1000x256xf32>
    %add3A = arith.addf %mul3A_18, %get3A_21 : vector<1000x256xf32>
    %max3A_22 = arith.constant 0.000000e+00 : f32
    %max3A_23 = vector.broadcast %max3A_22 : f32 to vector<1000x256xf32>
    %max3A_24 = arith.maximumf %add3A, %max3A_23 : vector<1000x256xf32>
    %get3A_25 = arith.constant 0 : index
    %get3A_26 = arith.constant 0 : index
    %get3A_27 = vector.load %arg7[%get3A_25, %get3A_26] : memref<1x256xf32, #tpu.memory_space<vmem>>, vector<1x256xf32>
    %mul3A_28 = vector.broadcast %get3A_27 : vector<1x256xf32> to vector<1000x256xf32>
    %mul3A_29 = arith.mulf %max3A_24, %mul3A_28 : vector<1000x256xf32>
    %reduce_sum3A = arith.constant dense<0.000000e+00> : vector<1000xf32>
    %reduce_sum3A_30 = vector.multi_reduction <add>, %mul3A_29, %reduce_sum3A [1] : vector<1000x256xf32> to vector<1000xf32>
    %broadcast_in_dim3A = vector.shape_cast %reduce_sum3A_30 : vector<1000xf32> to vector<1000x1xf32>
    %get3A_31 = arith.constant 0 : index
    %get3A_32 = arith.constant 0 : index
    %get3A_33 = vector.load %arg8[%get3A_31, %get3A_32] : memref<1x256xf32, #tpu.memory_space<vmem>>, vector<1x1xf32>
    %get3A_34 = vector.extract %get3A_33[0, 0] : f32 from vector<1x1xf32>
    %add3A_35 = vector.broadcast %get3A_34 : f32 to vector<1000x1xf32>
    %add3A_36 = arith.addf %broadcast_in_dim3A, %add3A_35 : vector<1000x1xf32>
    %swap3A = arith.constant 0 : index
    %swap3A_37 = arith.constant 0 : index
    %swap3A_38 = vector.load %arg9[%swap3A, %swap3A_37] : memref<1000x1xf32, #tpu.memory_space<vmem>>, vector<1000x1xf32>
    tpu.vector_store %arg9[%swap3A, %swap3A_37], %add3A_36 {strides = array<i32>} : memref<1000x1xf32, #tpu.memory_space<vmem>>, vector<1000x1xf32>,
    return
  }
  func.func @transform_0(%arg0: i32) -> (i32, i32) {
    %c0_i32 = arith.constant 0 : i32
    %c0_i32_0 = arith.constant 0 : i32
    return %arg0, %c0_i32 : i32, i32
  }
  func.func @transform_1(%arg0: i32) -> (i32, i32) {
    %c0_i32 = arith.constant 0 : i32
    %c0_i32_0 = arith.constant 0 : i32
    return %arg0, %c0_i32 : i32, i32
  }
  func.func @transform_2(%arg0: i32) -> (i32, i32) {
    %c0_i32 = arith.constant 0 : i32
    %c0_i32_0 = arith.constant 0 : i32
    return %arg0, %c0_i32 : i32, i32
  }
  func.func @transform_3(%arg0: i32) -> (i32, i32) {
    %c0_i32 = arith.constant 0 : i32
    %c0_i32_0 = arith.constant 0 : i32
    return %arg0, %c0_i32 : i32, i32
  }
  func.func @transform_4(%arg0: i32) -> (i32, i32) {
    %c0_i32 = arith.constant 0 : i32
    %c0_i32_0 = arith.constant 0 : i32
    return %arg0, %c0_i32 : i32, i32
  }
  func.func @transform_5(%arg0: i32) -> (i32, i32) {
    %c0_i32 = arith.constant 0 : i32
    %c0_i32_0 = arith.constant 0 : i32
    return %arg0, %c0_i32 : i32, i32
  }
  func.func @transform_6(%arg0: i32) -> (i32, i32) {
    %c0_i32 = arith.constant 0 : i32
    %c0_i32_0 = arith.constant 0 : i32
    %c0_i32_1 = arith.constant 0 : i32
    return %c0_i32, %c0_i32_0 : i32, i32
  }
  func.func @transform_7(%arg0: i32) -> (i32, i32) {
    %c0_i32 = arith.constant 0 : i32
    %c0_i32_0 = arith.constant 0 : i32
    %c0_i32_1 = arith.constant 0 : i32
    return %c0_i32, %c0_i32_0 : i32, i32
  }
  func.func @transform_8(%arg0: i32) -> (i32, i32) {
    %c0_i32 = arith.constant 0 : i32
    %c0_i32_0 = arith.constant 0 : i32
    return %arg0, %c0_i32 : i32, i32
  }
}

</mosaic_0001>

<sc_bundles>
// kernel: kernel.10.cloned.1.call-start
scs
__scs_entry_jumppad:
0x0: {  	(pc) =	sbr.rel $0x88, $3  }
0x1: {  	(tag) =	ssettag $0x0;
	lr =	simm.s32 $0x1  }
0x2: {  	[smem:$0x3F97] =	sst lr;
	_ =	strace $0xD0000000  }
0x3: {  	_ = 	snop  }
0x4: {  	_ = 	snop  }
0x5: {  	_ = 	snop  }
0x6: {  	_ = 	snop  }
0x7: {  	_ = 	snop  }
__scs_overlays_trampoline_lowered:
0x8: {  	[smem:$0x3FA6] =	sst s0  }
0x9: {  	[smem:$0x3FA7] =	sst s1  }
0xa: {  	[smem:$0x3FA8] =	sst s2  }
0xb: {  	[smem:$0x3FA9] =	sst s3  }
0xc: {  	[smem:$0x3FAA] =	sst s4  }
0xd: {  	[smem:$0x3FAB] =	sst s5  }
0xe: {  	[smem:$0x3FAC] =	sst s6  }
0xf: {  	[smem:$0x3FAD] =	sst s7  }
0x10: {  	[smem:$0x3FAE] =	sst s8  }
0x11: {  	[smem:$0x3FAF] =	sst s9;
	s0 =	simm.s32 @!p0 $0x0  }
0x12: {  	s1 =	sld [smem:$0x3F95];
	s0 =	simm.s32 @p0 $0x1  }
0x13: {  	[smem:$0x3FB0] =	sst s0;
	s0 =	simm.s32 @!p1 $0x0  }
0x14: {  	s2 =	sld [smem:$0x3F94];
	s0 =	simm.s32 @p1 $0x1  }
0x15: {  	[smem:$0x3FB1] =	sst s0;
	s0 =	simm.s32 @!p2 $0x0  }
0x16: {  	s3 =	sld [smem:$0x3FDB];
	s0 =	simm.s32 @p2 $0x1  }
0x17: {  	s4 =	simm.s32 $0x1BF5;
	[smem:$0x3FB3] =	sst s0  }
0x18: {  	s0 =	sld [smem:$0x3F96];
	_ =	swait.ge [sflag:s4], $0x0  }
0x19: {  	s7 =	sld [smem:$0x3F97]  }
0x1a: {  	s8 =	sadd.s32 $0xFFFFE003, lr  }
0x1b: {  	s9 =	sadd.s32 $0xFFFFFEF7, lr;
	s5 =	simm.s32 $0xFFFFFFFF;
	p2 =	slt.u32 s8, $0xFFFFF086  }
0x1c: {  	p1 =	slt.u32 s9, $0xF7A;
	s5 =	simm.s32 @!p2 $0x0  }
0x1d: {  	s5 =	simm.s32 @p1 $0x1;
	p0 =	seq.s32 s7, s2  }
0x1e: {  	s7 =	smul.u32 @!p0 $0xF7A, s2;
	p2 =	seq.s32 @!p0 s5, $0x0  }
0x1f: {  	s9 =	smul.u32 $0xF7A, s1;
	s8 =	simm.s32 @!p0 $0x1BF5;
	p2 =	por !p2, p0  }
0x20: {  	[sflag:s8] =	ssyncset.s32 @!p0 $0xFFFFF086;
	s6 =	sadd.s32 @!p0 s3, s7;
	s7 =	simm.s32 @!p0 $0x108  }
0x21: {  	s3 =	sadd.s32 s3, s9;
	s6 =	sadd.s32 @!p0 $0x88, s6;
	s7 =	simm.s32 @p2 $0x1082  }
0x22: {  	[simem:s7], [sflag:s8] =	dma.local @!p0 [hbm:s6], $0xF7A  }
0x23: {  	s9 =	sor.u32 $0xD0000000, s2;
	s6 =	simm.s32 $0x108;
	_ =	swait.ge @!p0 [sflag:s8], $0x0  }
0x24: {  	s3 =	sadd.s32 $0x88, s3;
	s6 =	simm.s32 @!p1 $0x1082;
	[sflag:s4] =	ssyncset.s32 $0xFFFFF086  }
0x25: {  	[simem:s6], [sflag:s4] =	dma.local [hbm:s3], $0xF7A  }
0x26: {  	[smem:$0x3F97] =	sst s1;
	(tag) =	ssettag s2;
	_ =	strace s9  }
0x27: {  	s1 =	sld [smem:$0x3FA7]  }
0x28: {  	s2 =	sld [smem:$0x3FA8]  }
0x29: {  	s4 =	sld [smem:$0x3FAA]  }
0x2a: {  	p0 =	seq.s32 s5, $0x0;
	s5 =	sld [smem:$0x3FAB]  }
0x2b: {  	s6 =	sld [smem:$0x3FAC]  }
0x2c: {  	s7 =	sld [smem:$0x3FAD]  }
0x2d: {  	s3 =	simm.s32 $0x108;
	s8 =	sld [smem:$0x3FAE]  }
0x2e: {  	s3 =	simm.s32 @!p0 $0x1082;
	s9 =	sld [smem:$0x3FAF]  }
0x2f: {  	lr =	sadd.s32 s0, s3;
	s0 =	sld [smem:$0x3FA6]  }
0x30: {  	s3 =	sld [smem:$0x3FA9]  }
0x31: {  	[smem:$0x3FB2] =	sst s10  }
0x32: {  	s10 =	sld [smem:$0x3FB0];
	_ =	sdelay $0x3  }
0x33: {  	p0 =	seq.s32 s10, $0x1;
	s10 =	sld [smem:$0x3FB2];
	_ =	sdelay $0x3  }
0x34: {  	[smem:$0x3FB2] =	sst s10  }
0x35: {  	s10 =	sld [smem:$0x3FB1];
	_ =	sdelay $0x3  }
0x36: {  	p1 =	seq.s32 s10, $0x1;
	s10 =	sld [smem:$0x3FB2];
	_ =	sdelay $0x3  }
0x37: {  	[smem:$0x3FB2] =	sst s10  }
0x38: {  	s10 =	sld [smem:$0x3FB3]  }
0x39: {  	_ = 	snop;
	(pc) =	sbr.ind lr, $3  }
0x3a: {  	_ = 	snop  }
0x3b: {  	_ = 	snop  }
0x3c: {  	p2 =	seq.s32 s10, $0x1;
	s10 =	sld [smem:$0x3FB2]  }
0x3d: {  	_ =	shalt  }
0x3e: {  	_ =	shalt  }
0x3f: {  	_ =	shalt  }
0x40: {  	_ =	shalt  }
0x41: {  	_ =	shalt  }
0x42: {  	_ =	shalt  }
0x43: {  	_ =	shalt  }
0x44: {  	_ =	shalt  }
0x45: {  	_ =	shalt  }
0x46: {  	_ =	shalt  }
0x47: {  	_ =	shalt  }
0x48: {  	_ =	shalt  }
0x49: {  	_ =	shalt  }
0x4a: {  	_ =	shalt  }
0x4b: {  	_ =	shalt  }
0x4c: {  	_ =	shalt  }
0x4d: {  	_ =	shalt  }
0x4e: {  	_ =	shalt  }
0x4f: {  	_ =	shalt  }
0x50: {  	_ =	shalt  }
0x51: {  	_ =	shalt  }
0x52: {  	_ =	shalt  }
0x53: {  	_ =	shalt  }
0x54: {  	_ =	shalt  }
0x55: {  	_ =	shalt  }
0x56: {  	_ =	shalt  }
0x57: {  	_ =	shalt  }
0x58: {  	_ =	shalt  }
0x59: {  	_ =	shalt  }
0x5a: {  	_ =	shalt  }
0x5b: {  	_ =	shalt  }
0x5c: {  	_ =	shalt  }
0x5d: {  	_ =	shalt  }
0x5e: {  	_ =	shalt  }
0x5f: {  	_ =	shalt  }
0x60: {  	_ =	shalt  }
0x61: {  	_ =	shalt  }
0x62: {  	_ =	shalt  }
0x63: {  	_ =	shalt  }
0x64: {  	_ =	shalt  }
0x65: {  	_ =	shalt  }
0x66: {  	_ =	shalt  }
0x67: {  	_ =	shalt  }
0x68: {  	_ =	shalt  }
0x69: {  	_ =	shalt  }
0x6a: {  	_ =	shalt  }
0x6b: {  	_ =	shalt  }
0x6c: {  	_ =	shalt  }
0x6d: {  	_ =	shalt  }
0x6e: {  	_ =	shalt  }
0x6f: {  	_ =	shalt  }
0x70: {  	_ =	shalt  }
0x71: {  	_ =	shalt  }
0x72: {  	_ =	shalt  }
0x73: {  	_ =	shalt  }
0x74: {  	_ =	shalt  }
0x75: {  	_ =	shalt  }
0x76: {  	_ =	shalt  }
0x77: {  	_ =	shalt  }
0x78: {  	_ =	shalt  }
0x79: {  	_ =	shalt  }
0x7a: {  	_ =	shalt  }
0x7b: {  	_ =	shalt  }
0x7c: {  	_ =	shalt  }
0x7d: {  	_ =	shalt  }
0x7e: {  	_ =	shalt  }
0x7f: {  	_ =	shalt  }
0x80: {  	_ =	shalt  }
0x81: {  	_ =	shalt  }
0x82: {  	_ =	shalt  }
0x83: {  	_ =	shalt  }
0x84: {  	_ =	shalt  }
0x85: {  	_ =	shalt  }
0x86: {  	_ =	shalt  }
0x87: {  	_ =	shalt  }
.Lfunc_end0:
.L_simem_size_0:
called_computation.1_lowered:
.L_overlay_start_0:
0x88: {  	s2 =	sld [smem:$0x3FD9]  }
0x89: {  	s3 =	sld [smem:$0x3FFE];
	_ =	sdelay $0x1  }
0x8a: {  	s1 =	srdreg.scid  }
0x8b: {  	s0 =	sand.u32 $0x1, s1  }
0x8c: {  	s16 =	sshll.u32 s0, $0xA;
	s2 =	sadd.s32 s3, s2  }
0x8d: {  	s2 =	sadd.s32 s2, s16  }
0x8e: {  	[smem:$0x3FBE] =	sst s2  }
0x8f: {  	_ = 	snop  }
0x90: {  	(tm) =	ssettm $0x1  }
0x91: {  	s17 =	sld [smem:$0x3FFB];
	_ =	sdelay $0x3  }
0x92: {  	_ =	strace s17  }
0x93: {  	s2 =	sld [smem:$0x3FFC];
	_ =	sdelay $0x3  }
0x94: {  	_ =	strace s2  }
0x95: {  	s2 =	sld [smem:$0x3FFD];
	_ =	sdelay $0x3  }
0x96: {  	_ =	strace s2  }
0x97: {  	_ =	strace $0x8FFFFFFF  }
0x98: {  	s18 =	sld [smem:$0x3FDB];
	_ =	sdelay $0x1  }
0x99: {  	s19 =	simm.s32 $_scs_section_size  }
0x9a: {  	s4 =	simm.s32 $_size__tile_overlayer_lowered;
	s5 =	simm.s32 $_tile_overlayer_lowered  }
0x9b: {  	s22 =	simm.s32 $0x1BFF;
	s21 =	sshll.u32 s5, $0x1;
	s2 =	sadd.s32 s19, s18  }
0x9c: {  	s6 =	simm.s32 $0x0;
	s20 =	sshll.u32 s4, $0x1;
	s4 =	sadd.s32 s21, s2  }
0x9d: {  	[timem:s6], [sflag:s22] =	dma.local [hbm:s4], s20  }
0x9e: {  	_ =	swait.ge [sflag:s22], s20  }
0x9f: {  	s3 =	ssub.s32 $0x0, s20;
	[sflag:s22] =	ssyncset.done $0x0  }
0xa0: {  	[sflag:s22] =	ssyncadd.s32 s3;
	_ =	sdelay $0x1  }
0xa1: {  	s23 =	simm.s32 $0x1B8B  }
0xa2: {  	_ =	swait.ge [sflag:s23], $0x1  }
0xa3: {  	[sflag:s23] =	ssyncset.done $0x0  }
0xa4: {  	s25 =	simm.s32 $0x1B8E;
	s24 =	sld [smem:$0x3FFE];
	[sflag:s23] =	ssyncadd.s32 $0xFFFFFFFF  }
0xa5: {  	s26 =	simm.s32 $execute0_lowered;
	[smem:$0x3FD2] =	sst s25  }
0xa6: {  	s4 =	sshll.u32 s26, $0x1;
	_ =	strace $0x80000049;
	[dreg:$0x1] =	wrdreg $0xFFFFFFFF  }
0xa7: {  	s28 =	simm.s32 $_size_execute0_lowered;
	s2 =	sadd.s32 s2, s4;
	[dreg:$0x0] =	wrdreg $0x0  }
0xa8: {  	s4 =	sshll.u32 s28, $0x1;
	[dreg:$0x2] =	wrdreg s2  }
0xa9: {  	[dreg:$0x3] =	wrdreg s4  }
0xaa: {  	[dreg:$0x4] =	wrdreg $0xC0  }
0xab: {  	_ =	task [dreg:s6], $0x5FFFF  }
0xac: {  	[dreg:$0x1] =	wrdreg $0xFFFFFFFF  }
0xad: {  	[dreg:$0x0] =	wrdreg $0x60  }
0xae: {  	[dreg:$0x2] =	wrdreg s24  }
0xaf: {  	[dreg:$0x3] =	wrdreg $0x82200  }
0xb0: {  	[dreg:$0x4] =	wrdreg $0x9  }
0xb1: {  	_ =	task.clear_ibuf [dreg:s6], $0x5FFFF;
	_ =	strace $0x90000049  }
0xb2: {  	s29 =	simm.s32 $0x9;
	_ =	strace $0x8000004B  }
0xb3: {  	_ =	swait.ge [sflag:s29], $0x1  }
0xb4: {  	[sflag:s29] =	ssyncadd.s32 $0xFFFFFFFF  }
0xb5: {  	_ =	strace $0x9000004B  }
0xb6: {  	_ =	sfence  }
0xb7: {  	s30 =	sld [smem:$0x0];
	_ =	sdelay $0x2  }
0xb8: {  	s31 =	sshll.u32 s1, $0xD;
	s1 =	sshrl.u32 s1, $0x2  }
0xb9: {  	s3 =	sand.u32 $0x4000, s31;
	s1 =	sadd.s32 s1, s30  }
0xba: {  	s0 =	sor.u32 s3, s0;
	s1 =	sshll.u32 s1, $0x11  }
0xbb: {  	s0 =	sor.u32 s1, s0  }
0xbc: {  	s0 =	sadd.s32 $0x8F2B, s0  }
0xbd: {  	[sflag:s0] =	ssyncadd.remote.s32 $0x1  }
0xbe: {  	_ =	sfence.sel $0xFFFF  }
0xbf: {  	[dreg:$0x0] =	wrdreg $0xFFFFFFFF;
	(pc) =	sbr.abs _section_cstart, $3  }
0xc0: {  	[dreg:$0x1] =	wrdreg $0xFFFFFFFF  }
0xc1: {  	_ =	task.clear_ibuf [dreg:s6], $0x2FFFF;
	_ =	strace $0x9FFFFFFF  }
0xc2: {  	(tm) =	ssettm $0x7FFFFFFF  }
0xc3: {  	_ =	shalt  }
tec
execute0_lowered:
.L_overlay_start_1:
0x0: {  	(tag) =	ssettag $0x1  }
0x1: {  	s0 =	rddreg [dreg:$0x0]  }
0x2: {  	s1 =	rddreg [dreg:$0x1]  }
0x3: {  	s2 =	simm.s32 $0x0;
	s22 =	stileid.u32;
	s9 =	srdreg.scid  }
0x4: {  	s21 =	simm.s32 $0x6220;
	s28 =	simm.s32 $0x1;
	s29 =	simm.s32 $0x2  }
0x5: {  	s30 =	simm.s32 $0x26E8;
	s31 =	simm.s32 $0x4DD0;
	[smem:$0x7FF] =	sst s2  }
0x6: {  	s4 =	sadd.s32 $0x15E00, s0;
	s5 =	sadd.s32 $0x2400, s0;
	s8 =	smul.u32 $0x4E2, s22  }
0x7: {  	s6 =	sadd.s32 $0x8B200, s0;
	s7 =	sadd.s32 $0x77800, s0;
	s9 =	sand.u32 $0x1, s9  }
0x8: {  	s10 =	smul.u32 $0x28000, s22;
	s3 =	sadd.s32 $0x29800, s0;
	s23 =	sadd.s32 $0xA8E00, s0  }
0x9: {  	s24 =	sadd.s32 $0xBCE00, s0;
	_ =	strace $0x8000004A;
	[dreg:$0x3] =	wrdreg s3  }
0xa: {  	s19 =	smul.u32 $0x1400, s22;
	s22 =	simm.s32 $0x3;
	[dreg:$0x4] =	wrdreg s23  }
0xb: {  	s11 =	ssub.s32 $0x2, s9;
	[dreg:$0x5] =	wrdreg s24;
	p0 =	sne.s32 s9, $0x0  }
0xc: {  	s24 =	simm.s32 $0x28;
	s23 =	simm.s32 $0x0;
	s8 =	sadd.s32 s8, s0  }
0xd: {  	s12 =	sshrl.u32 s11, $0x1;
	s10 =	sshrl.u32 s10, $0x2;
	s0 =	sadd.s32 $0xD0E00, s0  }
.Ltmp0:
0xe: {  	[dreg:$0x6] =	wrdreg s0;
	s25 =	ssub.s32 s11, s12;
	(pc) =	sbr.rel .LBB2_1-.Ltmp0, $4  }
0xf: {  	s12 =	sadd.s32 s10, s1;
	s26 =	sadd.s32 $0xA3E00, s8;
	s18 =	sadd.s32 $0x9EE00, s8  }
0x10: {  	s0 =	simm.s32 $0x4DF8;
	s13 =	sadd.s32 $0x2000, s12;
	s14 =	sadd.s32 $0x4000, s12  }
0x11: {  	s15 =	sadd.s32 $0x6000, s12;
	s16 =	sadd.s32 $0x8000, s12;
	[dreg:$0x7] =	wrdreg s26  }
0x12: {  	v0 =	vimm.f32 $0.0e+00;
	s20 =	smax.u32 s25, $0x1;
	s25 =	simm.s32 $0x4E20;
	s26 =	simm.s32 $0x5820  }
.LBB2_16:
0x13: {  	s2 =	sadd.s32 $0x28, s10;
	[sflag:s22] =	ssyncadd.s32 $0xFFFFF600  }
0x14: {  	[tilespmem:s26], [sflag:$0x2] =	stream.indirect.gather [hbm4b:s7+s24], $0x40, s2, s24, $0xb8;
	[tilespmem:$0x12220] =	vst v63  }
0x15: {  	_ =	swait.ge [sflag:s28], $0xA00  }
0x16: {  	[sflag:s28] =	ssyncset.done $0x0  }
0x17: {  	s3 =	sadd.s32 $0x2710, s10;
	[sflag:s28] =	ssyncadd.s32 $0xFFFFF600  }
0x18: {  	[spmem:s1] =	stream.indirect.scatter.add.f32 [tilespmem:s25], [sflag:$0x3], $0x40, s3, s24, $0xb8;
	[tilespmem:$0x12220] =	vst v63  }
0x19: {  	_ =	swait.ge [sflag:s22], $0xA00  }
0x1a: {  	[sflag:s22] =	ssyncset.done $0x0  }
0x1b: {  	s11 =	sadd.s32 $0x50, s10;
	[sflag:s22] =	ssyncadd.s32 $0xFFFFF600  }
0x1c: {  	[tilespmem:s25], [sflag:$0x1] =	stream.indirect.gather [hbm4b:s7+s24], $0x40, s11, s24, $0xb8;
	[tilespmem:$0x12220] =	vst v63  }
0x1d: {  	_ =	swait.ge [sflag:s29], $0xA00  }
0x1e: {  	[sflag:s29] =	ssyncset.done $0x0  }
0x1f: {  	s17 =	sadd.s32 $0x2738, s10;
	[sflag:s29] =	ssyncadd.s32 $0xFFFFF600  }
0x20: {  	[spmem:s1] =	stream.indirect.scatter.add.f32 [tilespmem:s26], [sflag:$0x3], $0x40, s17, s24, $0xb8;
	[tilespmem:$0x12220] =	vst v63  }
0x21: {  	_ =	swait.ge [sflag:s22], $0xA00  }
0x22: {  	[sflag:s22] =	ssyncset.done $0x0  }
0x23: {  	s10 =	rddreg [dreg:$0x6];
	[sflag:s22] =	ssyncadd.s32 $0xFFFFF600  }
0x24: {  	[tilespmem:s26], [sflag:$0x2] =	stream.indirect.gather [hbm4b:s7+s24], $0x40, s30, s24, $0xb8;
	[tilespmem:$0x12220] =	vst v63  }
.LBB2_17:
0x25: {  	_ =	swait.ge [sflag:s28], $0xA00  }
0x26: {  	[sflag:s28] =	ssyncset.done $0x0  }
0x27: {  	[sflag:s28] =	ssyncadd.s32 $0xFFFFF600  }
0x28: {  	[spmem:s1] =	stream.indirect.scatter.add.f32 [tilespmem:s25], [sflag:$0x3], $0x40, s31, s24, $0xb8;
	[tilespmem:$0x12220] =	vst v63  }
0x29: {  	_ =	swait.ge [sflag:s22], $0xA00  }
0x2a: {  	[sflag:s22] =	ssyncset.done $0x0  }
0x2b: {  	[sflag:s22] =	ssyncadd.s32 $0xFFFFF600  }
0x2c: {  	_ =	swait.ge [sflag:s29], $0xA00  }
0x2d: {  	[sflag:s29] =	ssyncset.done $0x0  }
0x2e: {  	[sflag:s29] =	ssyncadd.s32 $0xFFFFF600  }
0x2f: {  	[spmem:s1] =	stream.indirect.scatter.add.f32 [tilespmem:s26], [sflag:$0x3], $0x40, s0, s24, $0xb8;
	[tilespmem:$0x12220] =	vst v63  }
0x30: {  	_ =	swait.ge [sflag:s22], $0xA00  }
0x31: {  	s23 =	sadd.s32 $0x1, s23;
	[sflag:s22] =	ssyncset.done $0x0  }
0x32: {  	p1 =	sne.s32 s23, s20;
	[sflag:s22] =	ssyncadd.s32 $0xFFFFF600  }
.Ltmp1:
0x33: {  	s2 =	sadd.s32 s10, s19;
	[bflag:$0x0] =	sbarrier.arrive $0xFFFF;
	(pc) =	sbr.rel @!p1 .LBB2_18-.Ltmp1, $4  }
0x34: {  	[hbm:s2], [sflag:s8] =	dma.local [spmem:s9], $0x1400  }
0x35: {  	_ =	swait.ge [sflag:s22], $0x1400  }
0x36: {  	[sflag:s22] =	ssyncset.done $0x0  }
0x37: {  	[sflag:s22] =	ssyncadd.s32 $0xFFFFEC00  }
.LBB2_1:
0x38: {  	s9 =	simm.s32 $0x100;
	s8 =	simm.s32 $0x0  }
.LBB2_2:
0x39: {  	p1 =	sne.s32 s9, $0x7F00;
	[tilespmem:s8+$0x6250] =	vst v0;
	s10 =	smov.u32 s9;
	s9 =	sadd.s32 $0x100, s9  }
.Ltmp2:
0x3a: {  	[tilespmem:s8+$0x6240] =	vst v0;
	(pc) =	sbr.rel @p1 .LBB2_2-.Ltmp2, $3  }
0x3b: {  	[tilespmem:s8+$0x6220] =	vst v0  }
0x3c: {  	[tilespmem:s8+$0x6230] =	vst v0;
	_ =	sdelay $0x1  }
0x3d: {  	s8 =	sshra.s32 s10, $0x2  }
0x3e: {  	[tilespmem:s8+$0x6250] =	vst v0  }
0x3f: {  	[tilespmem:s8+$0x6240] =	vst v0  }
0x40: {  	[tilespmem:s8+$0x6220] =	vst v0  }
0x41: {  	[tilespmem:s8+$0x6230] =	vst v0  }
0x42: {  	[spmem:s12] =	stream.linear.scatter [tilespmem:s21], [sflag:$0x3], $0x2000, $0x38;
	[tilespmem:$0x12220] =	vst v63  }
0x43: {  	_ =	swait.ge [sflag:s22], $0x2000  }
0x44: {  	[sflag:s22] =	ssyncset.done $0x0  }
0x45: {  	[sflag:s22] =	ssyncadd.s32 $0xFFFFE000  }
0x46: {  	[spmem:s13] =	stream.linear.scatter [tilespmem:s21], [sflag:$0x3], $0x2000, $0x38;
	[tilespmem:$0x12220] =	vst v63  }
0x47: {  	_ =	swait.ge [sflag:s22], $0x2000  }
0x48: {  	[sflag:s22] =	ssyncset.done $0x0  }
0x49: {  	[sflag:s22] =	ssyncadd.s32 $0xFFFFE000  }
0x4a: {  	[spmem:s14] =	stream.linear.scatter [tilespmem:s21], [sflag:$0x3], $0x2000, $0x38;
	[tilespmem:$0x12220] =	vst v63  }
0x4b: {  	_ =	swait.ge [sflag:s22], $0x2000  }
0x4c: {  	[sflag:s22] =	ssyncset.done $0x0  }
0x4d: {  	[sflag:s22] =	ssyncadd.s32 $0xFFFFE000  }
0x4e: {  	[spmem:s15] =	stream.linear.scatter [tilespmem:s21], [sflag:$0x3], $0x2000, $0x38;
	[tilespmem:$0x12220] =	vst v63  }
0x4f: {  	_ =	swait.ge [sflag:s22], $0x2000  }
0x50: {  	[sflag:s22] =	ssyncset.done $0x0  }
0x51: {  	[sflag:s22] =	ssyncadd.s32 $0xFFFFE000  }
0x52: {  	[spmem:s16] =	stream.linear.scatter [tilespmem:s21], [sflag:$0x3], $0x2000, $0x38;
	[tilespmem:$0x12220] =	vst v63  }
0x53: {  	_ =	swait.ge [sflag:s22], $0x2000  }
0x54: {  	[sflag:s22] =	ssyncset.done $0x0  }
0x55: {  	s2 =	simm.s32 $0x0;
	s3 =	rddreg [dreg:$0x7];
	[sflag:s22] =	ssyncadd.s32 $0xFFFFE000  }
0x56: {  	[tilespmem:s2], [sflag:$0x3] =	stream.linear.gather [hbm4b:s3+s2], $0x2710, $0x38;
	[tilespmem:$0x12220] =	vst v63  }
0x57: {  	_ =	swait.ge [sflag:s22], $0x2710  }
0x58: {  	[sflag:s22] =	ssyncset.done $0x0  }
0x59: {  	s17 =	simm.s32 $0x2710;
	[sflag:s22] =	ssyncadd.s32 $0xFFFFD8F0  }
0x5a: {  	[tilespmem:s17], [sflag:$0x3] =	stream.linear.gather [hbm4b:s18+s2], $0x2710, $0x38;
	[tilespmem:$0x12220] =	vst v63  }
.Ltmp3:
0x5b: {  	_ =	swait.ge [sflag:s22], $0x2710;
	(pc) =	sbr.rel @p0 .LBB2_7-.Ltmp3, $3  }
0x5c: {  	[sflag:s22] =	ssyncset.done $0x0  }
0x5d: {  	[sflag:s22] =	ssyncadd.s32 $0xFFFFD8F0  }
0x5e: {  	[bflag:$0x0] =	sbarrier.arrive $0xFFFF;
	_ =	sdelay $0x1  }
0x5f: {  	s8 =	simm.s32 $0x0  }
0x60: {  	[tilespmem:s25], [sflag:$0x1] =	stream.indirect.gather [hbm4b:s4+s24], $0x40, s8, s24, $0xb8;
	[tilespmem:$0x12220] =	vst v63  }
0x61: {  	s9 =	simm.s32 $0x28  }
0x62: {  	[tilespmem:s26], [sflag:$0x2] =	stream.indirect.gather [hbm4b:s4+s24], $0x40, s9, s24, $0xb8;
	[tilespmem:$0x12220] =	vst v63  }
0x63: {  	_ =	swait.ge [sflag:s28], $0xA00  }
0x64: {  	[sflag:s28] =	ssyncset.done $0x0  }
0x65: {  	s10 =	simm.s32 $0x2710;
	[sflag:s28] =	ssyncadd.s32 $0xFFFFF600  }
0x66: {  	[spmem:s1] =	stream.indirect.scatter.add.f32 [tilespmem:s25], [sflag:$0x3], $0x40, s10, s24, $0xb8;
	[tilespmem:$0x12220] =	vst v63  }
0x67: {  	_ =	swait.ge [sflag:s22], $0xA00  }
0x68: {  	[sflag:s22] =	ssyncset.done $0x0  }
0x69: {  	s11 =	simm.s32 $0x50;
	[sflag:s22] =	ssyncadd.s32 $0xFFFFF600  }
0x6a: {  	[tilespmem:s25], [sflag:$0x1] =	stream.indirect.gather [hbm4b:s4+s24], $0x40, s11, s24, $0xb8;
	[tilespmem:$0x12220] =	vst v63  }
0x6b: {  	_ =	swait.ge [sflag:s29], $0xA00  }
0x6c: {  	[sflag:s29] =	ssyncset.done $0x0  }
0x6d: {  	s17 =	simm.s32 $0x2738;
	[sflag:s29] =	ssyncadd.s32 $0xFFFFF600  }
0x6e: {  	[spmem:s1] =	stream.indirect.scatter.add.f32 [tilespmem:s26], [sflag:$0x3], $0x40, s17, s24, $0xb8;
	[tilespmem:$0x12220] =	vst v63  }
0x6f: {  	_ =	swait.ge [sflag:s22], $0xA00  }
0x70: {  	s8 =	simm.s32 $0x50;
	s9 =	simm.s32 $0x280;
	[sflag:s22] =	ssyncset.done $0x0  }
.LBB2_5:
0x71: {  	s10 =	sadd.s32 $0x28, s8  }
0x72: {  	[sflag:s22] =	ssyncadd.s32 $0xFFFFF600;
	s11 =	smov.u32 s9;
	s2 =	sadd.s32 $0x140, s9  }
0x73: {  	[tilespmem:s26], [sflag:$0x2] =	stream.indirect.gather [hbm4b:s4+s24], $0x40, s10, s24, $0xb8;
	[tilespmem:$0x12220] =	vst v63  }
0x74: {  	p1 =	sne.s32 s9, $0x99C0;
	_ =	swait.ge [sflag:s28], $0xA00  }
0x75: {  	[sflag:s28] =	ssyncset.done $0x0  }
0x76: {  	s9 =	sadd.s32 $0x2710, s8;
	[sflag:s28] =	ssyncadd.s32 $0xFFFFF600  }
0x77: {  	[spmem:s1] =	stream.indirect.scatter.add.f32 [tilespmem:s25], [sflag:$0x3], $0x40, s9, s24, $0xb8;
	[tilespmem:$0x12220] =	vst v63  }
0x78: {  	_ =	swait.ge [sflag:s22], $0xA00  }
0x79: {  	[sflag:s22] =	ssyncset.done $0x0  }
0x7a: {  	s9 =	sadd.s32 $0x50, s8;
	[sflag:s22] =	ssyncadd.s32 $0xFFFFF600  }
0x7b: {  	[tilespmem:s25], [sflag:$0x1] =	stream.indirect.gather [hbm4b:s4+s24], $0x40, s9, s24, $0xb8;
	[tilespmem:$0x12220] =	vst v63  }
0x7c: {  	_ =	swait.ge [sflag:s29], $0xA00  }
.Ltmp4:
0x7d: {  	[sflag:s29] =	ssyncset.done $0x0;
	(pc) =	sbr.rel @p1 .LBB2_5-.Ltmp4, $4  }
0x7e: {  	s8 =	sadd.s32 $0x2738, s8;
	[sflag:s29] =	ssyncadd.s32 $0xFFFFF600  }
0x7f: {  	[spmem:s1] =	stream.indirect.scatter.add.f32 [tilespmem:s26], [sflag:$0x3], $0x40, s8, s24, $0xb8;
	[tilespmem:$0x12220] =	vst v63  }
0x80: {  	_ =	swait.ge [sflag:s22], $0xA00  }
0x81: {  	s9 =	smov.u32 s2;
	s8 =	sshra.s32 s11, $0x2;
	[sflag:s22] =	ssyncset.done $0x0  }
0x82: {  	s2 =	sadd.s32 $0x28, s8;
	[sflag:s22] =	ssyncadd.s32 $0xFFFFF600  }
0x83: {  	[tilespmem:s26], [sflag:$0x2] =	stream.indirect.gather [hbm4b:s4+s24], $0x40, s2, s24, $0xb8;
	[tilespmem:$0x12220] =	vst v63  }
0x84: {  	_ =	swait.ge [sflag:s28], $0xA00  }
0x85: {  	[sflag:s28] =	ssyncset.done $0x0  }
0x86: {  	s10 =	sadd.s32 $0x2710, s8;
	[sflag:s28] =	ssyncadd.s32 $0xFFFFF600  }
0x87: {  	[spmem:s1] =	stream.indirect.scatter.add.f32 [tilespmem:s25], [sflag:$0x3], $0x40, s10, s24, $0xb8;
	[tilespmem:$0x12220] =	vst v63  }
0x88: {  	_ =	swait.ge [sflag:s22], $0xA00  }
0x89: {  	[sflag:s22] =	ssyncset.done $0x0  }
0x8a: {  	s11 =	sadd.s32 $0x50, s8;
	[sflag:s22] =	ssyncadd.s32 $0xFFFFF600  }
0x8b: {  	[tilespmem:s25], [sflag:$0x1] =	stream.indirect.gather [hbm4b:s4+s24], $0x40, s11, s24, $0xb8;
	[tilespmem:$0x12220] =	vst v63  }
0x8c: {  	_ =	swait.ge [sflag:s29], $0xA00  }
0x8d: {  	[sflag:s29] =	ssyncset.done $0x0  }
0x8e: {  	s17 =	sadd.s32 $0x2738, s8;
	[sflag:s29] =	ssyncadd.s32 $0xFFFFF600  }
0x8f: {  	[spmem:s1] =	stream.indirect.scatter.add.f32 [tilespmem:s26], [sflag:$0x3], $0x40, s17, s24, $0xb8;
	[tilespmem:$0x12220] =	vst v63  }
.Ltmp5:
0x90: {  	_ = 	snop;
	(pc) =	sbr.rel .LBB2_10-.Ltmp5, $4  }
0x91: {  	_ =	swait.ge [sflag:s22], $0xA00  }
0x92: {  	[sflag:s22] =	ssyncset.done $0x0  }
0x93: {  	s8 =	rddreg [dreg:$0x3];
	[sflag:s22] =	ssyncadd.s32 $0xFFFFF600  }
0x94: {  	[tilespmem:s26], [sflag:$0x2] =	stream.indirect.gather [hbm4b:s4+s24], $0x40, s30, s24, $0xb8;
	[tilespmem:$0x12220] =	vst v63  }
.LBB2_7:
0x95: {  	s2 =	simm.s32 $0x0  }
0x96: {  	[tilespmem:s25], [sflag:$0x1] =	stream.indirect.gather [hbm4b:s6+s24], $0x40, s2, s24, $0xb8;
	[tilespmem:$0x12220] =	vst v63  }
0x97: {  	s9 =	simm.s32 $0x28  }
0x98: {  	[tilespmem:s26], [sflag:$0x2] =	stream.indirect.gather [hbm4b:s6+s24], $0x40, s9, s24, $0xb8;
	[tilespmem:$0x12220] =	vst v63  }
0x99: {  	_ =	swait.ge [sflag:s28], $0xA00  }
0x9a: {  	[sflag:s28] =	ssyncset.done $0x0  }
0x9b: {  	s10 =	simm.s32 $0x2710;
	[sflag:s28] =	ssyncadd.s32 $0xFFFFF600  }
0x9c: {  	[spmem:s1] =	stream.indirect.scatter.add.f32 [tilespmem:s25], [sflag:$0x3], $0x40, s10, s24, $0xb8;
	[tilespmem:$0x12220] =	vst v63  }
0x9d: {  	_ =	swait.ge [sflag:s22], $0xA00  }
0x9e: {  	[sflag:s22] =	ssyncset.done $0x0  }
0x9f: {  	s11 =	simm.s32 $0x50;
	[sflag:s22] =	ssyncadd.s32 $0xFFFFF600  }
0xa0: {  	[tilespmem:s25], [sflag:$0x1] =	stream.indirect.gather [hbm4b:s6+s24], $0x40, s11, s24, $0xb8;
	[tilespmem:$0x12220] =	vst v63  }
0xa1: {  	_ =	swait.ge [sflag:s29], $0xA00  }
0xa2: {  	[sflag:s29] =	ssyncset.done $0x0  }
0xa3: {  	s17 =	simm.s32 $0x2738;
	[sflag:s29] =	ssyncadd.s32 $0xFFFFF600  }
0xa4: {  	[spmem:s1] =	stream.indirect.scatter.add.f32 [tilespmem:s26], [sflag:$0x3], $0x40, s17, s24, $0xb8;
	[tilespmem:$0x12220] =	vst v63  }
0xa5: {  	_ =	swait.ge [sflag:s22], $0xA00  }
0xa6: {  	s8 =	simm.s32 $0x50;
	s9 =	simm.s32 $0x280;
	[sflag:s22] =	ssyncset.done $0x0  }
.LBB2_8:
0xa7: {  	s2 =	sadd.s32 $0x28, s8  }
0xa8: {  	[sflag:s22] =	ssyncadd.s32 $0xFFFFF600;
	s10 =	smov.u32 s9;
	s11 =	sadd.s32 $0x140, s9  }
0xa9: {  	[tilespmem:s26], [sflag:$0x2] =	stream.indirect.gather [hbm4b:s6+s24], $0x40, s2, s24, $0xb8;
	[tilespmem:$0x12220] =	vst v63  }
0xaa: {  	p1 =	sne.s32 s9, $0x99C0;
	_ =	swait.ge [sflag:s28], $0xA00  }
0xab: {  	[sflag:s28] =	ssyncset.done $0x0  }
0xac: {  	s2 =	sadd.s32 $0x2710, s8;
	[sflag:s28] =	ssyncadd.s32 $0xFFFFF600  }
0xad: {  	[spmem:s1] =	stream.indirect.scatter.add.f32 [tilespmem:s25], [sflag:$0x3], $0x40, s2, s24, $0xb8;
	[tilespmem:$0x12220] =	vst v63  }
0xae: {  	_ =	swait.ge [sflag:s22], $0xA00  }
0xaf: {  	[sflag:s22] =	ssyncset.done $0x0  }
0xb0: {  	s2 =	sadd.s32 $0x50, s8;
	[sflag:s22] =	ssyncadd.s32 $0xFFFFF600  }
0xb1: {  	[tilespmem:s25], [sflag:$0x1] =	stream.indirect.gather [hbm4b:s6+s24], $0x40, s2, s24, $0xb8;
	[tilespmem:$0x12220] =	vst v63  }
0xb2: {  	_ =	swait.ge [sflag:s29], $0xA00  }
.Ltmp6:
0xb3: {  	[sflag:s29] =	ssyncset.done $0x0;
	(pc) =	sbr.rel @p1 .LBB2_8-.Ltmp6, $4  }
0xb4: {  	s2 =	sadd.s32 $0x2738, s8;
	[sflag:s29] =	ssyncadd.s32 $0xFFFFF600  }
0xb5: {  	[spmem:s1] =	stream.indirect.scatter.add.f32 [tilespmem:s26], [sflag:$0x3], $0x40, s2, s24, $0xb8;
	[tilespmem:$0x12220] =	vst v63  }
0xb6: {  	_ =	swait.ge [sflag:s22], $0xA00  }
0xb7: {  	s9 =	smov.u32 s11;
	s8 =	sshra.s32 s10, $0x2;
	[sflag:s22] =	ssyncset.done $0x0  }
0xb8: {  	s2 =	sadd.s32 $0x28, s8;
	[sflag:s22] =	ssyncadd.s32 $0xFFFFF600  }
0xb9: {  	[tilespmem:s26], [sflag:$0x2] =	stream.indirect.gather [hbm4b:s6+s24], $0x40, s2, s24, $0xb8;
	[tilespmem:$0x12220] =	vst v63  }
0xba: {  	_ =	swait.ge [sflag:s28], $0xA00  }
0xbb: {  	[sflag:s28] =	ssyncset.done $0x0  }
0xbc: {  	s10 =	sadd.s32 $0x2710, s8;
	[sflag:s28] =	ssyncadd.s32 $0xFFFFF600  }
0xbd: {  	[spmem:s1] =	stream.indirect.scatter.add.f32 [tilespmem:s25], [sflag:$0x3], $0x40, s10, s24, $0xb8;
	[tilespmem:$0x12220] =	vst v63  }
0xbe: {  	_ =	swait.ge [sflag:s22], $0xA00  }
0xbf: {  	[sflag:s22] =	ssyncset.done $0x0  }
0xc0: {  	s11 =	sadd.s32 $0x50, s8;
	[sflag:s22] =	ssyncadd.s32 $0xFFFFF600  }
0xc1: {  	[tilespmem:s25], [sflag:$0x1] =	stream.indirect.gather [hbm4b:s6+s24], $0x40, s11, s24, $0xb8;
	[tilespmem:$0x12220] =	vst v63  }
0xc2: {  	_ =	swait.ge [sflag:s29], $0xA00  }
0xc3: {  	[sflag:s29] =	ssyncset.done $0x0  }
0xc4: {  	s17 =	sadd.s32 $0x2738, s8;
	[sflag:s29] =	ssyncadd.s32 $0xFFFFF600  }
0xc5: {  	[spmem:s1] =	stream.indirect.scatter.add.f32 [tilespmem:s26], [sflag:$0x3], $0x40, s17, s24, $0xb8;
	[tilespmem:$0x12220] =	vst v63  }
0xc6: {  	_ =	swait.ge [sflag:s22], $0xA00  }
0xc7: {  	[sflag:s22] =	ssyncset.done $0x0  }
0xc8: {  	s8 =	rddreg [dreg:$0x5];
	[sflag:s22] =	ssyncadd.s32 $0xFFFFF600  }
0xc9: {  	[tilespmem:s26], [sflag:$0x2] =	stream.indirect.gather [hbm4b:s6+s24], $0x40, s30, s24, $0xb8;
	[tilespmem:$0x12220] =	vst v63  }
.LBB2_10:
0xca: {  	_ =	swait.ge [sflag:s28], $0xA00  }
0xcb: {  	[sflag:s28] =	ssyncset.done $0x0  }
0xcc: {  	[sflag:s28] =	ssyncadd.s32 $0xFFFFF600  }
0xcd: {  	[spmem:s1] =	stream.indirect.scatter.add.f32 [tilespmem:s25], [sflag:$0x3], $0x40, s31, s24, $0xb8;
	[tilespmem:$0x12220] =	vst v63  }
0xce: {  	_ =	swait.ge [sflag:s22], $0xA00  }
0xcf: {  	[sflag:s22] =	ssyncset.done $0x0  }
0xd0: {  	[sflag:s22] =	ssyncadd.s32 $0xFFFFF600  }
0xd1: {  	_ =	swait.ge [sflag:s29], $0xA00  }
0xd2: {  	[sflag:s29] =	ssyncset.done $0x0  }
0xd3: {  	[sflag:s29] =	ssyncadd.s32 $0xFFFFF600  }
0xd4: {  	[spmem:s1] =	stream.indirect.scatter.add.f32 [tilespmem:s26], [sflag:$0x3], $0x40, s0, s24, $0xb8;
	[tilespmem:$0x12220] =	vst v63  }
0xd5: {  	_ =	swait.ge [sflag:s22], $0xA00  }
0xd6: {  	s3 =	stileid.u32;
	[sflag:s22] =	ssyncset.done $0x0  }
0xd7: {  	s2 =	sadd.s32 s8, s19;
	s17 =	sshll.u32 s3, $0x6;
	[sflag:s22] =	ssyncadd.s32 $0xFFFFF600  }
0xd8: {  	s9 =	sshrl.u32 s12, $0x3;
	s8 =	sor.u32 $0x1C03, s17;
	[bflag:$0x0] =	sbarrier.arrive $0xFFFF  }
0xd9: {  	[hbm:s2], [sflag:s8] =	dma.local [spmem:s9], $0x1400  }
0xda: {  	_ =	swait.ge [sflag:s22], $0x1400  }
0xdb: {  	[sflag:s22] =	ssyncset.done $0x0  }
0xdc: {  	[sflag:s22] =	ssyncadd.s32 $0xFFFFEC00  }
0xdd: {  	[spmem:s12] =	stream.linear.scatter [tilespmem:s21], [sflag:$0x3], $0x2000, $0x38;
	[tilespmem:$0x12220] =	vst v63  }
0xde: {  	_ =	swait.ge [sflag:s22], $0x2000  }
0xdf: {  	[sflag:s22] =	ssyncset.done $0x0  }
0xe0: {  	[sflag:s22] =	ssyncadd.s32 $0xFFFFE000  }
0xe1: {  	[spmem:s13] =	stream.linear.scatter [tilespmem:s21], [sflag:$0x3], $0x2000, $0x38;
	[tilespmem:$0x12220] =	vst v63  }
0xe2: {  	_ =	swait.ge [sflag:s22], $0x2000  }
0xe3: {  	[sflag:s22] =	ssyncset.done $0x0  }
0xe4: {  	[sflag:s22] =	ssyncadd.s32 $0xFFFFE000  }
0xe5: {  	[spmem:s14] =	stream.linear.scatter [tilespmem:s21], [sflag:$0x3], $0x2000, $0x38;
	[tilespmem:$0x12220] =	vst v63  }
0xe6: {  	_ =	swait.ge [sflag:s22], $0x2000  }
0xe7: {  	[sflag:s22] =	ssyncset.done $0x0  }
0xe8: {  	[sflag:s22] =	ssyncadd.s32 $0xFFFFE000  }
0xe9: {  	[spmem:s15] =	stream.linear.scatter [tilespmem:s21], [sflag:$0x3], $0x2000, $0x38;
	[tilespmem:$0x12220] =	vst v63  }
0xea: {  	_ =	swait.ge [sflag:s22], $0x2000  }
0xeb: {  	[sflag:s22] =	ssyncset.done $0x0  }
0xec: {  	[sflag:s22] =	ssyncadd.s32 $0xFFFFE000  }
0xed: {  	[spmem:s16] =	stream.linear.scatter [tilespmem:s21], [sflag:$0x3], $0x2000, $0x38;
	[tilespmem:$0x12220] =	vst v63  }
.Ltmp7:
0xee: {  	_ =	swait.ge [sflag:s22], $0x2000;
	(pc) =	sbr.rel @p0 .LBB2_14-.Ltmp7, $4  }
0xef: {  	[sflag:s22] =	ssyncset.done $0x0  }
0xf0: {  	[sflag:s22] =	ssyncadd.s32 $0xFFFFE000  }
0xf1: {  	[bflag:$0x0] =	sbarrier.arrive $0xFFFF  }
0xf2: {  	s2 =	simm.s32 $0x0  }
0xf3: {  	[tilespmem:s25], [sflag:$0x1] =	stream.indirect.gather [hbm4b:s5+s24], $0x40, s2, s24, $0xb8;
	[tilespmem:$0x12220] =	vst v63  }
0xf4: {  	s3 =	simm.s32 $0x28  }
0xf5: {  	[tilespmem:s26], [sflag:$0x2] =	stream.indirect.gather [hbm4b:s5+s24], $0x40, s3, s24, $0xb8;
	[tilespmem:$0x12220] =	vst v63  }
0xf6: {  	_ =	swait.ge [sflag:s28], $0xA00  }
0xf7: {  	[sflag:s28] =	ssyncset.done $0x0  }
0xf8: {  	s10 =	simm.s32 $0x2710;
	[sflag:s28] =	ssyncadd.s32 $0xFFFFF600  }
0xf9: {  	[spmem:s1] =	stream.indirect.scatter.add.f32 [tilespmem:s25], [sflag:$0x3], $0x40, s10, s24, $0xb8;
	[tilespmem:$0x12220] =	vst v63  }
0xfa: {  	_ =	swait.ge [sflag:s22], $0xA00  }
0xfb: {  	[sflag:s22] =	ssyncset.done $0x0  }
0xfc: {  	s11 =	simm.s32 $0x50;
	[sflag:s22] =	ssyncadd.s32 $0xFFFFF600  }
0xfd: {  	[tilespmem:s25], [sflag:$0x1] =	stream.indirect.gather [hbm4b:s5+s24], $0x40, s11, s24, $0xb8;
	[tilespmem:$0x12220] =	vst v63  }
0xfe: {  	_ =	swait.ge [sflag:s29], $0xA00  }
0xff: {  	[sflag:s29] =	ssyncset.done $0x0  }
0x100: {  	s17 =	simm.s32 $0x2738;
	[sflag:s29] =	ssyncadd.s32 $0xFFFFF600  }
0x101: {  	[spmem:s1] =	stream.indirect.scatter.add.f32 [tilespmem:s26], [sflag:$0x3], $0x40, s17, s24, $0xb8;
	[tilespmem:$0x12220] =	vst v63  }
0x102: {  	_ =	swait.ge [sflag:s22], $0xA00  }
0x103: {  	s10 =	simm.s32 $0x50;
	s11 =	simm.s32 $0x280;
	[sflag:s22] =	ssyncset.done $0x0  }
.LBB2_12:
0x104: {  	s2 =	sadd.s32 $0x28, s10  }
0x105: {  	[sflag:s22] =	ssyncadd.s32 $0xFFFFF600;
	s3 =	smov.u32 s11;
	s17 =	sadd.s32 $0x140, s11  }
0x106: {  	[tilespmem:s26], [sflag:$0x2] =	stream.indirect.gather [hbm4b:s5+s24], $0x40, s2, s24, $0xb8;
	[tilespmem:$0x12220] =	vst v63  }
0x107: {  	p1 =	sne.s32 s11, $0x99C0;
	_ =	swait.ge [sflag:s28], $0xA00  }
0x108: {  	[sflag:s28] =	ssyncset.done $0x0  }
0x109: {  	s2 =	sadd.s32 $0x2710, s10;
	[sflag:s28] =	ssyncadd.s32 $0xFFFFF600  }
0x10a: {  	[spmem:s1] =	stream.indirect.scatter.add.f32 [tilespmem:s25], [sflag:$0x3], $0x40, s2, s24, $0xb8;
	[tilespmem:$0x12220] =	vst v63  }
0x10b: {  	_ =	swait.ge [sflag:s22], $0xA00  }
0x10c: {  	[sflag:s22] =	ssyncset.done $0x0  }
0x10d: {  	s2 =	sadd.s32 $0x50, s10;
	[sflag:s22] =	ssyncadd.s32 $0xFFFFF600  }
0x10e: {  	[tilespmem:s25], [sflag:$0x1] =	stream.indirect.gather [hbm4b:s5+s24], $0x40, s2, s24, $0xb8;
	[tilespmem:$0x12220] =	vst v63  }
0x10f: {  	_ =	swait.ge [sflag:s29], $0xA00  }
.Ltmp8:
0x110: {  	[sflag:s29] =	ssyncset.done $0x0;
	(pc) =	sbr.rel @p1 .LBB2_12-.Ltmp8, $4  }
0x111: {  	s2 =	sadd.s32 $0x2738, s10;
	[sflag:s29] =	ssyncadd.s32 $0xFFFFF600  }
0x112: {  	[spmem:s1] =	stream.indirect.scatter.add.f32 [tilespmem:s26], [sflag:$0x3], $0x40, s2, s24, $0xb8;
	[tilespmem:$0x12220] =	vst v63  }
0x113: {  	_ =	swait.ge [sflag:s22], $0xA00  }
0x114: {  	s11 =	smov.u32 s17;
	s10 =	sshra.s32 s3, $0x2;
	[sflag:s22] =	ssyncset.done $0x0  }
0x115: {  	s2 =	sadd.s32 $0x28, s10;
	[sflag:s22] =	ssyncadd.s32 $0xFFFFF600  }
0x116: {  	[tilespmem:s26], [sflag:$0x2] =	stream.indirect.gather [hbm4b:s5+s24], $0x40, s2, s24, $0xb8;
	[tilespmem:$0x12220] =	vst v63  }
0x117: {  	_ =	swait.ge [sflag:s28], $0xA00  }
0x118: {  	[sflag:s28] =	ssyncset.done $0x0  }
0x119: {  	s3 =	sadd.s32 $0x2710, s10;
	[sflag:s28] =	ssyncadd.s32 $0xFFFFF600  }
0x11a: {  	[spmem:s1] =	stream.indirect.scatter.add.f32 [tilespmem:s25], [sflag:$0x3], $0x40, s3, s24, $0xb8;
	[tilespmem:$0x12220] =	vst v63  }
0x11b: {  	_ =	swait.ge [sflag:s22], $0xA00  }
0x11c: {  	[sflag:s22] =	ssyncset.done $0x0  }
0x11d: {  	s11 =	sadd.s32 $0x50, s10;
	[sflag:s22] =	ssyncadd.s32 $0xFFFFF600  }
0x11e: {  	[tilespmem:s25], [sflag:$0x1] =	stream.indirect.gather [hbm4b:s5+s24], $0x40, s11, s24, $0xb8;
	[tilespmem:$0x12220] =	vst v63  }
0x11f: {  	_ =	swait.ge [sflag:s29], $0xA00  }
0x120: {  	[sflag:s29] =	ssyncset.done $0x0  }
0x121: {  	s17 =	sadd.s32 $0x2738, s10;
	[sflag:s29] =	ssyncadd.s32 $0xFFFFF600  }
0x122: {  	[spmem:s1] =	stream.indirect.scatter.add.f32 [tilespmem:s26], [sflag:$0x3], $0x40, s17, s24, $0xb8;
	[tilespmem:$0x12220] =	vst v63  }
.Ltmp9:
0x123: {  	_ = 	snop;
	(pc) =	sbr.rel .LBB2_17-.Ltmp9, $4  }
0x124: {  	_ =	swait.ge [sflag:s22], $0xA00  }
0x125: {  	[sflag:s22] =	ssyncset.done $0x0  }
0x126: {  	s10 =	rddreg [dreg:$0x4];
	[sflag:s22] =	ssyncadd.s32 $0xFFFFF600  }
0x127: {  	[tilespmem:s26], [sflag:$0x2] =	stream.indirect.gather [hbm4b:s5+s24], $0x40, s30, s24, $0xb8;
	[tilespmem:$0x12220] =	vst v63  }
.LBB2_14:
0x128: {  	[tilespmem:s25], [sflag:$0x1] =	stream.indirect.gather [hbm4b:s7+s24], $0x40, s2, s24, $0xb8;
	[tilespmem:$0x12220] =	vst v63  }
0x129: {  	s3 =	simm.s32 $0x28  }
0x12a: {  	[tilespmem:s26], [sflag:$0x2] =	stream.indirect.gather [hbm4b:s7+s24], $0x40, s3, s24, $0xb8;
	[tilespmem:$0x12220] =	vst v63  }
0x12b: {  	_ =	swait.ge [sflag:s28], $0xA00  }
0x12c: {  	[sflag:s28] =	ssyncset.done $0x0  }
0x12d: {  	s10 =	simm.s32 $0x2710;
	[sflag:s28] =	ssyncadd.s32 $0xFFFFF600  }
0x12e: {  	[spmem:s1] =	stream.indirect.scatter.add.f32 [tilespmem:s25], [sflag:$0x3], $0x40, s10, s24, $0xb8;
	[tilespmem:$0x12220] =	vst v63  }
0x12f: {  	_ =	swait.ge [sflag:s22], $0xA00  }
0x130: {  	[sflag:s22] =	ssyncset.done $0x0  }
0x131: {  	s11 =	simm.s32 $0x50;
	[sflag:s22] =	ssyncadd.s32 $0xFFFFF600  }
0x132: {  	[tilespmem:s25], [sflag:$0x1] =	stream.indirect.gather [hbm4b:s7+s24], $0x40, s11, s24, $0xb8;
	[tilespmem:$0x12220] =	vst v63  }
0x133: {  	_ =	swait.ge [sflag:s29], $0xA00  }
0x134: {  	[sflag:s29] =	ssyncset.done $0x0  }
0x135: {  	s17 =	simm.s32 $0x2738;
	[sflag:s29] =	ssyncadd.s32 $0xFFFFF600  }
0x136: {  	[spmem:s1] =	stream.indirect.scatter.add.f32 [tilespmem:s26], [sflag:$0x3], $0x40, s17, s24, $0xb8;
	[tilespmem:$0x12220] =	vst v63  }
0x137: {  	_ =	swait.ge [sflag:s22], $0xA00  }
0x138: {  	s10 =	simm.s32 $0x50;
	s11 =	simm.s32 $0x280;
	[sflag:s22] =	ssyncset.done $0x0  }
.LBB2_15:
0x139: {  	s2 =	sadd.s32 $0x28, s10  }
0x13a: {  	[sflag:s22] =	ssyncadd.s32 $0xFFFFF600;
	s3 =	smov.u32 s11;
	s17 =	sadd.s32 $0x140, s11  }
0x13b: {  	[tilespmem:s26], [sflag:$0x2] =	stream.indirect.gather [hbm4b:s7+s24], $0x40, s2, s24, $0xb8;
	[tilespmem:$0x12220] =	vst v63  }
0x13c: {  	p1 =	sne.s32 s11, $0x99C0;
	_ =	swait.ge [sflag:s28], $0xA00  }
0x13d: {  	[sflag:s28] =	ssyncset.done $0x0  }
0x13e: {  	s2 =	sadd.s32 $0x2710, s10;
	[sflag:s28] =	ssyncadd.s32 $0xFFFFF600  }
0x13f: {  	[spmem:s1] =	stream.indirect.scatter.add.f32 [tilespmem:s25], [sflag:$0x3], $0x40, s2, s24, $0xb8;
	[tilespmem:$0x12220] =	vst v63  }
0x140: {  	_ =	swait.ge [sflag:s22], $0xA00  }
0x141: {  	[sflag:s22] =	ssyncset.done $0x0  }
0x142: {  	s2 =	sadd.s32 $0x50, s10;
	[sflag:s22] =	ssyncadd.s32 $0xFFFFF600  }
0x143: {  	[tilespmem:s25], [sflag:$0x1] =	stream.indirect.gather [hbm4b:s7+s24], $0x40, s2, s24, $0xb8;
	[tilespmem:$0x12220] =	vst v63  }
0x144: {  	_ =	swait.ge [sflag:s29], $0xA00  }
.Ltmp10:
0x145: {  	[sflag:s29] =	ssyncset.done $0x0;
	(pc) =	sbr.rel @p1 .LBB2_15-.Ltmp10, $4  }
0x146: {  	s2 =	sadd.s32 $0x2738, s10;
	[sflag:s29] =	ssyncadd.s32 $0xFFFFF600  }
0x147: {  	[spmem:s1] =	stream.indirect.scatter.add.f32 [tilespmem:s26], [sflag:$0x3], $0x40, s2, s24, $0xb8;
	[tilespmem:$0x12220] =	vst v63  }
0x148: {  	_ =	swait.ge [sflag:s22], $0xA00  }
0x149: {  	s11 =	smov.u32 s17;
	s10 =	sshra.s32 s3, $0x2;
	[sflag:s22] =	ssyncset.done $0x0  }
.Ltmp11:
0x14a: {  	_ = 	snop;
	(pc) =	sbr.rel .LBB2_16-.Ltmp11, $1  }
0x14b: {  	_ =	sdelay $0x3  }
.LBB2_18:
0x14c: {  	_ =	sfence.sel $0x180000  }
0x14d: {  	[bflag:$0x0] =	sbarrier.arrive $0xFFFF  }
0x14e: {  	_ =	strace $0x9000004A  }
0x14f: {  	s0 =	stileid.u32;
	[bflag:$0x2] =	sbarrier.arrive $0xFFFF  }
0x150: {  	p0 =	sne.s32 s0, $0x0;
	s0 =	rddreg [dreg:$0x2]  }
0x151: {  	s0 =	sadd.s32 @!p0 $0x100000, s0  }
0x152: {  	[sflag:s0] =	ssyncadd.tile.s32 @!p0 $0x1;
	_ =	shalt  }
.Lfunc_end2:
_tile_overlayer_lowered:
.L_overlay_start_2:
0x153: {  	(tag) =	ssettag $0x2  }
0x154: {  	s0 =	rddreg [dreg:$0x0];
	s2 =	stileid.u32  }
0x155: {  	s1 =	rddreg [dreg:$0x1];
	p0 =	sne.s32 s2, $0x0  }
0x156: {  	s3 =	rddreg [dreg:$0x2];
	[bflag:$0x3] =	sbarrier.arrive $0xFFFF;
	s2 =	simm.s32 @!p0 $0x1C03  }
0x157: {  	[timem:s3], [sflag:s2] =	dma.local @!p0 [hbm:s0], s1  }
0x158: {  	s0 =	simm.s32 @!p0 $0x3  }
0x159: {  	_ =	swait.ge @!p0 [sflag:s0], s1  }
0x15a: {  	s1 =	ssub.s32 @!p0 $0x0, s1;
	[sflag:s0] =	ssyncset.done @!p0 $0x0  }
0x15b: {  	[sflag:s0] =	ssyncadd.s32 @!p0 s1  }
0x15c: {  	[bflag:$0x3] =	sbarrier.arrive $0xFFFF  }
0x15d: {  	_ =	shalt  }

// kernel: kernel.7.cloned.1.call-start
scs
__scs_entry_jumppad:
0x0: {  	(pc) =	sbr.rel $0x88, $3  }
0x1: {  	(tag) =	ssettag $0x0;
	lr =	simm.s32 $0x1  }
0x2: {  	[smem:$0x3F97] =	sst lr;
	_ =	strace $0xD0000000  }
0x3: {  	_ = 	snop  }
0x4: {  	_ = 	snop  }
0x5: {  	_ = 	snop  }
0x6: {  	_ = 	snop  }
0x7: {  	_ = 	snop  }
__scs_overlays_trampoline_lowered:
0x8: {  	[smem:$0x3FA6] =	sst s0  }
0x9: {  	[smem:$0x3FA7] =	sst s1  }
0xa: {  	[smem:$0x3FA8] =	sst s2  }
0xb: {  	[smem:$0x3FA9] =	sst s3  }
0xc: {  	[smem:$0x3FAA] =	sst s4  }
0xd: {  	[smem:$0x3FAB] =	sst s5  }
0xe: {  	[smem:$0x3FAC] =	sst s6  }
0xf: {  	[smem:$0x3FAD] =	sst s7  }
0x10: {  	[smem:$0x3FAE] =	sst s8  }
0x11: {  	[smem:$0x3FAF] =	sst s9;
	s0 =	simm.s32 @!p0 $0x0  }
0x12: {  	s1 =	sld [smem:$0x3F95];
	s0 =	simm.s32 @p0 $0x1  }
0x13: {  	[smem:$0x3FB0] =	sst s0;
	s0 =	simm.s32 @!p1 $0x0  }
0x14: {  	s2 =	sld [smem:$0x3F94];
	s0 =	simm.s32 @p1 $0x1  }
0x15: {  	[smem:$0x3FB1] =	sst s0;
	s0 =	simm.s32 @!p2 $0x0  }
0x16: {  	s3 =	sld [smem:$0x3FDB];
	s0 =	simm.s32 @p2 $0x1  }
0x17: {  	s4 =	simm.s32 $0x1BF5;
	[smem:$0x3FB3] =	sst s0  }
0x18: {  	s0 =	sld [smem:$0x3F96];
	_ =	swait.ge [sflag:s4], $0x0  }
0x19: {  	s7 =	sld [smem:$0x3F97]  }
0x1a: {  	s8 =	sadd.s32 $0xFFFFE003, lr  }
0x1b: {  	s9 =	sadd.s32 $0xFFFFFEF7, lr;
	s5 =	simm.s32 $0xFFFFFFFF;
	p2 =	slt.u32 s8, $0xFFFFF086  }
0x1c: {  	p1 =	slt.u32 s9, $0xF7A;
	s5 =	simm.s32 @!p2 $0x0  }
0x1d: {  	s5 =	simm.s32 @p1 $0x1;
	p0 =	seq.s32 s7, s2  }
0x1e: {  	s7 =	smul.u32 @!p0 $0xF7A, s2;
	p2 =	seq.s32 @!p0 s5, $0x0  }
0x1f: {  	s9 =	smul.u32 $0xF7A, s1;
	s8 =	simm.s32 @!p0 $0x1BF5;
	p2 =	por !p2, p0  }
0x20: {  	[sflag:s8] =	ssyncset.s32 @!p0 $0xFFFFF086;
	s6 =	sadd.s32 @!p0 s3, s7;
	s7 =	simm.s32 @!p0 $0x108  }
0x21: {  	s3 =	sadd.s32 s3, s9;
	s6 =	sadd.s32 @!p0 $0x88, s6;
	s7 =	simm.s32 @p2 $0x1082  }
0x22: {  	[simem:s7], [sflag:s8] =	dma.local @!p0 [hbm:s6], $0xF7A  }
0x23: {  	s9 =	sor.u32 $0xD0000000, s2;
	s6 =	simm.s32 $0x108;
	_ =	swait.ge @!p0 [sflag:s8], $0x0  }
0x24: {  	s3 =	sadd.s32 $0x88, s3;
	s6 =	simm.s32 @!p1 $0x1082;
	[sflag:s4] =	ssyncset.s32 $0xFFFFF086  }
0x25: {  	[simem:s6], [sflag:s4] =	dma.local [hbm:s3], $0xF7A  }
0x26: {  	[smem:$0x3F97] =	sst s1;
	(tag) =	ssettag s2;
	_ =	strace s9  }
0x27: {  	s1 =	sld [smem:$0x3FA7]  }
0x28: {  	s2 =	sld [smem:$0x3FA8]  }
0x29: {  	s4 =	sld [smem:$0x3FAA]  }
0x2a: {  	p0 =	seq.s32 s5, $0x0;
	s5 =	sld [smem:$0x3FAB]  }
0x2b: {  	s6 =	sld [smem:$0x3FAC]  }
0x2c: {  	s7 =	sld [smem:$0x3FAD]  }
0x2d: {  	s3 =	simm.s32 $0x108;
	s8 =	sld [smem:$0x3FAE]  }
0x2e: {  	s3 =	simm.s32 @!p0 $0x1082;
	s9 =	sld [smem:$0x3FAF]  }
0x2f: {  	lr =	sadd.s32 s0, s3;
	s0 =	sld [smem:$0x3FA6]  }
0x30: {  	s3 =	sld [smem:$0x3FA9]  }
0x31: {  	[smem:$0x3FB2] =	sst s10  }
0x32: {  	s10 =	sld [smem:$0x3FB0];
	_ =	sdelay $0x3  }
0x33: {  	p0 =	seq.s32 s10, $0x1;
	s10 =	sld [smem:$0x3FB2];
	_ =	sdelay $0x3  }
0x34: {  	[smem:$0x3FB2] =	sst s10  }
0x35: {  	s10 =	sld [smem:$0x3FB1];
	_ =	sdelay $0x3  }
0x36: {  	p1 =	seq.s32 s10, $0x1;
	s10 =	sld [smem:$0x3FB2];
	_ =	sdelay $0x3  }
0x37: {  	[smem:$0x3FB2] =	sst s10  }
0x38: {  	s10 =	sld [smem:$0x3FB3]  }
0x39: {  	_ = 	snop;
	(pc) =	sbr.ind lr, $3  }
0x3a: {  	_ = 	snop  }
0x3b: {  	_ = 	snop  }
0x3c: {  	p2 =	seq.s32 s10, $0x1;
	s10 =	sld [smem:$0x3FB2]  }
0x3d: {  	_ =	shalt  }
0x3e: {  	_ =	shalt  }
0x3f: {  	_ =	shalt  }
0x40: {  	_ =	shalt  }
0x41: {  	_ =	shalt  }
0x42: {  	_ =	shalt  }
0x43: {  	_ =	shalt  }
0x44: {  	_ =	shalt  }
0x45: {  	_ =	shalt  }
0x46: {  	_ =	shalt  }
0x47: {  	_ =	shalt  }
0x48: {  	_ =	shalt  }
0x49: {  	_ =	shalt  }
0x4a: {  	_ =	shalt  }
0x4b: {  	_ =	shalt  }
0x4c: {  	_ =	shalt  }
0x4d: {  	_ =	shalt  }
0x4e: {  	_ =	shalt  }
0x4f: {  	_ =	shalt  }
0x50: {  	_ =	shalt  }
0x51: {  	_ =	shalt  }
0x52: {  	_ =	shalt  }
0x53: {  	_ =	shalt  }
0x54: {  	_ =	shalt  }
0x55: {  	_ =	shalt  }
0x56: {  	_ =	shalt  }
0x57: {  	_ =	shalt  }
0x58: {  	_ =	shalt  }
0x59: {  	_ =	shalt  }
0x5a: {  	_ =	shalt  }
0x5b: {  	_ =	shalt  }
0x5c: {  	_ =	shalt  }
0x5d: {  	_ =	shalt  }
0x5e: {  	_ =	shalt  }
0x5f: {  	_ =	shalt  }
0x60: {  	_ =	shalt  }
0x61: {  	_ =	shalt  }
0x62: {  	_ =	shalt  }
0x63: {  	_ =	shalt  }
0x64: {  	_ =	shalt  }
0x65: {  	_ =	shalt  }
0x66: {  	_ =	shalt  }
0x67: {  	_ =	shalt  }
0x68: {  	_ =	shalt  }
0x69: {  	_ =	shalt  }
0x6a: {  	_ =	shalt  }
0x6b: {  	_ =	shalt  }
0x6c: {  	_ =	shalt  }
0x6d: {  	_ =	shalt  }
0x6e: {  	_ =	shalt  }
0x6f: {  	_ =	shalt  }
0x70: {  	_ =	shalt  }
0x71: {  	_ =	shalt  }
0x72: {  	_ =	shalt  }
0x73: {  	_ =	shalt  }
0x74: {  	_ =	shalt  }
0x75: {  	_ =	shalt  }
0x76: {  	_ =	shalt  }
0x77: {  	_ =	shalt  }
0x78: {  	_ =	shalt  }
0x79: {  	_ =	shalt  }
0x7a: {  	_ =	shalt  }
0x7b: {  	_ =	shalt  }
0x7c: {  	_ =	shalt  }
0x7d: {  	_ =	shalt  }
0x7e: {  	_ =	shalt  }
0x7f: {  	_ =	shalt  }
0x80: {  	_ =	shalt  }
0x81: {  	_ =	shalt  }
0x82: {  	_ =	shalt  }
0x83: {  	_ =	shalt  }
0x84: {  	_ =	shalt  }
0x85: {  	_ =	shalt  }
0x86: {  	_ =	shalt  }
0x87: {  	_ =	shalt  }
.Lfunc_end0:
.L_simem_size_0:
called_computation_lowered:
.L_overlay_start_0:
0x88: {  	s2 =	sld [smem:$0x3FD9]  }
0x89: {  	s3 =	sld [smem:$0x3FFE];
	_ =	sdelay $0x1  }
0x8a: {  	s1 =	srdreg.scid  }
0x8b: {  	s0 =	sand.u32 $0x1, s1  }
0x8c: {  	s16 =	sshll.u32 s0, $0xA;
	s2 =	sadd.s32 s3, s2  }
0x8d: {  	s2 =	sadd.s32 s2, s16  }
0x8e: {  	[smem:$0x3FBE] =	sst s2  }
0x8f: {  	_ = 	snop  }
0x90: {  	(tm) =	ssettm $0x1  }
0x91: {  	s17 =	sld [smem:$0x3FFB];
	_ =	sdelay $0x3  }
0x92: {  	_ =	strace s17  }
0x93: {  	s2 =	sld [smem:$0x3FFC];
	_ =	sdelay $0x3  }
0x94: {  	_ =	strace s2  }
0x95: {  	s2 =	sld [smem:$0x3FFD];
	_ =	sdelay $0x3  }
0x96: {  	_ =	strace s2  }
0x97: {  	_ =	strace $0x8FFFFFFF  }
0x98: {  	s18 =	sld [smem:$0x3FDB];
	_ =	sdelay $0x1  }
0x99: {  	s19 =	simm.s32 $_scs_section_size  }
0x9a: {  	s4 =	simm.s32 $_size__tile_overlayer_lowered;
	s5 =	simm.s32 $_tile_overlayer_lowered  }
0x9b: {  	s22 =	simm.s32 $0x1BFF;
	s21 =	sshll.u32 s5, $0x1;
	s2 =	sadd.s32 s19, s18  }
0x9c: {  	s6 =	simm.s32 $0x0;
	s20 =	sshll.u32 s4, $0x1;
	s4 =	sadd.s32 s21, s2  }
0x9d: {  	[timem:s6], [sflag:s22] =	dma.local [hbm:s4], s20  }
0x9e: {  	_ =	swait.ge [sflag:s22], s20  }
0x9f: {  	s3 =	ssub.s32 $0x0, s20;
	[sflag:s22] =	ssyncset.done $0x0  }
0xa0: {  	[sflag:s22] =	ssyncadd.s32 s3;
	_ =	sdelay $0x1  }
0xa1: {  	s23 =	simm.s32 $0x1B8B  }
0xa2: {  	_ =	swait.ge [sflag:s23], $0x1  }
0xa3: {  	[sflag:s23] =	ssyncset.done $0x0  }
0xa4: {  	s25 =	simm.s32 $0x1B8E;
	s24 =	sld [smem:$0x3FFE];
	[sflag:s23] =	ssyncadd.s32 $0xFFFFFFFF  }
0xa5: {  	s26 =	simm.s32 $execute0_lowered;
	[smem:$0x3FD2] =	sst s25  }
0xa6: {  	s4 =	sshll.u32 s26, $0x1;
	_ =	strace $0x80000046;
	[dreg:$0x1] =	wrdreg $0xFFFFFFFF  }
0xa7: {  	s28 =	simm.s32 $_size_execute0_lowered;
	s2 =	sadd.s32 s2, s4;
	[dreg:$0x0] =	wrdreg $0x0  }
0xa8: {  	s4 =	sshll.u32 s28, $0x1;
	[dreg:$0x2] =	wrdreg s2  }
0xa9: {  	[dreg:$0x3] =	wrdreg s4  }
0xaa: {  	[dreg:$0x4] =	wrdreg $0xC0  }
0xab: {  	_ =	task [dreg:s6], $0x5FFFF  }
0xac: {  	[dreg:$0x1] =	wrdreg $0xFFFFFFFF  }
0xad: {  	[dreg:$0x0] =	wrdreg $0x60  }
0xae: {  	[dreg:$0x2] =	wrdreg s24  }
0xaf: {  	[dreg:$0x3] =	wrdreg $0x8CA00  }
0xb0: {  	[dreg:$0x4] =	wrdreg $0x12CA00  }
0xb1: {  	[dreg:$0x5] =	wrdreg $0x9  }
0xb2: {  	_ =	task.clear_ibuf [dreg:s6], $0x6FFFF;
	_ =	strace $0x90000046  }
0xb3: {  	s29 =	simm.s32 $0x9;
	_ =	strace $0x80000048  }
0xb4: {  	_ =	swait.ge [sflag:s29], $0x1  }
0xb5: {  	[sflag:s29] =	ssyncadd.s32 $0xFFFFFFFF  }
0xb6: {  	_ =	strace $0x90000048  }
0xb7: {  	_ =	sfence  }
0xb8: {  	s30 =	sld [smem:$0x0];
	_ =	sdelay $0x2  }
0xb9: {  	s31 =	sshll.u32 s1, $0xD;
	s1 =	sshrl.u32 s1, $0x2  }
0xba: {  	s3 =	sand.u32 $0x4000, s31;
	s1 =	sadd.s32 s1, s30  }
0xbb: {  	s0 =	sor.u32 s3, s0;
	s1 =	sshll.u32 s1, $0x11  }
0xbc: {  	s0 =	sor.u32 s1, s0  }
0xbd: {  	s0 =	sadd.s32 $0x8F2B, s0  }
0xbe: {  	[sflag:s0] =	ssyncadd.remote.s32 $0x1  }
0xbf: {  	_ =	sfence.sel $0xFFFF  }
0xc0: {  	[dreg:$0x0] =	wrdreg $0xFFFFFFFF;
	(pc) =	sbr.abs _section_cstart, $3  }
0xc1: {  	[dreg:$0x1] =	wrdreg $0xFFFFFFFF  }
0xc2: {  	_ =	task.clear_ibuf [dreg:s6], $0x2FFFF;
	_ =	strace $0x9FFFFFFF  }
0xc3: {  	(tm) =	ssettm $0x7FFFFFFF  }
tec
execute0_lowered:
.L_overlay_start_1:
0x0: {  	(tag) =	ssettag $0x1  }
0x1: {  	s0 =	rddreg [dreg:$0x0]  }
0x2: {  	s1 =	rddreg [dreg:$0x1]  }
0x3: {  	s2 =	rddreg [dreg:$0x2];
	s3 =	simm.s32 $0x0;
	s9 =	srdreg.scid  }
0x4: {  	s29 =	simm.s32 $0x6220;
	s30 =	simm.s32 $0x3;
	s31 =	simm.s32 $0x1  }
0x5: {  	[smem:$0x7FF] =	sst s3;
	s5 =	sadd.s32 $0x8B400, s0;
	s3 =	stileid.u32  }
0x6: {  	s6 =	sadd.s32 $0x77A00, s0;
	s7 =	sadd.s32 $0x64000, s0;
	s4 =	smul.u32 $0x4E2, s3  }
0x7: {  	s8 =	sadd.s32 $0x50600, s0;
	s9 =	sand.u32 $0x1, s9;
	s11 =	smul.u32 $0x1400, s3  }
0x8: {  	s13 =	sadd.s32 $0xC1E00, s0;
	s16 =	sadd.s32 $0xE9E00, s0;
	s10 =	smul.u32 $0x500, s3  }
0x9: {  	_ =	strace $0x80000047;
	s15 =	smul.u32 $0x280, s3;
	[dreg:$0x5] =	wrdreg s13  }
0xa: {  	s12 =	ssub.s32 $0x2, s9;
	s14 =	smul.u32 $0x28000, s3;
	[dreg:$0x6] =	wrdreg s16  }
0xb: {  	p0 =	sne.s32 s9, $0x0;
	s18 =	sshrl.u32 s12, $0x1;
	s4 =	sadd.s32 s4, s0  }
0xc: {  	[dreg:$0x4] =	wrdreg s11;
	s11 =	sadd.s32 s11, s0;
	s0 =	sadd.s32 s10, s0  }
0xd: {  	s10 =	ssub.s32 s12, s18;
	s19 =	sshrl.u32 s14, $0x2;
	s17 =	sadd.s32 $0x80, s15  }
0xe: {  	s18 =	sadd.s32 $0x100, s15;
	s12 =	sadd.s32 s19, s1;
	s20 =	sshll.u32 s17, $0x6  }
0xf: {  	s21 =	sshll.u32 s18, $0x6;
	s19 =	sadd.s32 $0x180, s15;
	s25 =	sshll.u32 s17, $0x4  }
0x10: {  	s18 =	sshll.u32 s18, $0x4;
	s0 =	sadd.s32 $0xA8E00, s0;
	s28 =	smax.u32 s10, $0x1  }
0x11: {  	s10 =	simm.s32 $0x4E20;
	s13 =	sadd.s32 s20, s1;
	s14 =	sadd.s32 s21, s1  }
0x12: {  	s22 =	sshll.u32 s19, $0x6;
	s20 =	sadd.s32 $0x200, s15;
	s21 =	smul.u32 $0xA000, s3  }
0x13: {  	s26 =	sadd.s32 s25, s2;
	s9 =	sadd.s32 s18, s2;
	[dreg:$0xf] =	wrdreg s0  }
0x14: {  	s25 =	sadd.s32 $0xD5E00, s11;
	s0 =	simm.s32 $0x28;
	[dreg:$0x7] =	wrdreg s26  }
0x15: {  	s18 =	simm.s32 $0x0;
	s15 =	sadd.s32 s22, s1;
	[dreg:$0x8] =	wrdreg s9  }
0x16: {  	s23 =	sshll.u32 s20, $0x6;
	s22 =	sshll.u32 s20, $0x4;
	[dreg:$0xd] =	wrdreg s25  }
0x17: {  	s26 =	sadd.s32 $0xADE00, s11;
	s16 =	sadd.s32 s23, s1;
	s24 =	sshrl.u32 s21, $0x2  }
0x18: {  	s21 =	sshll.u32 s19, $0x4;
	s23 =	sadd.s32 s22, s2;
	[dreg:$0xe] =	wrdreg s26  }
.Ltmp0:
0x19: {  	s9 =	sadd.s32 s21, s2;
	[dreg:$0xa] =	wrdreg s23;
	(pc) =	sbr.rel .LBB2_1-.Ltmp0, $4  }
0x1a: {  	s17 =	sadd.s32 s24, s2;
	s24 =	sadd.s32 $0xA3E00, s4;
	[dreg:$0x9] =	wrdreg s9  }
0x1b: {  	s11 =	simm.s32 $0x5820;
	s4 =	sadd.s32 $0x9EE00, s4;
	[dreg:$0xb] =	wrdreg s24  }
0x1c: {  	s25 =	simm.s32 $0x2;
	s26 =	simm.s32 $0x26E8;
	[dreg:$0xc] =	wrdreg s4  }
0x1d: {  	v0 =	vimm.f32 $0.0e+00;
	v1 =	vimm.f32 $1.000000000e+00;
	s24 =	simm.s32 $0x8A20;
	s4 =	simm.s32 $0x4DD0;
	s9 =	simm.s32 $0x4DF8  }
.LBB2_18:
0x1e: {  	s20 =	sadd.s32 $0x28, s19;
	[sflag:s30] =	ssyncadd.s32 $0xFFFFF600  }
0x1f: {  	[tilespmem:s11], [sflag:$0x2] =	stream.indirect.gather [hbm4b:s8+s0], $0x40, s20, s0, $0xb8;
	[tilespmem:$0x154A0] =	vst v63  }
0x20: {  	_ =	swait.ge [sflag:s31], $0xA00  }
0x21: {  	[sflag:s31] =	ssyncset.done $0x0  }
0x22: {  	s21 =	sadd.s32 $0x2710, s19;
	[sflag:s31] =	ssyncadd.s32 $0xFFFFF600  }
0x23: {  	[spmem:s1] =	stream.indirect.scatter.add.f32 [tilespmem:s10], [sflag:$0x3], $0x40, s21, s0, $0xb8;
	[tilespmem:$0x154A0] =	vst v63  }
0x24: {  	_ =	swait.ge [sflag:s30], $0xA00  }
0x25: {  	[sflag:s30] =	ssyncset.done $0x0  }
0x26: {  	s22 =	sadd.s32 $0x50, s19;
	[sflag:s30] =	ssyncadd.s32 $0xFFFFF600  }
0x27: {  	[tilespmem:s10], [sflag:$0x1] =	stream.indirect.gather [hbm4b:s8+s0], $0x40, s22, s0, $0xb8;
	[tilespmem:$0x154A0] =	vst v63  }
0x28: {  	_ =	swait.ge [sflag:s25], $0xA00  }
0x29: {  	[sflag:s25] =	ssyncset.done $0x0  }
0x2a: {  	s23 =	sadd.s32 $0x2738, s19;
	[sflag:s25] =	ssyncadd.s32 $0xFFFFF600  }
0x2b: {  	[spmem:s1] =	stream.indirect.scatter.add.f32 [tilespmem:s11], [sflag:$0x3], $0x40, s23, s0, $0xb8;
	[tilespmem:$0x154A0] =	vst v63  }
0x2c: {  	_ =	swait.ge [sflag:s30], $0xA00  }
0x2d: {  	[sflag:s30] =	ssyncset.done $0x0  }
0x2e: {  	s19 =	rddreg [dreg:$0x6];
	[sflag:s30] =	ssyncadd.s32 $0xFFFFF600  }
0x2f: {  	[tilespmem:s11], [sflag:$0x2] =	stream.indirect.gather [hbm4b:s8+s0], $0x40, s26, s0, $0xb8;
	[tilespmem:$0x154A0] =	vst v63  }
.LBB2_19:
0x30: {  	_ =	swait.ge [sflag:s31], $0xA00  }
0x31: {  	[sflag:s31] =	ssyncset.done $0x0  }
0x32: {  	[sflag:s31] =	ssyncadd.s32 $0xFFFFF600  }
0x33: {  	[spmem:s1] =	stream.indirect.scatter.add.f32 [tilespmem:s10], [sflag:$0x3], $0x40, s4, s0, $0xb8;
	[tilespmem:$0x154A0] =	vst v63  }
0x34: {  	_ =	swait.ge [sflag:s30], $0xA00  }
0x35: {  	[sflag:s30] =	ssyncset.done $0x0  }
0x36: {  	[sflag:s30] =	ssyncadd.s32 $0xFFFFF600  }
0x37: {  	_ =	swait.ge [sflag:s25], $0xA00  }
0x38: {  	[sflag:s25] =	ssyncset.done $0x0  }
0x39: {  	[sflag:s25] =	ssyncadd.s32 $0xFFFFF600  }
0x3a: {  	[spmem:s1] =	stream.indirect.scatter.add.f32 [tilespmem:s11], [sflag:$0x3], $0x40, s9, s0, $0xb8;
	[tilespmem:$0x154A0] =	vst v63  }
0x3b: {  	s23 =	sshll.u32 s3, $0x6;
	s21 =	sshrl.u32 s12, $0x3;
	_ =	swait.ge [sflag:s30], $0xA00  }
0x3c: {  	s18 =	sadd.s32 $0x1, s18;
	[sflag:s30] =	ssyncset.done $0x0;
	s20 =	rddreg [dreg:$0x4]  }
0x3d: {  	p1 =	sne.s32 s18, s28;
	s19 =	sadd.s32 s19, s20;
	[sflag:s30] =	ssyncadd.s32 $0xFFFFF600  }
.Ltmp1:
0x3e: {  	s20 =	sor.u32 $0x1C03, s23;
	[bflag:$0x0] =	sbarrier.arrive $0xFFFF;
	(pc) =	sbr.rel @!p1 .LBB2_20-.Ltmp1, $4  }
0x3f: {  	[hbm:s19], [sflag:s20] =	dma.local [spmem:s21], $0x1400  }
0x40: {  	_ =	swait.ge [sflag:s30], $0x1400  }
0x41: {  	[sflag:s30] =	ssyncset.done $0x0  }
0x42: {  	[sflag:s30] =	ssyncadd.s32 $0xFFFFEC00  }
.LBB2_1:
0x43: {  	s20 =	simm.s32 $0x100;
	s19 =	simm.s32 $0x0  }
.LBB2_2:
0x44: {  	p1 =	sne.s32 s20, $0x7F00;
	[tilespmem:s19+$0x6250] =	vst v0;
	s21 =	smov.u32 s20;
	s20 =	sadd.s32 $0x100, s20  }
.Ltmp2:
0x45: {  	[tilespmem:s19+$0x6240] =	vst v0;
	(pc) =	sbr.rel @p1 .LBB2_2-.Ltmp2, $3  }
0x46: {  	[tilespmem:s19+$0x6220] =	vst v0  }
0x47: {  	[tilespmem:s19+$0x6230] =	vst v0;
	_ =	sdelay $0x1  }
0x48: {  	s19 =	sshra.s32 s21, $0x2  }
0x49: {  	[tilespmem:s19+$0x6250] =	vst v0  }
0x4a: {  	[tilespmem:s19+$0x6240] =	vst v0  }
0x4b: {  	[tilespmem:s19+$0x6220] =	vst v0  }
0x4c: {  	[tilespmem:s19+$0x6230] =	vst v0  }
0x4d: {  	[spmem:s12] =	stream.linear.scatter [tilespmem:s29], [sflag:$0x3], $0x2000, $0x38;
	[tilespmem:$0x154A0] =	vst v63  }
0x4e: {  	_ =	swait.ge [sflag:s30], $0x2000  }
0x4f: {  	[sflag:s30] =	ssyncset.done $0x0  }
0x50: {  	[sflag:s30] =	ssyncadd.s32 $0xFFFFE000  }
0x51: {  	[spmem:s13] =	stream.linear.scatter [tilespmem:s29], [sflag:$0x3], $0x2000, $0x38;
	[tilespmem:$0x154A0] =	vst v63  }
0x52: {  	_ =	swait.ge [sflag:s30], $0x2000  }
0x53: {  	[sflag:s30] =	ssyncset.done $0x0  }
0x54: {  	[sflag:s30] =	ssyncadd.s32 $0xFFFFE000  }
0x55: {  	[spmem:s14] =	stream.linear.scatter [tilespmem:s29], [sflag:$0x3], $0x2000, $0x38;
	[tilespmem:$0x154A0] =	vst v63  }
0x56: {  	_ =	swait.ge [sflag:s30], $0x2000  }
0x57: {  	[sflag:s30] =	ssyncset.done $0x0  }
0x58: {  	[sflag:s30] =	ssyncadd.s32 $0xFFFFE000  }
0x59: {  	[spmem:s15] =	stream.linear.scatter [tilespmem:s29], [sflag:$0x3], $0x2000, $0x38;
	[tilespmem:$0x154A0] =	vst v63  }
0x5a: {  	_ =	swait.ge [sflag:s30], $0x2000  }
0x5b: {  	[sflag:s30] =	ssyncset.done $0x0  }
0x5c: {  	[sflag:s30] =	ssyncadd.s32 $0xFFFFE000  }
0x5d: {  	[spmem:s16] =	stream.linear.scatter [tilespmem:s29], [sflag:$0x3], $0x2000, $0x38;
	[tilespmem:$0x154A0] =	vst v63  }
0x5e: {  	_ =	swait.ge [sflag:s30], $0x2000  }
0x5f: {  	[sflag:s30] =	ssyncset.done $0x0  }
0x60: {  	s19 =	simm.s32 $0x40;
	s20 =	simm.s32 $0x0;
	[sflag:s30] =	ssyncadd.s32 $0xFFFFE000  }
.LBB2_4:
0x61: {  	p1 =	sne.s32 s19, $0x1FC0;
	[tilespmem:s20+$0x8220] =	vst v0;
	s20 =	smov.u32 s19;
	s19 =	sadd.s32 $0x40, s19  }
.Ltmp3:
0x62: {  	(pc) =	sbr.rel @p1 .LBB2_4-.Ltmp3, $2  }
0x63: {  	_ =	sdelay $0x2  }
0x64: {  	s20 =	sshra.s32 s20, $0x2  }
0x65: {  	[tilespmem:s20+$0x8220] =	vst v0  }
0x66: {  	[tilespmem:$0x8A20] =	vst v1  }
0x67: {  	[tilespmem:$0x8A30] =	vst v1  }
0x68: {  	[tilespmem:$0x8A40] =	vst v1  }
0x69: {  	[tilespmem:$0x8A50] =	vst v1  }
0x6a: {  	[tilespmem:$0x8A60] =	vst v1  }
0x6b: {  	[tilespmem:$0x8A70] =	vst v1  }
0x6c: {  	[tilespmem:$0x8A80] =	vst v1  }
0x6d: {  	[tilespmem:$0x8A90] =	vst v1  }
0x6e: {  	[tilespmem:$0x8AA0] =	vst v1  }
0x6f: {  	[tilespmem:$0x8AB0] =	vst v1  }
0x70: {  	[tilespmem:$0x8AC0] =	vst v1  }
0x71: {  	[tilespmem:$0x8AD0] =	vst v1  }
0x72: {  	[tilespmem:$0x8AE0] =	vst v1  }
0x73: {  	[tilespmem:$0x8AF0] =	vst v1  }
0x74: {  	[tilespmem:$0x8B00] =	vst v1  }
0x75: {  	[tilespmem:$0x8B10] =	vst v1  }
0x76: {  	[tilespmem:$0x8B20] =	vst v1  }
0x77: {  	[tilespmem:$0x8B30] =	vst v1  }
0x78: {  	[tilespmem:$0x8B40] =	vst v1  }
0x79: {  	[tilespmem:$0x8B50] =	vst v1  }
0x7a: {  	[tilespmem:$0x8B60] =	vst v1  }
0x7b: {  	[tilespmem:$0x8B70] =	vst v1  }
0x7c: {  	[tilespmem:$0x8B80] =	vst v1  }
0x7d: {  	[tilespmem:$0x8B90] =	vst v1  }
0x7e: {  	[tilespmem:$0x8BA0] =	vst v1  }
0x7f: {  	[tilespmem:$0x8BB0] =	vst v1  }
0x80: {  	[tilespmem:$0x8BC0] =	vst v1  }
0x81: {  	[tilespmem:$0x8BD0] =	vst v1  }
0x82: {  	[tilespmem:$0x8BE0] =	vst v1  }
0x83: {  	[tilespmem:$0x8BF0] =	vst v1  }
0x84: {  	[tilespmem:$0x8C00] =	vst v1  }
0x85: {  	[tilespmem:$0x8C10] =	vst v1  }
0x86: {  	[tilespmem:$0x8C20] =	vst v1  }
0x87: {  	[tilespmem:$0x8C30] =	vst v1  }
0x88: {  	[tilespmem:$0x8C40] =	vst v1  }
0x89: {  	[tilespmem:$0x8C50] =	vst v1  }
0x8a: {  	[tilespmem:$0x8C60] =	vst v1  }
0x8b: {  	[tilespmem:$0x8C70] =	vst v1  }
0x8c: {  	[tilespmem:$0x8C80] =	vst v1  }
0x8d: {  	s19 =	simm.s32 @!p0 $0x8220;
	s20 =	simm.s32 @!p0 $0x3;
	[tilespmem:$0x8C90] =	vst v1  }
0x8e: {  	[spmem:s17] =	stream.linear.scatter @!p0 [tilespmem:s19], [sflag:$0x3], $0x800, $0x38;
	[tilespmem:$0x154A0] =	vst v63  }
0x8f: {  	_ =	swait.ge @!p0 [sflag:s20], $0x800  }
0x90: {  	[sflag:s20] =	ssyncset.done @!p0 $0x0  }
0x91: {  	s21 =	rddreg [dreg:$0x7];
	[sflag:s20] =	ssyncadd.s32 @!p0 $0xFFFFF800  }
0x92: {  	[spmem:s21] =	stream.linear.scatter @!p0 [tilespmem:s19], [sflag:$0x3], $0x800, $0x38;
	[tilespmem:$0x154A0] =	vst v63  }
0x93: {  	_ =	swait.ge @!p0 [sflag:s20], $0x800  }
0x94: {  	[sflag:s20] =	ssyncset.done @!p0 $0x0  }
0x95: {  	s21 =	rddreg [dreg:$0x8];
	[sflag:s20] =	ssyncadd.s32 @!p0 $0xFFFFF800  }
0x96: {  	[spmem:s21] =	stream.linear.scatter @!p0 [tilespmem:s19], [sflag:$0x3], $0x800, $0x38;
	[tilespmem:$0x154A0] =	vst v63  }
0x97: {  	_ =	swait.ge @!p0 [sflag:s20], $0x800  }
0x98: {  	[sflag:s20] =	ssyncset.done @!p0 $0x0  }
0x99: {  	s21 =	rddreg [dreg:$0x9];
	[sflag:s20] =	ssyncadd.s32 @!p0 $0xFFFFF800  }
0x9a: {  	[spmem:s21] =	stream.linear.scatter @!p0 [tilespmem:s19], [sflag:$0x3], $0x800, $0x38;
	[tilespmem:$0x154A0] =	vst v63  }
0x9b: {  	_ =	swait.ge @!p0 [sflag:s20], $0x800  }
0x9c: {  	[sflag:s20] =	ssyncset.done @!p0 $0x0  }
0x9d: {  	s21 =	rddreg [dreg:$0xa];
	[sflag:s20] =	ssyncadd.s32 @!p0 $0xFFFFF800  }
0x9e: {  	[spmem:s21] =	stream.linear.scatter @!p0 [tilespmem:s19], [sflag:$0x3], $0x800, $0x38;
	[tilespmem:$0x154A0] =	vst v63  }
0x9f: {  	_ =	swait.ge @!p0 [sflag:s20], $0x800  }
0xa0: {  	[sflag:s20] =	ssyncset.done @!p0 $0x0  }
0xa1: {  	s19 =	simm.s32 $0x0;
	s21 =	rddreg [dreg:$0xb];
	[sflag:s20] =	ssyncadd.s32 @!p0 $0xFFFFF800  }
0xa2: {  	[tilespmem:s19], [sflag:$0x3] =	stream.linear.gather [hbm4b:s21+s19], $0x2710, $0x38;
	[tilespmem:$0x154A0] =	vst v63  }
0xa3: {  	_ =	swait.ge [sflag:s30], $0x2710  }
0xa4: {  	[sflag:s30] =	ssyncset.done $0x0  }
0xa5: {  	s23 =	simm.s32 $0x2710;
	s22 =	rddreg [dreg:$0xc];
	[sflag:s30] =	ssyncadd.s32 $0xFFFFD8F0  }
0xa6: {  	[tilespmem:s23], [sflag:$0x3] =	stream.linear.gather [hbm4b:s22+s19], $0x2710, $0x38;
	[tilespmem:$0x154A0] =	vst v63  }
.Ltmp4:
0xa7: {  	_ =	swait.ge [sflag:s30], $0x2710;
	(pc) =	sbr.rel @p0 .LBB2_9-.Ltmp4, $4  }
0xa8: {  	[sflag:s30] =	ssyncset.done $0x0  }
0xa9: {  	[sflag:s30] =	ssyncadd.s32 $0xFFFFD8F0  }
0xaa: {  	[bflag:$0x0] =	sbarrier.arrive $0xFFFF  }
0xab: {  	s19 =	simm.s32 $0x0  }
0xac: {  	[tilespmem:s10], [sflag:$0x1] =	stream.indirect.gather [hbm4b:s5+s0], $0x40, s19, s0, $0xb8;
	[tilespmem:$0x154A0] =	vst v63  }
0xad: {  	s20 =	simm.s32 $0x28  }
0xae: {  	[tilespmem:s11], [sflag:$0x2] =	stream.indirect.gather [hbm4b:s5+s0], $0x40, s20, s0, $0xb8;
	[tilespmem:$0x154A0] =	vst v63  }
0xaf: {  	_ =	swait.ge [sflag:s31], $0xA00  }
0xb0: {  	[sflag:s31] =	ssyncset.done $0x0  }
0xb1: {  	s21 =	simm.s32 $0x2710;
	[sflag:s31] =	ssyncadd.s32 $0xFFFFF600  }
0xb2: {  	[spmem:s1] =	stream.indirect.scatter.add.f32 [tilespmem:s10], [sflag:$0x3], $0x40, s21, s0, $0xb8;
	[tilespmem:$0x154A0] =	vst v63  }
0xb3: {  	_ =	swait.ge [sflag:s30], $0xA00  }
0xb4: {  	[sflag:s30] =	ssyncset.done $0x0  }
0xb5: {  	[sflag:s30] =	ssyncadd.s32 $0xFFFFF600  }
0xb6: {  	[spmem:s2] =	stream.indirect.scatter.add.f32 [tilespmem:s24], [sflag:$0x3], $0x10, s21, s0, $0xb8;
	[tilespmem:$0x154A0] =	vst v63  }
0xb7: {  	_ =	swait.ge [sflag:s30], $0x280  }
0xb8: {  	[sflag:s30] =	ssyncset.done $0x0  }
0xb9: {  	s22 =	simm.s32 $0x50;
	[sflag:s30] =	ssyncadd.s32 $0xFFFFFD80  }
0xba: {  	[tilespmem:s10], [sflag:$0x1] =	stream.indirect.gather [hbm4b:s5+s0], $0x40, s22, s0, $0xb8;
	[tilespmem:$0x154A0] =	vst v63  }
0xbb: {  	_ =	swait.ge [sflag:s25], $0xA00  }
0xbc: {  	[sflag:s25] =	ssyncset.done $0x0  }
0xbd: {  	s23 =	simm.s32 $0x2738;
	[sflag:s25] =	ssyncadd.s32 $0xFFFFF600  }
0xbe: {  	[spmem:s1] =	stream.indirect.scatter.add.f32 [tilespmem:s11], [sflag:$0x3], $0x40, s23, s0, $0xb8;
	[tilespmem:$0x154A0] =	vst v63  }
0xbf: {  	_ =	swait.ge [sflag:s30], $0xA00  }
0xc0: {  	[sflag:s30] =	ssyncset.done $0x0  }
0xc1: {  	[sflag:s30] =	ssyncadd.s32 $0xFFFFF600  }
0xc2: {  	[spmem:s2] =	stream.indirect.scatter.add.f32 [tilespmem:s24], [sflag:$0x3], $0x10, s23, s0, $0xb8;
	[tilespmem:$0x154A0] =	vst v63  }
0xc3: {  	_ =	swait.ge [sflag:s30], $0x280  }
0xc4: {  	s19 =	simm.s32 $0x50;
	s20 =	simm.s32 $0x280;
	[sflag:s30] =	ssyncset.done $0x0  }
.LBB2_7:
0xc5: {  	s21 =	sadd.s32 $0x28, s19  }
0xc6: {  	[sflag:s30] =	ssyncadd.s32 $0xFFFFFD80;
	s22 =	smov.u32 s20;
	s23 =	sadd.s32 $0x140, s20  }
0xc7: {  	[tilespmem:s11], [sflag:$0x2] =	stream.indirect.gather [hbm4b:s5+s0], $0x40, s21, s0, $0xb8;
	[tilespmem:$0x154A0] =	vst v63  }
0xc8: {  	p1 =	sne.s32 s20, $0x99C0;
	_ =	swait.ge [sflag:s31], $0xA00  }
0xc9: {  	[sflag:s31] =	ssyncset.done $0x0  }
0xca: {  	s20 =	sadd.s32 $0x2710, s19;
	[sflag:s31] =	ssyncadd.s32 $0xFFFFF600  }
0xcb: {  	[spmem:s1] =	stream.indirect.scatter.add.f32 [tilespmem:s10], [sflag:$0x3], $0x40, s20, s0, $0xb8;
	[tilespmem:$0x154A0] =	vst v63  }
0xcc: {  	_ =	swait.ge [sflag:s30], $0xA00  }
0xcd: {  	[sflag:s30] =	ssyncset.done $0x0  }
0xce: {  	[sflag:s30] =	ssyncadd.s32 $0xFFFFF600  }
0xcf: {  	[spmem:s2] =	stream.indirect.scatter.add.f32 [tilespmem:s24], [sflag:$0x3], $0x10, s20, s0, $0xb8;
	[tilespmem:$0x154A0] =	vst v63  }
0xd0: {  	_ =	swait.ge [sflag:s30], $0x280  }
0xd1: {  	[sflag:s30] =	ssyncset.done $0x0  }
0xd2: {  	s20 =	sadd.s32 $0x50, s19;
	[sflag:s30] =	ssyncadd.s32 $0xFFFFFD80  }
0xd3: {  	[tilespmem:s10], [sflag:$0x1] =	stream.indirect.gather [hbm4b:s5+s0], $0x40, s20, s0, $0xb8;
	[tilespmem:$0x154A0] =	vst v63  }
0xd4: {  	_ =	swait.ge [sflag:s25], $0xA00  }
0xd5: {  	[sflag:s25] =	ssyncset.done $0x0  }
0xd6: {  	s19 =	sadd.s32 $0x2738, s19;
	[sflag:s25] =	ssyncadd.s32 $0xFFFFF600  }
0xd7: {  	[spmem:s1] =	stream.indirect.scatter.add.f32 [tilespmem:s11], [sflag:$0x3], $0x40, s19, s0, $0xb8;
	[tilespmem:$0x154A0] =	vst v63  }
0xd8: {  	_ =	swait.ge [sflag:s30], $0xA00  }
.Ltmp5:
0xd9: {  	[sflag:s30] =	ssyncset.done $0x0;
	(pc) =	sbr.rel @p1 .LBB2_7-.Ltmp5, $4  }
0xda: {  	[sflag:s30] =	ssyncadd.s32 $0xFFFFF600  }
0xdb: {  	[spmem:s2] =	stream.indirect.scatter.add.f32 [tilespmem:s24], [sflag:$0x3], $0x10, s19, s0, $0xb8;
	[tilespmem:$0x154A0] =	vst v63  }
0xdc: {  	_ =	swait.ge [sflag:s30], $0x280  }
0xdd: {  	s20 =	smov.u32 s23;
	s19 =	sshra.s32 s22, $0x2;
	[sflag:s30] =	ssyncset.done $0x0  }
0xde: {  	s20 =	sadd.s32 $0x28, s19;
	[sflag:s30] =	ssyncadd.s32 $0xFFFFFD80  }
0xdf: {  	[tilespmem:s11], [sflag:$0x2] =	stream.indirect.gather [hbm4b:s5+s0], $0x40, s20, s0, $0xb8;
	[tilespmem:$0x154A0] =	vst v63  }
0xe0: {  	_ =	swait.ge [sflag:s31], $0xA00  }
0xe1: {  	[sflag:s31] =	ssyncset.done $0x0  }
0xe2: {  	s22 =	sadd.s32 $0x2710, s19;
	[sflag:s31] =	ssyncadd.s32 $0xFFFFF600  }
0xe3: {  	[spmem:s1] =	stream.indirect.scatter.add.f32 [tilespmem:s10], [sflag:$0x3], $0x40, s22, s0, $0xb8;
	[tilespmem:$0x154A0] =	vst v63  }
0xe4: {  	_ =	swait.ge [sflag:s30], $0xA00  }
0xe5: {  	[sflag:s30] =	ssyncset.done $0x0  }
0xe6: {  	[sflag:s30] =	ssyncadd.s32 $0xFFFFF600  }
0xe7: {  	[spmem:s2] =	stream.indirect.scatter.add.f32 [tilespmem:s24], [sflag:$0x3], $0x10, s22, s0, $0xb8;
	[tilespmem:$0x154A0] =	vst v63  }
0xe8: {  	_ =	swait.ge [sflag:s30], $0x280  }
0xe9: {  	[sflag:s30] =	ssyncset.done $0x0  }
0xea: {  	s23 =	sadd.s32 $0x50, s19;
	[sflag:s30] =	ssyncadd.s32 $0xFFFFFD80  }
0xeb: {  	[tilespmem:s10], [sflag:$0x1] =	stream.indirect.gather [hbm4b:s5+s0], $0x40, s23, s0, $0xb8;
	[tilespmem:$0x154A0] =	vst v63  }
0xec: {  	_ =	swait.ge [sflag:s25], $0xA00  }
0xed: {  	[sflag:s25] =	ssyncset.done $0x0  }
0xee: {  	s21 =	sadd.s32 $0x2738, s19;
	[sflag:s25] =	ssyncadd.s32 $0xFFFFF600  }
0xef: {  	[spmem:s1] =	stream.indirect.scatter.add.f32 [tilespmem:s11], [sflag:$0x3], $0x40, s21, s0, $0xb8;
	[tilespmem:$0x154A0] =	vst v63  }
0xf0: {  	_ =	swait.ge [sflag:s30], $0xA00  }
0xf1: {  	[sflag:s30] =	ssyncset.done $0x0  }
0xf2: {  	[sflag:s30] =	ssyncadd.s32 $0xFFFFF600  }
0xf3: {  	[spmem:s2] =	stream.indirect.scatter.add.f32 [tilespmem:s24], [sflag:$0x3], $0x10, s21, s0, $0xb8;
	[tilespmem:$0x154A0] =	vst v63  }
0xf4: {  	_ =	swait.ge [sflag:s30], $0x280  }
0xf5: {  	[sflag:s30] =	ssyncset.done $0x0  }
0xf6: {  	[sflag:s30] =	ssyncadd.s32 $0xFFFFFD80  }
0xf7: {  	[tilespmem:s11], [sflag:$0x2] =	stream.indirect.gather [hbm4b:s5+s0], $0x40, s26, s0, $0xb8;
	[tilespmem:$0x154A0] =	vst v63  }
0xf8: {  	_ =	swait.ge [sflag:s31], $0xA00  }
0xf9: {  	[sflag:s31] =	ssyncset.done $0x0  }
0xfa: {  	[sflag:s31] =	ssyncadd.s32 $0xFFFFF600  }
0xfb: {  	[spmem:s1] =	stream.indirect.scatter.add.f32 [tilespmem:s10], [sflag:$0x3], $0x40, s4, s0, $0xb8;
	[tilespmem:$0x154A0] =	vst v63  }
0xfc: {  	_ =	swait.ge [sflag:s30], $0xA00  }
0xfd: {  	[sflag:s30] =	ssyncset.done $0x0  }
0xfe: {  	[sflag:s30] =	ssyncadd.s32 $0xFFFFF600  }
0xff: {  	[spmem:s2] =	stream.indirect.scatter.add.f32 [tilespmem:s24], [sflag:$0x3], $0x10, s4, s0, $0xb8;
	[tilespmem:$0x154A0] =	vst v63  }
0x100: {  	_ =	swait.ge [sflag:s30], $0x280  }
0x101: {  	[sflag:s30] =	ssyncset.done $0x0  }
0x102: {  	[sflag:s30] =	ssyncadd.s32 $0xFFFFFD80  }
0x103: {  	_ =	swait.ge [sflag:s25], $0xA00  }
0x104: {  	[sflag:s25] =	ssyncset.done $0x0  }
0x105: {  	[sflag:s25] =	ssyncadd.s32 $0xFFFFF600  }
0x106: {  	[spmem:s1] =	stream.indirect.scatter.add.f32 [tilespmem:s11], [sflag:$0x3], $0x40, s9, s0, $0xb8;
	[tilespmem:$0x154A0] =	vst v63  }
0x107: {  	_ =	swait.ge [sflag:s30], $0xA00  }
0x108: {  	[sflag:s30] =	ssyncset.done $0x0  }
0x109: {  	[sflag:s30] =	ssyncadd.s32 $0xFFFFF600  }
0x10a: {  	[spmem:s2] =	stream.indirect.scatter.add.f32 [tilespmem:s24], [sflag:$0x3], $0x10, s9, s0, $0xb8;
	[tilespmem:$0x154A0] =	vst v63  }
0x10b: {  	_ =	swait.ge [sflag:s30], $0x280  }
0x10c: {  	[sflag:s30] =	ssyncset.done $0x0  }
0x10d: {  	[sflag:s30] =	ssyncadd.s32 $0xFFFFFD80  }
0x10e: {  	s22 =	sshll.u32 s3, $0x6;
	[bflag:$0x0] =	sbarrier.arrive $0xFFFF  }
0x10f: {  	s19 =	sor.u32 $0x1C03, s22;
	s23 =	sshrl.u32 s12, $0x3;
	s21 =	rddreg [dreg:$0xe]  }
0x110: {  	[hbm:s21], [sflag:s19] =	dma.local [spmem:s23], $0x1400  }
0x111: {  	_ =	swait.ge [sflag:s30], $0x1400  }
0x112: {  	s22 =	sshrl.u32 s17, $0x3;
	[sflag:s30] =	ssyncset.done $0x0  }
.Ltmp6:
0x113: {  	s23 =	rddreg [dreg:$0xf];
	[sflag:s30] =	ssyncadd.s32 $0xFFFFEC00;
	(pc) =	sbr.rel .LBB2_12-.Ltmp6, $4  }
0x114: {  	[hbm:s23], [sflag:s19] =	dma.local [spmem:s22], $0x500  }
0x115: {  	_ =	swait.ge [sflag:s30], $0x500  }
0x116: {  	[sflag:s30] =	ssyncset.done $0x0  }
0x117: {  	[sflag:s30] =	ssyncadd.s32 $0xFFFFFB00  }
.LBB2_9:
0x118: {  	[tilespmem:s10], [sflag:$0x1] =	stream.indirect.gather [hbm4b:s7+s0], $0x40, s19, s0, $0xb8;
	[tilespmem:$0x154A0] =	vst v63  }
0x119: {  	s20 =	simm.s32 $0x28  }
0x11a: {  	[tilespmem:s11], [sflag:$0x2] =	stream.indirect.gather [hbm4b:s7+s0], $0x40, s20, s0, $0xb8;
	[tilespmem:$0x154A0] =	vst v63  }
0x11b: {  	_ =	swait.ge [sflag:s31], $0xA00  }
0x11c: {  	[sflag:s31] =	ssyncset.done $0x0  }
0x11d: {  	s21 =	simm.s32 $0x2710;
	[sflag:s31] =	ssyncadd.s32 $0xFFFFF600  }
0x11e: {  	[spmem:s1] =	stream.indirect.scatter.add.f32 [tilespmem:s10], [sflag:$0x3], $0x40, s21, s0, $0xb8;
	[tilespmem:$0x154A0] =	vst v63  }
0x11f: {  	_ =	swait.ge [sflag:s30], $0xA00  }
0x120: {  	[sflag:s30] =	ssyncset.done $0x0  }
0x121: {  	s22 =	simm.s32 $0x50;
	[sflag:s30] =	ssyncadd.s32 $0xFFFFF600  }
0x122: {  	[tilespmem:s10], [sflag:$0x1] =	stream.indirect.gather [hbm4b:s7+s0], $0x40, s22, s0, $0xb8;
	[tilespmem:$0x154A0] =	vst v63  }
0x123: {  	_ =	swait.ge [sflag:s25], $0xA00  }
0x124: {  	[sflag:s25] =	ssyncset.done $0x0  }
0x125: {  	s23 =	simm.s32 $0x2738;
	[sflag:s25] =	ssyncadd.s32 $0xFFFFF600  }
0x126: {  	[spmem:s1] =	stream.indirect.scatter.add.f32 [tilespmem:s11], [sflag:$0x3], $0x40, s23, s0, $0xb8;
	[tilespmem:$0x154A0] =	vst v63  }
0x127: {  	_ =	swait.ge [sflag:s30], $0xA00  }
0x128: {  	s19 =	simm.s32 $0x50;
	s20 =	simm.s32 $0x280;
	[sflag:s30] =	ssyncset.done $0x0  }
.LBB2_10:
0x129: {  	s21 =	sadd.s32 $0x28, s19  }
0x12a: {  	[sflag:s30] =	ssyncadd.s32 $0xFFFFF600;
	s22 =	smov.u32 s20;
	s23 =	sadd.s32 $0x140, s20  }
0x12b: {  	[tilespmem:s11], [sflag:$0x2] =	stream.indirect.gather [hbm4b:s7+s0], $0x40, s21, s0, $0xb8;
	[tilespmem:$0x154A0] =	vst v63  }
0x12c: {  	p1 =	sne.s32 s20, $0x99C0;
	_ =	swait.ge [sflag:s31], $0xA00  }
0x12d: {  	[sflag:s31] =	ssyncset.done $0x0  }
0x12e: {  	s20 =	sadd.s32 $0x2710, s19;
	[sflag:s31] =	ssyncadd.s32 $0xFFFFF600  }
0x12f: {  	[spmem:s1] =	stream.indirect.scatter.add.f32 [tilespmem:s10], [sflag:$0x3], $0x40, s20, s0, $0xb8;
	[tilespmem:$0x154A0] =	vst v63  }
0x130: {  	_ =	swait.ge [sflag:s30], $0xA00  }
0x131: {  	[sflag:s30] =	ssyncset.done $0x0  }
0x132: {  	s20 =	sadd.s32 $0x50, s19;
	[sflag:s30] =	ssyncadd.s32 $0xFFFFF600  }
0x133: {  	[tilespmem:s10], [sflag:$0x1] =	stream.indirect.gather [hbm4b:s7+s0], $0x40, s20, s0, $0xb8;
	[tilespmem:$0x154A0] =	vst v63  }
0x134: {  	_ =	swait.ge [sflag:s25], $0xA00  }
.Ltmp7:
0x135: {  	[sflag:s25] =	ssyncset.done $0x0;
	(pc) =	sbr.rel @p1 .LBB2_10-.Ltmp7, $4  }
0x136: {  	s19 =	sadd.s32 $0x2738, s19;
	[sflag:s25] =	ssyncadd.s32 $0xFFFFF600  }
0x137: {  	[spmem:s1] =	stream.indirect.scatter.add.f32 [tilespmem:s11], [sflag:$0x3], $0x40, s19, s0, $0xb8;
	[tilespmem:$0x154A0] =	vst v63  }
0x138: {  	_ =	swait.ge [sflag:s30], $0xA00  }
0x139: {  	s20 =	smov.u32 s23;
	s19 =	sshra.s32 s22, $0x2;
	[sflag:s30] =	ssyncset.done $0x0  }
0x13a: {  	s20 =	sadd.s32 $0x28, s19;
	[sflag:s30] =	ssyncadd.s32 $0xFFFFF600  }
0x13b: {  	[tilespmem:s11], [sflag:$0x2] =	stream.indirect.gather [hbm4b:s7+s0], $0x40, s20, s0, $0xb8;
	[tilespmem:$0x154A0] =	vst v63  }
0x13c: {  	_ =	swait.ge [sflag:s31], $0xA00  }
0x13d: {  	[sflag:s31] =	ssyncset.done $0x0  }
0x13e: {  	s22 =	sadd.s32 $0x2710, s19;
	[sflag:s31] =	ssyncadd.s32 $0xFFFFF600  }
0x13f: {  	[spmem:s1] =	stream.indirect.scatter.add.f32 [tilespmem:s10], [sflag:$0x3], $0x40, s22, s0, $0xb8;
	[tilespmem:$0x154A0] =	vst v63  }
0x140: {  	_ =	swait.ge [sflag:s30], $0xA00  }
0x141: {  	[sflag:s30] =	ssyncset.done $0x0  }
0x142: {  	s23 =	sadd.s32 $0x50, s19;
	[sflag:s30] =	ssyncadd.s32 $0xFFFFF600  }
0x143: {  	[tilespmem:s10], [sflag:$0x1] =	stream.indirect.gather [hbm4b:s7+s0], $0x40, s23, s0, $0xb8;
	[tilespmem:$0x154A0] =	vst v63  }
0x144: {  	_ =	swait.ge [sflag:s25], $0xA00  }
0x145: {  	[sflag:s25] =	ssyncset.done $0x0  }
0x146: {  	s21 =	sadd.s32 $0x2738, s19;
	[sflag:s25] =	ssyncadd.s32 $0xFFFFF600  }
0x147: {  	[spmem:s1] =	stream.indirect.scatter.add.f32 [tilespmem:s11], [sflag:$0x3], $0x40, s21, s0, $0xb8;
	[tilespmem:$0x154A0] =	vst v63  }
0x148: {  	_ =	swait.ge [sflag:s30], $0xA00  }
0x149: {  	[sflag:s30] =	ssyncset.done $0x0  }
0x14a: {  	[sflag:s30] =	ssyncadd.s32 $0xFFFFF600  }
0x14b: {  	[tilespmem:s11], [sflag:$0x2] =	stream.indirect.gather [hbm4b:s7+s0], $0x40, s26, s0, $0xb8;
	[tilespmem:$0x154A0] =	vst v63  }
0x14c: {  	_ =	swait.ge [sflag:s31], $0xA00  }
0x14d: {  	[sflag:s31] =	ssyncset.done $0x0  }
0x14e: {  	[sflag:s31] =	ssyncadd.s32 $0xFFFFF600  }
0x14f: {  	[spmem:s1] =	stream.indirect.scatter.add.f32 [tilespmem:s10], [sflag:$0x3], $0x40, s4, s0, $0xb8;
	[tilespmem:$0x154A0] =	vst v63  }
0x150: {  	_ =	swait.ge [sflag:s30], $0xA00  }
0x151: {  	[sflag:s30] =	ssyncset.done $0x0  }
0x152: {  	[sflag:s30] =	ssyncadd.s32 $0xFFFFF600  }
0x153: {  	_ =	swait.ge [sflag:s25], $0xA00  }
0x154: {  	[sflag:s25] =	ssyncset.done $0x0  }
0x155: {  	[sflag:s25] =	ssyncadd.s32 $0xFFFFF600  }
0x156: {  	[spmem:s1] =	stream.indirect.scatter.add.f32 [tilespmem:s11], [sflag:$0x3], $0x40, s9, s0, $0xb8;
	[tilespmem:$0x154A0] =	vst v63  }
0x157: {  	_ =	swait.ge [sflag:s30], $0xA00  }
0x158: {  	[sflag:s30] =	ssyncset.done $0x0  }
0x159: {  	[sflag:s30] =	ssyncadd.s32 $0xFFFFF600  }
0x15a: {  	s22 =	sshll.u32 s3, $0x6;
	[bflag:$0x0] =	sbarrier.arrive $0xFFFF  }
0x15b: {  	s19 =	sor.u32 $0x1C03, s22;
	s23 =	sshrl.u32 s12, $0x3;
	s21 =	rddreg [dreg:$0xd]  }
0x15c: {  	[hbm:s21], [sflag:s19] =	dma.local [spmem:s23], $0x1400  }
0x15d: {  	_ =	swait.ge [sflag:s30], $0x1400  }
0x15e: {  	[sflag:s30] =	ssyncset.done $0x0  }
0x15f: {  	[sflag:s30] =	ssyncadd.s32 $0xFFFFEC00  }
.LBB2_12:
0x160: {  	[spmem:s12] =	stream.linear.scatter [tilespmem:s29], [sflag:$0x3], $0x2000, $0x38;
	[tilespmem:$0x154A0] =	vst v63  }
0x161: {  	_ =	swait.ge [sflag:s30], $0x2000  }
0x162: {  	[sflag:s30] =	ssyncset.done $0x0  }
0x163: {  	[sflag:s30] =	ssyncadd.s32 $0xFFFFE000  }
0x164: {  	[spmem:s13] =	stream.linear.scatter [tilespmem:s29], [sflag:$0x3], $0x2000, $0x38;
	[tilespmem:$0x154A0] =	vst v63  }
0x165: {  	_ =	swait.ge [sflag:s30], $0x2000  }
0x166: {  	[sflag:s30] =	ssyncset.done $0x0  }
0x167: {  	[sflag:s30] =	ssyncadd.s32 $0xFFFFE000  }
0x168: {  	[spmem:s14] =	stream.linear.scatter [tilespmem:s29], [sflag:$0x3], $0x2000, $0x38;
	[tilespmem:$0x154A0] =	vst v63  }
0x169: {  	_ =	swait.ge [sflag:s30], $0x2000  }
0x16a: {  	[sflag:s30] =	ssyncset.done $0x0  }
0x16b: {  	[sflag:s30] =	ssyncadd.s32 $0xFFFFE000  }
0x16c: {  	[spmem:s15] =	stream.linear.scatter [tilespmem:s29], [sflag:$0x3], $0x2000, $0x38;
	[tilespmem:$0x154A0] =	vst v63  }
0x16d: {  	_ =	swait.ge [sflag:s30], $0x2000  }
0x16e: {  	[sflag:s30] =	ssyncset.done $0x0  }
0x16f: {  	[sflag:s30] =	ssyncadd.s32 $0xFFFFE000  }
0x170: {  	[spmem:s16] =	stream.linear.scatter [tilespmem:s29], [sflag:$0x3], $0x2000, $0x38;
	[tilespmem:$0x154A0] =	vst v63  }
.Ltmp8:
0x171: {  	_ =	swait.ge [sflag:s30], $0x2000;
	(pc) =	sbr.rel @p0 .LBB2_16-.Ltmp8, $4  }
0x172: {  	[sflag:s30] =	ssyncset.done $0x0  }
0x173: {  	[sflag:s30] =	ssyncadd.s32 $0xFFFFE000  }
0x174: {  	[bflag:$0x0] =	sbarrier.arrive $0xFFFF  }
0x175: {  	s19 =	simm.s32 $0x0  }
0x176: {  	[tilespmem:s10], [sflag:$0x1] =	stream.indirect.gather [hbm4b:s6+s0], $0x40, s19, s0, $0xb8;
	[tilespmem:$0x154A0] =	vst v63  }
0x177: {  	s20 =	simm.s32 $0x28  }
0x178: {  	[tilespmem:s11], [sflag:$0x2] =	stream.indirect.gather [hbm4b:s6+s0], $0x40, s20, s0, $0xb8;
	[tilespmem:$0x154A0] =	vst v63  }
0x179: {  	_ =	swait.ge [sflag:s31], $0xA00  }
0x17a: {  	[sflag:s31] =	ssyncset.done $0x0  }
0x17b: {  	s21 =	simm.s32 $0x2710;
	[sflag:s31] =	ssyncadd.s32 $0xFFFFF600  }
0x17c: {  	[spmem:s1] =	stream.indirect.scatter.add.f32 [tilespmem:s10], [sflag:$0x3], $0x40, s21, s0, $0xb8;
	[tilespmem:$0x154A0] =	vst v63  }
0x17d: {  	_ =	swait.ge [sflag:s30], $0xA00  }
0x17e: {  	[sflag:s30] =	ssyncset.done $0x0  }
0x17f: {  	s22 =	simm.s32 $0x50;
	[sflag:s30] =	ssyncadd.s32 $0xFFFFF600  }
0x180: {  	[tilespmem:s10], [sflag:$0x1] =	stream.indirect.gather [hbm4b:s6+s0], $0x40, s22, s0, $0xb8;
	[tilespmem:$0x154A0] =	vst v63  }
0x181: {  	_ =	swait.ge [sflag:s25], $0xA00  }
0x182: {  	[sflag:s25] =	ssyncset.done $0x0  }
0x183: {  	s23 =	simm.s32 $0x2738;
	[sflag:s25] =	ssyncadd.s32 $0xFFFFF600  }
0x184: {  	[spmem:s1] =	stream.indirect.scatter.add.f32 [tilespmem:s11], [sflag:$0x3], $0x40, s23, s0, $0xb8;
	[tilespmem:$0x154A0] =	vst v63  }
0x185: {  	_ =	swait.ge [sflag:s30], $0xA00  }
0x186: {  	s19 =	simm.s32 $0x50;
	s20 =	simm.s32 $0x280;
	[sflag:s30] =	ssyncset.done $0x0  }
.LBB2_14:
0x187: {  	s21 =	sadd.s32 $0x28, s19  }
0x188: {  	[sflag:s30] =	ssyncadd.s32 $0xFFFFF600;
	s22 =	smov.u32 s20;
	s23 =	sadd.s32 $0x140, s20  }
0x189: {  	[tilespmem:s11], [sflag:$0x2] =	stream.indirect.gather [hbm4b:s6+s0], $0x40, s21, s0, $0xb8;
	[tilespmem:$0x154A0] =	vst v63  }
0x18a: {  	p1 =	sne.s32 s20, $0x99C0;
	_ =	swait.ge [sflag:s31], $0xA00  }
0x18b: {  	[sflag:s31] =	ssyncset.done $0x0  }
0x18c: {  	s20 =	sadd.s32 $0x2710, s19;
	[sflag:s31] =	ssyncadd.s32 $0xFFFFF600  }
0x18d: {  	[spmem:s1] =	stream.indirect.scatter.add.f32 [tilespmem:s10], [sflag:$0x3], $0x40, s20, s0, $0xb8;
	[tilespmem:$0x154A0] =	vst v63  }
0x18e: {  	_ =	swait.ge [sflag:s30], $0xA00  }
0x18f: {  	[sflag:s30] =	ssyncset.done $0x0  }
0x190: {  	s20 =	sadd.s32 $0x50, s19;
	[sflag:s30] =	ssyncadd.s32 $0xFFFFF600  }
0x191: {  	[tilespmem:s10], [sflag:$0x1] =	stream.indirect.gather [hbm4b:s6+s0], $0x40, s20, s0, $0xb8;
	[tilespmem:$0x154A0] =	vst v63  }
0x192: {  	_ =	swait.ge [sflag:s25], $0xA00  }
.Ltmp9:
0x193: {  	[sflag:s25] =	ssyncset.done $0x0;
	(pc) =	sbr.rel @p1 .LBB2_14-.Ltmp9, $4  }
0x194: {  	s19 =	sadd.s32 $0x2738, s19;
	[sflag:s25] =	ssyncadd.s32 $0xFFFFF600  }
0x195: {  	[spmem:s1] =	stream.indirect.scatter.add.f32 [tilespmem:s11], [sflag:$0x3], $0x40, s19, s0, $0xb8;
	[tilespmem:$0x154A0] =	vst v63  }
0x196: {  	_ =	swait.ge [sflag:s30], $0xA00  }
0x197: {  	s20 =	smov.u32 s23;
	s19 =	sshra.s32 s22, $0x2;
	[sflag:s30] =	ssyncset.done $0x0  }
0x198: {  	s20 =	sadd.s32 $0x28, s19;
	[sflag:s30] =	ssyncadd.s32 $0xFFFFF600  }
0x199: {  	[tilespmem:s11], [sflag:$0x2] =	stream.indirect.gather [hbm4b:s6+s0], $0x40, s20, s0, $0xb8;
	[tilespmem:$0x154A0] =	vst v63  }
0x19a: {  	_ =	swait.ge [sflag:s31], $0xA00  }
0x19b: {  	[sflag:s31] =	ssyncset.done $0x0  }
0x19c: {  	s21 =	sadd.s32 $0x2710, s19;
	[sflag:s31] =	ssyncadd.s32 $0xFFFFF600  }
0x19d: {  	[spmem:s1] =	stream.indirect.scatter.add.f32 [tilespmem:s10], [sflag:$0x3], $0x40, s21, s0, $0xb8;
	[tilespmem:$0x154A0] =	vst v63  }
0x19e: {  	_ =	swait.ge [sflag:s30], $0xA00  }
0x19f: {  	[sflag:s30] =	ssyncset.done $0x0  }
0x1a0: {  	s22 =	sadd.s32 $0x50, s19;
	[sflag:s30] =	ssyncadd.s32 $0xFFFFF600  }
0x1a1: {  	[tilespmem:s10], [sflag:$0x1] =	stream.indirect.gather [hbm4b:s6+s0], $0x40, s22, s0, $0xb8;
	[tilespmem:$0x154A0] =	vst v63  }
0x1a2: {  	_ =	swait.ge [sflag:s25], $0xA00  }
0x1a3: {  	[sflag:s25] =	ssyncset.done $0x0  }
0x1a4: {  	s23 =	sadd.s32 $0x2738, s19;
	[sflag:s25] =	ssyncadd.s32 $0xFFFFF600  }
0x1a5: {  	[spmem:s1] =	stream.indirect.scatter.add.f32 [tilespmem:s11], [sflag:$0x3], $0x40, s23, s0, $0xb8;
	[tilespmem:$0x154A0] =	vst v63  }
.Ltmp10:
0x1a6: {  	_ = 	snop;
	(pc) =	sbr.rel .LBB2_19-.Ltmp10, $4  }
0x1a7: {  	_ =	swait.ge [sflag:s30], $0xA00  }
0x1a8: {  	[sflag:s30] =	ssyncset.done $0x0  }
0x1a9: {  	s19 =	rddreg [dreg:$0x5];
	[sflag:s30] =	ssyncadd.s32 $0xFFFFF600  }
0x1aa: {  	[tilespmem:s11], [sflag:$0x2] =	stream.indirect.gather [hbm4b:s6+s0], $0x40, s26, s0, $0xb8;
	[tilespmem:$0x154A0] =	vst v63  }
.LBB2_16:
0x1ab: {  	[tilespmem:s10], [sflag:$0x1] =	stream.indirect.gather [hbm4b:s8+s0], $0x40, s19, s0, $0xb8;
	[tilespmem:$0x154A0] =	vst v63  }
0x1ac: {  	s20 =	simm.s32 $0x28  }
0x1ad: {  	[tilespmem:s11], [sflag:$0x2] =	stream.indirect.gather [hbm4b:s8+s0], $0x40, s20, s0, $0xb8;
	[tilespmem:$0x154A0] =	vst v63  }
0x1ae: {  	_ =	swait.ge [sflag:s31], $0xA00  }
0x1af: {  	[sflag:s31] =	ssyncset.done $0x0  }
0x1b0: {  	s21 =	simm.s32 $0x2710;
	[sflag:s31] =	ssyncadd.s32 $0xFFFFF600  }
0x1b1: {  	[spmem:s1] =	stream.indirect.scatter.add.f32 [tilespmem:s10], [sflag:$0x3], $0x40, s21, s0, $0xb8;
	[tilespmem:$0x154A0] =	vst v63  }
0x1b2: {  	_ =	swait.ge [sflag:s30], $0xA00  }
0x1b3: {  	[sflag:s30] =	ssyncset.done $0x0  }
0x1b4: {  	s22 =	simm.s32 $0x50;
	[sflag:s30] =	ssyncadd.s32 $0xFFFFF600  }
0x1b5: {  	[tilespmem:s10], [sflag:$0x1] =	stream.indirect.gather [hbm4b:s8+s0], $0x40, s22, s0, $0xb8;
	[tilespmem:$0x154A0] =	vst v63  }
0x1b6: {  	_ =	swait.ge [sflag:s25], $0xA00  }
0x1b7: {  	[sflag:s25] =	ssyncset.done $0x0  }
0x1b8: {  	s23 =	simm.s32 $0x2738;
	[sflag:s25] =	ssyncadd.s32 $0xFFFFF600  }
0x1b9: {  	[spmem:s1] =	stream.indirect.scatter.add.f32 [tilespmem:s11], [sflag:$0x3], $0x40, s23, s0, $0xb8;
	[tilespmem:$0x154A0] =	vst v63  }
0x1ba: {  	_ =	swait.ge [sflag:s30], $0xA00  }
0x1bb: {  	s19 =	simm.s32 $0x50;
	s20 =	simm.s32 $0x280;
	[sflag:s30] =	ssyncset.done $0x0  }
.LBB2_17:
0x1bc: {  	s21 =	sadd.s32 $0x28, s19  }
0x1bd: {  	[sflag:s30] =	ssyncadd.s32 $0xFFFFF600;
	s22 =	smov.u32 s20;
	s23 =	sadd.s32 $0x140, s20  }
0x1be: {  	[tilespmem:s11], [sflag:$0x2] =	stream.indirect.gather [hbm4b:s8+s0], $0x40, s21, s0, $0xb8;
	[tilespmem:$0x154A0] =	vst v63  }
0x1bf: {  	p1 =	sne.s32 s20, $0x99C0;
	_ =	swait.ge [sflag:s31], $0xA00  }
0x1c0: {  	[sflag:s31] =	ssyncset.done $0x0  }
0x1c1: {  	s20 =	sadd.s32 $0x2710, s19;
	[sflag:s31] =	ssyncadd.s32 $0xFFFFF600  }
0x1c2: {  	[spmem:s1] =	stream.indirect.scatter.add.f32 [tilespmem:s10], [sflag:$0x3], $0x40, s20, s0, $0xb8;
	[tilespmem:$0x154A0] =	vst v63  }
0x1c3: {  	_ =	swait.ge [sflag:s30], $0xA00  }
0x1c4: {  	[sflag:s30] =	ssyncset.done $0x0  }
0x1c5: {  	s20 =	sadd.s32 $0x50, s19;
	[sflag:s30] =	ssyncadd.s32 $0xFFFFF600  }
0x1c6: {  	[tilespmem:s10], [sflag:$0x1] =	stream.indirect.gather [hbm4b:s8+s0], $0x40, s20, s0, $0xb8;
	[tilespmem:$0x154A0] =	vst v63  }
0x1c7: {  	_ =	swait.ge [sflag:s25], $0xA00  }
.Ltmp11:
0x1c8: {  	[sflag:s25] =	ssyncset.done $0x0;
	(pc) =	sbr.rel @p1 .LBB2_17-.Ltmp11, $4  }
0x1c9: {  	s19 =	sadd.s32 $0x2738, s19;
	[sflag:s25] =	ssyncadd.s32 $0xFFFFF600  }
0x1ca: {  	[spmem:s1] =	stream.indirect.scatter.add.f32 [tilespmem:s11], [sflag:$0x3], $0x40, s19, s0, $0xb8;
	[tilespmem:$0x154A0] =	vst v63  }
0x1cb: {  	_ =	swait.ge [sflag:s30], $0xA00  }
0x1cc: {  	s20 =	smov.u32 s23;
	s19 =	sshra.s32 s22, $0x2;
	[sflag:s30] =	ssyncset.done $0x0  }
.Ltmp12:
0x1cd: {  	_ = 	snop;
	(pc) =	sbr.rel .LBB2_18-.Ltmp12, $1  }
0x1ce: {  	_ =	sdelay $0x3  }
.LBB2_20:
0x1cf: {  	_ =	sfence.sel $0x180000  }
0x1d0: {  	[bflag:$0x0] =	sbarrier.arrive $0xFFFF  }
0x1d1: {  	_ =	strace $0x90000047  }
0x1d2: {  	[bflag:$0x2] =	sbarrier.arrive $0xFFFF  }
0x1d3: {  	p0 =	sne.s32 s3, $0x0;
	s0 =	rddreg [dreg:$0x3]  }
0x1d4: {  	s0 =	sadd.s32 @!p0 $0x100000, s0  }
0x1d5: {  	[sflag:s0] =	ssyncadd.tile.s32 @!p0 $0x1;
	_ =	shalt  }
.Lfunc_end2:
_tile_overlayer_lowered:
.L_overlay_start_2:
0x1d6: {  	(tag) =	ssettag $0x2  }
0x1d7: {  	s0 =	rddreg [dreg:$0x0];
	s2 =	stileid.u32  }
0x1d8: {  	s1 =	rddreg [dreg:$0x1];
	p0 =	sne.s32 s2, $0x0  }
0x1d9: {  	s3 =	rddreg [dreg:$0x2];
	[bflag:$0x3] =	sbarrier.arrive $0xFFFF;
	s2 =	simm.s32 @!p0 $0x1C03  }
0x1da: {  	[timem:s3], [sflag:s2] =	dma.local @!p0 [hbm:s0], s1  }
0x1db: {  	s0 =	simm.s32 @!p0 $0x3  }
0x1dc: {  	_ =	swait.ge @!p0 [sflag:s0], s1  }
0x1dd: {  	s1 =	ssub.s32 @!p0 $0x0, s1;
	[sflag:s0] =	ssyncset.done @!p0 $0x0  }
0x1de: {  	[sflag:s0] =	ssyncadd.s32 @!p0 s1  }
0x1df: {  	[bflag:$0x3] =	sbarrier.arrive $0xFFFF  }
0x1e0: {  	_ =	shalt  }

</sc_bundles>
